<compile_context>
chip_gen: v7x
topology: tpu7x:2x2x1
jax: 0.10.2.dev20260603
libtpu: 0.0.44.dev20260713+nightly
codegen_flags: <defaults>
</compile_context>

<pallas_src>
import functools

import jax
import jax.numpy as jnp
from jax import lax
from jax.experimental import pallas as pl
from jax.experimental.pallas import tpu as pltpu
from jax.experimental.pallas import tpu_sc as plsc

N = 10000
D_IN = 128
D_MID = 256
D_FIN = 128
E = 320000

LANES = 16
NC = 2
NS = 16

EPR = 128
ROWS_PAD = 2560
E_PAD = ROWS_PAD * EPR
RPT = ROWS_PAD // NS
IDXC = 32
ACC_ROWS = 10008
NPT = N // NS
DEG_EPT = E_PAD // (NC * NS)
CNT_ROWS = 10016

BN = 2000
GRID = N // BN

_MESH = plsc.VectorSubcoreMesh(
    core_axis_name="c", subcore_axis_name="s", num_cores=NC, num_subcores=NS)


def _deg_body(dst_hbm, out_hbm, dst_v, cnt_v):
    c = lax.axis_index("c")
    s = lax.axis_index("s")
    wid = s * NC + c
    pltpu.sync_copy(dst_hbm.at[pl.ds(wid * DEG_EPT, DEG_EPT)], dst_v)
    zeros16 = jnp.zeros((LANES,), jnp.float32)
    ones16 = jnp.ones((LANES,), jnp.float32)

    def zloop(i, carry):
        cnt_v[pl.ds(i * LANES, LANES)] = zeros16
        return carry

    lax.fori_loop(0, CNT_ROWS // LANES, zloop, 0)

    def aloop(j, carry):
        idx = dst_v[pl.ds(j * LANES, LANES)]
        plsc.addupdate_scatter(cnt_v, [idx], ones16)
        return carry

    lax.fori_loop(0, DEG_EPT // LANES, aloop, 0)
    pltpu.sync_copy(cnt_v.at[pl.ds(0, N)], out_hbm.at[wid])


_deg_call = pl.kernel(
    _deg_body,
    out_type=jax.ShapeDtypeStruct((NC * NS, N), jnp.float32),
    mesh=_MESH,
    compiler_params=pltpu.CompilerParams(
        needs_layout_passes=False, use_tc_tiling_on_sc=False),
    scratch_types=[
        pltpu.VMEM((DEG_EPT,), jnp.int32),
        pltpu.VMEM((CNT_ROWS,), jnp.float32),
    ],
)


def _make_agg(d_half, dtype=jnp.bfloat16):

    def body(glo, ghi, src_hbm, dst_hbm, zeros_hbm, out_hbm,
             idx_s, idx_d, buf0, buf1, buf2, buf3, acc_sh,
             gs0, gs1, gs2, gs3, ss0, ss1, ss2, ss3):
        c = lax.axis_index("c")
        s = lax.axis_index("s")
        bufs = (buf0, buf1, buf2, buf3)
        gsems = (gs0, gs1, gs2, gs3)
        ssems = (ss0, ss1, ss2, ss3)
        pltpu.sync_copy(zeros_hbm, acc_sh.at[pl.ds(s * NPT, NPT)])
        pltpu.sync_copy(src_hbm.at[pl.ds(s * RPT, RPT)], idx_s)
        pltpu.sync_copy(dst_hbm.at[pl.ds(s * RPT, RPT)], idx_d)
        plsc.subcore_barrier()

        def gstart(j, b):
            @pl.when(c == 0)
            def _():
                pltpu.async_copy(glo.at[idx_s.at[j]], bufs[b], gsems[b])

            @pl.when(c == 1)
            def _():
                pltpu.async_copy(ghi.at[idx_s.at[j]], bufs[b], gsems[b])

        def gwait(b):
            pltpu.make_async_copy(glo.at[idx_s.at[0]], bufs[b], gsems[b]).wait()

        def sstart(j, b):
            pltpu.async_copy(bufs[b], acc_sh.at[idx_d.at[j]], ssems[b],
                             add=True)

        def swait(b):
            pltpu.make_async_copy(bufs[b], acc_sh.at[idx_d.at[0]],
                                  ssems[b]).wait()

        gstart(0, 0)
        gstart(1, 1)
        gstart(2, 2)
        gwait(0)
        sstart(0, 0)
        gstart(3, 3)
        gwait(1)
        sstart(1, 1)
        swait(0)
        gstart(4, 0)
        gwait(2)
        sstart(2, 2)
        swait(1)
        gstart(5, 1)
        gwait(3)
        sstart(3, 3)

        def group(g, carry):
            base = 4 * g
            for b in range(4):
                j = base + b
                bn = (b + 2) % 4
                swait(bn)
                gstart(j + 2, bn)
                gwait(b)
                sstart(j, b)
            return carry

        lax.fori_loop(1, RPT // 4 - 1, group, 0)
        swait(2)
        gstart(RPT - 2, 2)
        gwait(0)
        sstart(RPT - 4, 0)
        swait(3)
        gstart(RPT - 1, 3)
        gwait(1)
        sstart(RPT - 3, 1)
        gwait(2)
        sstart(RPT - 2, 2)
        gwait(3)
        sstart(RPT - 1, 3)
        for b in range(4):
            swait(b)
        plsc.subcore_barrier()
        pltpu.sync_copy(
            acc_sh.at[pl.ds(s * NPT, NPT)],
            out_hbm.at[pl.ds(s * NPT, NPT), pl.ds(c * d_half, d_half)])

    return pl.kernel(
        body,
        out_type=jax.ShapeDtypeStruct((N, 2 * d_half), dtype),
        mesh=_MESH,
        compiler_params=pltpu.CompilerParams(use_tc_tiling_on_sc=False),
        scratch_types=(
            [pltpu.VMEM((RPT, EPR), jnp.int32),
             pltpu.VMEM((RPT, EPR), jnp.int32)]
            + [pltpu.VMEM((EPR, d_half), dtype)] * 4
            + [pltpu.VMEM_SHARED((ACC_ROWS, d_half), dtype)]
            + [pltpu.SemaphoreType.DMA] * 8
        ),
    )


_agg_l1 = _make_agg(64)
_agg_l2 = _make_agg(64)


def _tc_a_body(x_ref, degp_ref, xlo_ref, xhi_ref, dinv_ref):
    deg = jnp.sum(degp_ref[...], axis=1, keepdims=True) + 1.0
    dinv = lax.rsqrt(deg)
    xs = (x_ref[...] * dinv).astype(jnp.bfloat16)
    xlo_ref[...] = xs[:, :D_IN // 2]
    xhi_ref[...] = xs[:, D_IN // 2:]
    dinv_ref[...] = dinv


_tc_a = pl.pallas_call(
    _tc_a_body,
    grid=(GRID,),
    in_specs=[
        pl.BlockSpec((BN, D_IN), lambda i: (i, 0)),
        pl.BlockSpec((BN, NC * NS), lambda i: (i, 0)),
    ],
    out_specs=[
        pl.BlockSpec((BN, D_IN // 2), lambda i: (i, 0)),
        pl.BlockSpec((BN, D_IN // 2), lambda i: (i, 0)),
        pl.BlockSpec((BN, 1), lambda i: (i, 0)),
    ],
    out_shape=[
        jax.ShapeDtypeStruct((N, D_IN // 2), jnp.bfloat16),
        jax.ShapeDtypeStruct((N, D_IN // 2), jnp.bfloat16),
        jax.ShapeDtypeStruct((N, 1), jnp.float32),
    ],
)


def _tc_b_body(accx_ref, xlo_ref, xhi_ref, dinv_ref, w1_ref, b1_ref,
               w2_ref, g2lo_ref, g2hi_ref):
    xs = jnp.concatenate([xlo_ref[...], xhi_ref[...]],
                         axis=1).astype(jnp.float32)
    dinv = dinv_ref[...]
    y = (accx_ref[...].astype(jnp.float32) + xs) * dinv
    h1 = jnp.maximum(
        jnp.dot(y, w1_ref[...], preferred_element_type=jnp.float32)
        + b1_ref[...][None, :], 0.0)
    h2 = jnp.dot(h1, w2_ref[...], preferred_element_type=jnp.float32)
    g2 = (h2 * dinv).astype(jnp.bfloat16)
    g2lo_ref[...] = g2[:, :D_FIN // 2]
    g2hi_ref[...] = g2[:, D_FIN // 2:]


_tc_b = pl.pallas_call(
    _tc_b_body,
    grid=(GRID,),
    in_specs=[
        pl.BlockSpec((BN, D_IN), lambda i: (i, 0)),
        pl.BlockSpec((BN, D_IN // 2), lambda i: (i, 0)),
        pl.BlockSpec((BN, D_IN // 2), lambda i: (i, 0)),
        pl.BlockSpec((BN, 1), lambda i: (i, 0)),
        pl.BlockSpec((D_IN, D_MID), lambda i: (0, 0)),
        pl.BlockSpec((D_MID,), lambda i: (0,)),
        pl.BlockSpec((D_MID, D_FIN), lambda i: (0, 0)),
    ],
    out_specs=[
        pl.BlockSpec((BN, D_FIN // 2), lambda i: (i, 0)),
        pl.BlockSpec((BN, D_FIN // 2), lambda i: (i, 0)),
    ],
    out_shape=[
        jax.ShapeDtypeStruct((N, D_FIN // 2), jnp.bfloat16),
        jax.ShapeDtypeStruct((N, D_FIN // 2), jnp.bfloat16),
    ],
)


def _tc_c_body(acc_ref, glo_ref, ghi_ref, dinv_ref, b2_ref, out_ref):
    g = jnp.concatenate([glo_ref[...], ghi_ref[...]],
                        axis=1).astype(jnp.float32)
    acc = acc_ref[...].astype(jnp.float32)
    out = (acc + g) * dinv_ref[...] + b2_ref[...][None, :]
    out_ref[...] = jnp.maximum(out, 0.0)


_tc_c = pl.pallas_call(
    _tc_c_body,
    grid=(GRID,),
    in_specs=[
        pl.BlockSpec((BN, D_FIN), lambda i: (i, 0)),
        pl.BlockSpec((BN, D_FIN // 2), lambda i: (i, 0)),
        pl.BlockSpec((BN, D_FIN // 2), lambda i: (i, 0)),
        pl.BlockSpec((BN, 1), lambda i: (i, 0)),
        pl.BlockSpec((D_FIN,), lambda i: (0,)),
    ],
    out_specs=pl.BlockSpec((BN, D_FIN), lambda i: (i, 0)),
    out_shape=jax.ShapeDtypeStruct((N, D_FIN), jnp.float32),
)


@jax.jit
def kernel(x, edge_index, W1, b1, W2, b2):
    src = edge_index[0]
    dst = edge_index[1]
    npad = E_PAD - E
    src_pad = jnp.concatenate([src, jnp.zeros((npad,), jnp.int32)])
    dst_pad = jnp.concatenate([dst, jnp.full((npad,), N, jnp.int32)])
    src2d = src_pad.reshape(ROWS_PAD, EPR)
    dst2d = dst_pad.reshape(ROWS_PAD, EPR)
    z = jnp.zeros((NPT, 64), jnp.bfloat16)

    degp = _deg_call(dst_pad)
    xlo, xhi, dinv = _tc_a(x, degp.T)
    acc1x = _agg_l1(xlo, xhi, src2d, dst2d, z)
    g2lo, g2hi = _tc_b(acc1x, xlo, xhi, dinv, W1, b1, W2)
    acc2 = _agg_l2(g2lo, g2hi, src2d, dst2d, z)
    return _tc_c(acc2, g2lo, g2hi, dinv, b2)

# --- scband reference (transcript-rebuilt; emitter-appended) ---
"""Pipeline reference for scband-encoder-32229434589360 (READ-ONLY COPY).

The authoritative reference and input builder live on the scoring server;
editing this copy changes nothing except your own understanding.
"""

import jax, jax.numpy as jnp
import numpy as np

N = 10000
E = 320000
D_IN = 128
D_OUT = 128


def setup_inputs(seed: int = 0) -> dict:
    key = jax.random.key(seed)
    k1, k2, k3, k4 = jax.random.split(key, 4)
    x = jax.random.normal(k1, (N, D_IN), dtype=jnp.float32)
    edge_index = jax.random.randint(k2, (2, E), 0, N, dtype=jnp.int32)
    # Encoder with k=2: GCNConv(in, 2*out) -> GCNConv(2*out, out)
    W1 = jax.random.normal(k3, (D_IN, 2 * D_OUT), dtype=jnp.float32) * 0.05
    b1 = jnp.zeros((2 * D_OUT,), dtype=jnp.float32)
    W2 = jax.random.normal(k4, (2 * D_OUT, D_OUT), dtype=jnp.float32) * 0.05
    b2 = jnp.zeros((D_OUT,), dtype=jnp.float32)
    return {"x": x, "edge_index": edge_index, "W1": W1, "b1": b1, "W2": W2, "b2": b2}


def _gcn_conv(x, W, b, src, dst, n):
    # GCNConv: out = D^{-1/2} (A + I) D^{-1/2} X W + b
    h = x @ W
    loop = jnp.arange(n, dtype=src.dtype)
    s = jnp.concatenate([src, loop])
    d = jnp.concatenate([dst, loop])
    deg = jnp.zeros((n,), dtype=h.dtype).at[d].add(1.0)
    dinv = jnp.where(deg > 0, jax.lax.rsqrt(deg), 0.0)
    norm = dinv[s] * dinv[d]
    msg = jnp.take(h, s, axis=0) * norm[:, None]
    out = jnp.zeros((n, h.shape[1]), dtype=h.dtype).at[d].add(msg)
    return out + b


def reference(x, edge_index, W1, b1, W2, b2):
    src = edge_index[0]
    dst = edge_index[1]
    n = x.shape[0]
    h = jax.nn.relu(_gcn_conv(x, W1, b1, src, dst, n))
    h = jax.nn.relu(_gcn_conv(h, W2, b2, src, dst, n))
    return h

if __name__ == "__main__":
    import jax
    _d = setup_inputs()
    print(jax.jit(kernel)(*tuple(_d.values())))

</pallas_src>

<mosaic_0001>
#map = affine_map<(d0, d1) -> (0)>
#map1 = affine_map<(d0, d1) -> (0, 0)>
module attributes {stable_mosaic.version = 14 : i64} {
  func.func @_deg_body(%arg0: i32, %arg1: i32, %arg2: memref<327680xi32, #tpu.memory_space<hbm>>, %arg3: memref<32x10000xf32, #tpu.memory_space<hbm>>, %arg4: memref<10240xi32, #tpu.memory_space<vmem>>, %arg5: memref<10016xf32, #tpu.memory_space<vmem>>) attributes {dimension_semantics = [#tpu.dimension_semantics<core_parallel>, #tpu.dimension_semantics<subcore_parallel>], iteration_bounds = array<i64: 2, 16>, scalar_prefetch = 0 : i64, scratch_operands = 2 : i64, tpu.core_type = #tpu.core_type<sc_vector_subcore>, window_params = [{transform_indices = #map}, {transform_indices = #map1}]} {
    %mul3A = arith.constant 2 : i32
    %mul3A_0 = arith.muli %arg1, %mul3A : i32
    %add3A = arith.addi %mul3A_0, %arg0 : i32
    %mul3A_1 = arith.constant 10240 : i32
    %mul3A_2 = arith.muli %add3A, %mul3A_1 : i32
    "tpu.region"() ({
      %run_scoped3A = tpu.sem_alloc : memref<!tpu.dma_semaphore, #tpu.memory_space<semaphore_mem>>
      %dma_start3A = tpu.memref_slice %arg2[%mul3A_2] : memref<327680xi32, #tpu.memory_space<hbm>> -> memref<10240xi32, #tpu.memory_space<hbm>>
      %dma_start3A_17 = tpu.memref_slice %arg2[%mul3A_2] : memref<327680xi32, #tpu.memory_space<hbm>> -> memref<10240xi32, #tpu.memory_space<hbm>>
      tpu.enqueue_dma source(%dma_start3A_17 : memref<10240xi32, #tpu.memory_space<hbm>>) target(%arg4 : memref<10240xi32, #tpu.memory_space<vmem>>) target_semaphore(%run_scoped3A : memref<!tpu.dma_semaphore, #tpu.memory_space<semaphore_mem>>)
      %dma_wait3A = tpu.memref_slice %arg2[%mul3A_2] : memref<327680xi32, #tpu.memory_space<hbm>> -> memref<10240xi32, #tpu.memory_space<hbm>>
      %dma_wait3A_18 = tpu.memref_slice %arg2[%mul3A_2] : memref<327680xi32, #tpu.memory_space<hbm>> -> memref<10240xi32, #tpu.memory_space<hbm>>
      tpu.wait_dma2 semaphore(%run_scoped3A : memref<!tpu.dma_semaphore, #tpu.memory_space<semaphore_mem>>) src(%dma_wait3A_18 : memref<10240xi32, #tpu.memory_space<hbm>>) dst(%arg4 : memref<10240xi32, #tpu.memory_space<vmem>>)
      tpu.yield
    }) : () -> ()
    %broadcast_in_dim3A = arith.constant 0.000000e+00 : f32
    %broadcast_in_dim3A_3 = vector.broadcast %broadcast_in_dim3A : f32 to vector<16xf32>
    %broadcast_in_dim3A_4 = arith.constant 1.000000e+00 : f32
    %broadcast_in_dim3A_5 = vector.broadcast %broadcast_in_dim3A_4 : f32 to vector<16xf32>
    %scan3A = arith.constant 0 : i32
    %scan3A_6 = arith.constant 0 : i32
    %scan3A_7 = arith.constant 626 : i32
    %scan3A_8 = arith.addi %scan3A_6, %scan3A_7 : i32
    %scan3A_9 = arith.constant 1 : i32
    scf.for %scan3A_17 = %scan3A_6 to %scan3A_8 step %scan3A_9  : i32 {
      %mul3A_18 = arith.constant 16 : i32
      %mul3A_19 = arith.muli %scan3A_17, %mul3A_18 : i32
      %swap3A = arith.index_cast %mul3A_19 : i32 to index
      %swap3A_20 = tpu.vector_load %arg5[%swap3A] {strides = array<i32>} : memref<10016xf32, #tpu.memory_space<vmem>>, vector<16xf32>,
      tpu.vector_store %arg5[%swap3A], %broadcast_in_dim3A_3 {strides = array<i32>} : memref<10016xf32, #tpu.memory_space<vmem>>, vector<16xf32>,
    }
    %scan3A_10 = arith.constant 626 : i32
    %scan3A_11 = arith.constant 0 : i32
    %scan3A_12 = arith.constant 0 : i32
    %scan3A_13 = arith.constant 640 : i32
    %scan3A_14 = arith.addi %scan3A_12, %scan3A_13 : i32
    %scan3A_15 = arith.constant 1 : i32
    scf.for %scan3A_17 = %scan3A_12 to %scan3A_14 step %scan3A_15  : i32 {
      %mul3A_18 = arith.constant 16 : i32
      %mul3A_19 = arith.muli %scan3A_17, %mul3A_18 : i32
      %get3A = arith.index_cast %mul3A_19 : i32 to index
      %get3A_20 = tpu.vector_load %arg4[%get3A] {strides = array<i32>} : memref<10240xi32, #tpu.memory_space<vmem>>, vector<16xi32>,
      tpu.vector_store_idx %arg5[%get3A_20], %broadcast_in_dim3A_5 {add = true} : memref<10016xf32, #tpu.memory_space<vmem>>[vector<16xi32>], vector<16xf32>,
    }
    %scan3A_16 = arith.constant 640 : i32
    "tpu.region"() ({
      %run_scoped3A = tpu.sem_alloc : memref<!tpu.dma_semaphore, #tpu.memory_space<semaphore_mem>>
      %dma_start3A = arith.constant 0 : i32
      %dma_start3A_17 = tpu.memref_slice %arg5[%dma_start3A] : memref<10016xf32, #tpu.memory_space<vmem>> -> memref<10000xf32, #tpu.memory_space<vmem>>
      %dma_start3A_18 = arith.constant 0 : i32
      %dma_start3A_19 = tpu.memref_slice %arg3[%add3A, %dma_start3A_18] : memref<32x10000xf32, #tpu.memory_space<hbm>> -> memref<1x10000xf32, #tpu.memory_space<hbm>>
      %dma_start3A_20 = tpu.memref_squeeze %dma_start3A_19 : memref<1x10000xf32, #tpu.memory_space<hbm>> -> memref<10000xf32, #tpu.memory_space<hbm>>
      %dma_start3A_21 = arith.constant 0 : i32
      %dma_start3A_22 = tpu.memref_slice %arg3[%add3A, %dma_start3A_21] : memref<32x10000xf32, #tpu.memory_space<hbm>> -> memref<1x10000xf32, #tpu.memory_space<hbm>>
      %dma_start3A_23 = tpu.memref_squeeze %dma_start3A_22 : memref<1x10000xf32, #tpu.memory_space<hbm>> -> memref<10000xf32, #tpu.memory_space<hbm>>
      %dma_start3A_24 = arith.constant 0 : i32
      %dma_start3A_25 = tpu.memref_slice %arg5[%dma_start3A_24] : memref<10016xf32, #tpu.memory_space<vmem>> -> memref<10000xf32, #tpu.memory_space<vmem>>
      tpu.enqueue_dma source(%dma_start3A_25 : memref<10000xf32, #tpu.memory_space<vmem>>) target(%dma_start3A_23 : memref<10000xf32, #tpu.memory_space<hbm>>) target_semaphore(%run_scoped3A : memref<!tpu.dma_semaphore, #tpu.memory_space<semaphore_mem>>)
      %dma_wait3A = arith.constant 0 : i32
      %dma_wait3A_26 = tpu.memref_slice %arg5[%dma_wait3A] : memref<10016xf32, #tpu.memory_space<vmem>> -> memref<10000xf32, #tpu.memory_space<vmem>>
      %dma_wait3A_27 = arith.constant 0 : i32
      %dma_wait3A_28 = tpu.memref_slice %arg3[%add3A, %dma_wait3A_27] : memref<32x10000xf32, #tpu.memory_space<hbm>> -> memref<1x10000xf32, #tpu.memory_space<hbm>>
      %dma_wait3A_29 = tpu.memref_squeeze %dma_wait3A_28 : memref<1x10000xf32, #tpu.memory_space<hbm>> -> memref<10000xf32, #tpu.memory_space<hbm>>
      %dma_wait3A_30 = arith.constant 0 : i32
      %dma_wait3A_31 = tpu.memref_slice %arg3[%add3A, %dma_wait3A_30] : memref<32x10000xf32, #tpu.memory_space<hbm>> -> memref<1x10000xf32, #tpu.memory_space<hbm>>
      %dma_wait3A_32 = tpu.memref_squeeze %dma_wait3A_31 : memref<1x10000xf32, #tpu.memory_space<hbm>> -> memref<10000xf32, #tpu.memory_space<hbm>>
      %dma_wait3A_33 = arith.constant 0 : i32
      %dma_wait3A_34 = tpu.memref_slice %arg5[%dma_wait3A_33] : memref<10016xf32, #tpu.memory_space<vmem>> -> memref<10000xf32, #tpu.memory_space<vmem>>
      tpu.wait_dma2 semaphore(%run_scoped3A : memref<!tpu.dma_semaphore, #tpu.memory_space<semaphore_mem>>) src(%dma_wait3A_34 : memref<10000xf32, #tpu.memory_space<vmem>>) dst(%dma_wait3A_32 : memref<10000xf32, #tpu.memory_space<hbm>>)
      tpu.yield
    }) : () -> ()
    return
  }
}

#map = affine_map<(d0, d1) -> (0, 0)>
module attributes {stable_mosaic.version = 14 : i64} {
  func.func @body(%arg0: i32, %arg1: i32, %arg2: memref<10000x64xbf16, #tpu.memory_space<hbm>>, %arg3: memref<10000x64xbf16, #tpu.memory_space<hbm>>, %arg4: memref<2560x128xi32, #tpu.memory_space<hbm>>, %arg5: memref<2560x128xi32, #tpu.memory_space<hbm>>, %arg6: memref<625x64xbf16, #tpu.memory_space<hbm>>, %arg7: memref<10000x128xbf16, #tpu.memory_space<hbm>>, %arg8: memref<160x128xi32, #tpu.memory_space<vmem>>, %arg9: memref<160x128xi32, #tpu.memory_space<vmem>>, %arg10: memref<128x64xbf16, #tpu.memory_space<vmem>>, %arg11: memref<128x64xbf16, #tpu.memory_space<vmem>>, %arg12: memref<128x64xbf16, #tpu.memory_space<vmem>>, %arg13: memref<128x64xbf16, #tpu.memory_space<vmem>>, %arg14: memref<10008x64xbf16, #tpu.memory_space<vmem_shared>>, %arg15: memref<!tpu.dma_semaphore, #tpu.memory_space<semaphore_mem>>, %arg16: memref<!tpu.dma_semaphore, #tpu.memory_space<semaphore_mem>>, %arg17: memref<!tpu.dma_semaphore, #tpu.memory_space<semaphore_mem>>, %arg18: memref<!tpu.dma_semaphore, #tpu.memory_space<semaphore_mem>>, %arg19: memref<!tpu.dma_semaphore, #tpu.memory_space<semaphore_mem>>, %arg20: memref<!tpu.dma_semaphore, #tpu.memory_space<semaphore_mem>>, %arg21: memref<!tpu.dma_semaphore, #tpu.memory_space<semaphore_mem>>, %arg22: memref<!tpu.dma_semaphore, #tpu.memory_space<semaphore_mem>>) attributes {dimension_semantics = [#tpu.dimension_semantics<core_parallel>, #tpu.dimension_semantics<subcore_parallel>], iteration_bounds = array<i64: 2, 16>, scalar_prefetch = 0 : i64, scratch_operands = 15 : i64, tpu.core_type = #tpu.core_type<sc_vector_subcore>, window_params = [{transform_indices = #map}, {transform_indices = #map}, {transform_indices = #map}, {transform_indices = #map}, {transform_indices = #map}, {transform_indices = #map}]} {
    %mul3A = arith.constant 625 : i32
    %mul3A_0 = arith.muli %arg1, %mul3A : i32
    "tpu.region"() ({
      %run_scoped3A = tpu.sem_alloc : memref<!tpu.dma_semaphore, #tpu.memory_space<semaphore_mem>>
      %dma_start3A_260 = arith.constant 0 : i32
      %dma_start3A_261 = tpu.memref_slice %arg14[%mul3A_0, %dma_start3A_260] : memref<10008x64xbf16, #tpu.memory_space<vmem_shared>> -> memref<625x64xbf16, #tpu.memory_space<vmem_shared>>
      tpu.enqueue_dma source(%arg6 : memref<625x64xbf16, #tpu.memory_space<hbm>>) target(%dma_start3A_261 : memref<625x64xbf16, #tpu.memory_space<vmem_shared>>) target_semaphore(%run_scoped3A : memref<!tpu.dma_semaphore, #tpu.memory_space<semaphore_mem>>)
      %dma_wait3A_262 = arith.constant 0 : i32
      %dma_wait3A_263 = tpu.memref_slice %arg14[%mul3A_0, %dma_wait3A_262] : memref<10008x64xbf16, #tpu.memory_space<vmem_shared>> -> memref<625x64xbf16, #tpu.memory_space<vmem_shared>>
      tpu.wait_dma2 semaphore(%run_scoped3A : memref<!tpu.dma_semaphore, #tpu.memory_space<semaphore_mem>>) src(%arg6 : memref<625x64xbf16, #tpu.memory_space<hbm>>) dst(%dma_wait3A_263 : memref<625x64xbf16, #tpu.memory_space<vmem_shared>>)
      tpu.yield
    }) : () -> ()
    %mul3A_1 = arith.constant 160 : i32
    %mul3A_2 = arith.muli %arg1, %mul3A_1 : i32
    "tpu.region"() ({
      %run_scoped3A = tpu.sem_alloc : memref<!tpu.dma_semaphore, #tpu.memory_space<semaphore_mem>>
      %dma_start3A_260 = arith.constant 0 : i32
      %dma_start3A_261 = tpu.memref_slice %arg4[%mul3A_2, %dma_start3A_260] : memref<2560x128xi32, #tpu.memory_space<hbm>> -> memref<160x128xi32, #tpu.memory_space<hbm>>
      %dma_start3A_262 = arith.constant 0 : i32
      %dma_start3A_263 = tpu.memref_slice %arg4[%mul3A_2, %dma_start3A_262] : memref<2560x128xi32, #tpu.memory_space<hbm>> -> memref<160x128xi32, #tpu.memory_space<hbm>>
      tpu.enqueue_dma source(%dma_start3A_263 : memref<160x128xi32, #tpu.memory_space<hbm>>) target(%arg8 : memref<160x128xi32, #tpu.memory_space<vmem>>) target_semaphore(%run_scoped3A : memref<!tpu.dma_semaphore, #tpu.memory_space<semaphore_mem>>)
      %dma_wait3A_264 = arith.constant 0 : i32
      %dma_wait3A_265 = tpu.memref_slice %arg4[%mul3A_2, %dma_wait3A_264] : memref<2560x128xi32, #tpu.memory_space<hbm>> -> memref<160x128xi32, #tpu.memory_space<hbm>>
      %dma_wait3A_266 = arith.constant 0 : i32
      %dma_wait3A_267 = tpu.memref_slice %arg4[%mul3A_2, %dma_wait3A_266] : memref<2560x128xi32, #tpu.memory_space<hbm>> -> memref<160x128xi32, #tpu.memory_space<hbm>>
      tpu.wait_dma2 semaphore(%run_scoped3A : memref<!tpu.dma_semaphore, #tpu.memory_space<semaphore_mem>>) src(%dma_wait3A_267 : memref<160x128xi32, #tpu.memory_space<hbm>>) dst(%arg8 : memref<160x128xi32, #tpu.memory_space<vmem>>)
      tpu.yield
    }) : () -> ()
    %mul3A_3 = arith.constant 160 : i32
    %mul3A_4 = arith.muli %arg1, %mul3A_3 : i32
    "tpu.region"() ({
      %run_scoped3A = tpu.sem_alloc : memref<!tpu.dma_semaphore, #tpu.memory_space<semaphore_mem>>
      %dma_start3A_260 = arith.constant 0 : i32
      %dma_start3A_261 = tpu.memref_slice %arg5[%mul3A_4, %dma_start3A_260] : memref<2560x128xi32, #tpu.memory_space<hbm>> -> memref<160x128xi32, #tpu.memory_space<hbm>>
      %dma_start3A_262 = arith.constant 0 : i32
      %dma_start3A_263 = tpu.memref_slice %arg5[%mul3A_4, %dma_start3A_262] : memref<2560x128xi32, #tpu.memory_space<hbm>> -> memref<160x128xi32, #tpu.memory_space<hbm>>
      tpu.enqueue_dma source(%dma_start3A_263 : memref<160x128xi32, #tpu.memory_space<hbm>>) target(%arg9 : memref<160x128xi32, #tpu.memory_space<vmem>>) target_semaphore(%run_scoped3A : memref<!tpu.dma_semaphore, #tpu.memory_space<semaphore_mem>>)
      %dma_wait3A_264 = arith.constant 0 : i32
      %dma_wait3A_265 = tpu.memref_slice %arg5[%mul3A_4, %dma_wait3A_264] : memref<2560x128xi32, #tpu.memory_space<hbm>> -> memref<160x128xi32, #tpu.memory_space<hbm>>
      %dma_wait3A_266 = arith.constant 0 : i32
      %dma_wait3A_267 = tpu.memref_slice %arg5[%mul3A_4, %dma_wait3A_266] : memref<2560x128xi32, #tpu.memory_space<hbm>> -> memref<160x128xi32, #tpu.memory_space<hbm>>
      tpu.wait_dma2 semaphore(%run_scoped3A : memref<!tpu.dma_semaphore, #tpu.memory_space<semaphore_mem>>) src(%dma_wait3A_267 : memref<160x128xi32, #tpu.memory_space<hbm>>) dst(%arg9 : memref<160x128xi32, #tpu.memory_space<vmem>>)
      tpu.yield
    }) : () -> ()
    %barrier3A = arith.constant 0 : index
    tpu.barrier barrier_id(%barrier3A)
    %eq3A = arith.constant 0 : i32
    %eq3A_5 = arith.cmpi eq, %arg0, %eq3A : i32
    %convert_element_type3A = arith.extui %eq3A_5 : i1 to i32
    %cond3A = arith.constant 0 : i32
    %cond3A_6 = arith.cmpi ne, %convert_element_type3A, %cond3A : i32
    scf.if %cond3A_6 {
      %dma_start3A_260 = arith.constant 0 : i32
      %dma_start3A_261 = arith.constant 0 : i32
      %dma_start3A_262 = tpu.memref_slice %arg8[%dma_start3A_260, %dma_start3A_261] : memref<160x128xi32, #tpu.memory_space<vmem>> -> memref<1x128xi32, #tpu.memory_space<vmem>>
      %dma_start3A_263 = tpu.memref_squeeze %dma_start3A_262 : memref<1x128xi32, #tpu.memory_space<vmem>> -> memref<128xi32, #tpu.memory_space<vmem>>
      %dma_start3A_264 = arith.constant 0 : i32
      %dma_start3A_265 = arith.constant 0 : i32
      %dma_start3A_266 = tpu.memref_slice %arg2[%dma_start3A_264, %dma_start3A_265] : memref<10000x64xbf16, #tpu.memory_space<hbm>> -> memref<10000x64xbf16, #tpu.memory_space<hbm>>
      tpu.enqueue_indirect_dma source(%dma_start3A_266 : memref<10000x64xbf16, #tpu.memory_space<hbm>>) target(%arg10 : memref<128x64xbf16, #tpu.memory_space<vmem>>) offsets(%dma_start3A_263 : memref<128xi32, #tpu.memory_space<vmem>>) semaphore(%arg15 : memref<!tpu.dma_semaphore, #tpu.memory_space<semaphore_mem>>)
    } else {
    }
    %eq3A_7 = arith.constant 1 : i32
    %eq3A_8 = arith.cmpi eq, %arg0, %eq3A_7 : i32
    %convert_element_type3A_9 = arith.extui %eq3A_8 : i1 to i32
    %cond3A_10 = arith.constant 0 : i32
    %cond3A_11 = arith.cmpi ne, %convert_element_type3A_9, %cond3A_10 : i32
    scf.if %cond3A_11 {
      %dma_start3A_260 = arith.constant 0 : i32
      %dma_start3A_261 = arith.constant 0 : i32
      %dma_start3A_262 = tpu.memref_slice %arg8[%dma_start3A_260, %dma_start3A_261] : memref<160x128xi32, #tpu.memory_space<vmem>> -> memref<1x128xi32, #tpu.memory_space<vmem>>
      %dma_start3A_263 = tpu.memref_squeeze %dma_start3A_262 : memref<1x128xi32, #tpu.memory_space<vmem>> -> memref<128xi32, #tpu.memory_space<vmem>>
      %dma_start3A_264 = arith.constant 0 : i32
      %dma_start3A_265 = arith.constant 0 : i32
      %dma_start3A_266 = tpu.memref_slice %arg3[%dma_start3A_264, %dma_start3A_265] : memref<10000x64xbf16, #tpu.memory_space<hbm>> -> memref<10000x64xbf16, #tpu.memory_space<hbm>>
      tpu.enqueue_indirect_dma source(%dma_start3A_266 : memref<10000x64xbf16, #tpu.memory_space<hbm>>) target(%arg10 : memref<128x64xbf16, #tpu.memory_space<vmem>>) offsets(%dma_start3A_263 : memref<128xi32, #tpu.memory_space<vmem>>) semaphore(%arg15 : memref<!tpu.dma_semaphore, #tpu.memory_space<semaphore_mem>>)
    } else {
    }
    %eq3A_12 = arith.constant 0 : i32
    %eq3A_13 = arith.cmpi eq, %arg0, %eq3A_12 : i32
    %convert_element_type3A_14 = arith.extui %eq3A_13 : i1 to i32
    %cond3A_15 = arith.constant 0 : i32
    %cond3A_16 = arith.cmpi ne, %convert_element_type3A_14, %cond3A_15 : i32
    scf.if %cond3A_16 {
      %dma_start3A_260 = arith.constant 1 : i32
      %dma_start3A_261 = arith.constant 0 : i32
      %dma_start3A_262 = tpu.memref_slice %arg8[%dma_start3A_260, %dma_start3A_261] : memref<160x128xi32, #tpu.memory_space<vmem>> -> memref<1x128xi32, #tpu.memory_space<vmem>>
      %dma_start3A_263 = tpu.memref_squeeze %dma_start3A_262 : memref<1x128xi32, #tpu.memory_space<vmem>> -> memref<128xi32, #tpu.memory_space<vmem>>
      %dma_start3A_264 = arith.constant 0 : i32
      %dma_start3A_265 = arith.constant 0 : i32
      %dma_start3A_266 = tpu.memref_slice %arg2[%dma_start3A_264, %dma_start3A_265] : memref<10000x64xbf16, #tpu.memory_space<hbm>> -> memref<10000x64xbf16, #tpu.memory_space<hbm>>
      tpu.enqueue_indirect_dma source(%dma_start3A_266 : memref<10000x64xbf16, #tpu.memory_space<hbm>>) target(%arg11 : memref<128x64xbf16, #tpu.memory_space<vmem>>) offsets(%dma_start3A_263 : memref<128xi32, #tpu.memory_space<vmem>>) semaphore(%arg16 : memref<!tpu.dma_semaphore, #tpu.memory_space<semaphore_mem>>)
    } else {
    }
    %eq3A_17 = arith.constant 1 : i32
    %eq3A_18 = arith.cmpi eq, %arg0, %eq3A_17 : i32
    %convert_element_type3A_19 = arith.extui %eq3A_18 : i1 to i32
    %cond3A_20 = arith.constant 0 : i32
    %cond3A_21 = arith.cmpi ne, %convert_element_type3A_19, %cond3A_20 : i32
    scf.if %cond3A_21 {
      %dma_start3A_260 = arith.constant 1 : i32
      %dma_start3A_261 = arith.constant 0 : i32
      %dma_start3A_262 = tpu.memref_slice %arg8[%dma_start3A_260, %dma_start3A_261] : memref<160x128xi32, #tpu.memory_space<vmem>> -> memref<1x128xi32, #tpu.memory_space<vmem>>
      %dma_start3A_263 = tpu.memref_squeeze %dma_start3A_262 : memref<1x128xi32, #tpu.memory_space<vmem>> -> memref<128xi32, #tpu.memory_space<vmem>>
      %dma_start3A_264 = arith.constant 0 : i32
      %dma_start3A_265 = arith.constant 0 : i32
      %dma_start3A_266 = tpu.memref_slice %arg3[%dma_start3A_264, %dma_start3A_265] : memref<10000x64xbf16, #tpu.memory_space<hbm>> -> memref<10000x64xbf16, #tpu.memory_space<hbm>>
      tpu.enqueue_indirect_dma source(%dma_start3A_266 : memref<10000x64xbf16, #tpu.memory_space<hbm>>) target(%arg11 : memref<128x64xbf16, #tpu.memory_space<vmem>>) offsets(%dma_start3A_263 : memref<128xi32, #tpu.memory_space<vmem>>) semaphore(%arg16 : memref<!tpu.dma_semaphore, #tpu.memory_space<semaphore_mem>>)
    } else {
    }
    %eq3A_22 = arith.constant 0 : i32
    %eq3A_23 = arith.cmpi eq, %arg0, %eq3A_22 : i32
    %convert_element_type3A_24 = arith.extui %eq3A_23 : i1 to i32
    %cond3A_25 = arith.constant 0 : i32
    %cond3A_26 = arith.cmpi ne, %convert_element_type3A_24, %cond3A_25 : i32
    scf.if %cond3A_26 {
      %dma_start3A_260 = arith.constant 2 : i32
      %dma_start3A_261 = arith.constant 0 : i32
      %dma_start3A_262 = tpu.memref_slice %arg8[%dma_start3A_260, %dma_start3A_261] : memref<160x128xi32, #tpu.memory_space<vmem>> -> memref<1x128xi32, #tpu.memory_space<vmem>>
      %dma_start3A_263 = tpu.memref_squeeze %dma_start3A_262 : memref<1x128xi32, #tpu.memory_space<vmem>> -> memref<128xi32, #tpu.memory_space<vmem>>
      %dma_start3A_264 = arith.constant 0 : i32
      %dma_start3A_265 = arith.constant 0 : i32
      %dma_start3A_266 = tpu.memref_slice %arg2[%dma_start3A_264, %dma_start3A_265] : memref<10000x64xbf16, #tpu.memory_space<hbm>> -> memref<10000x64xbf16, #tpu.memory_space<hbm>>
      tpu.enqueue_indirect_dma source(%dma_start3A_266 : memref<10000x64xbf16, #tpu.memory_space<hbm>>) target(%arg12 : memref<128x64xbf16, #tpu.memory_space<vmem>>) offsets(%dma_start3A_263 : memref<128xi32, #tpu.memory_space<vmem>>) semaphore(%arg17 : memref<!tpu.dma_semaphore, #tpu.memory_space<semaphore_mem>>)
    } else {
    }
    %eq3A_27 = arith.constant 1 : i32
    %eq3A_28 = arith.cmpi eq, %arg0, %eq3A_27 : i32
    %convert_element_type3A_29 = arith.extui %eq3A_28 : i1 to i32
    %cond3A_30 = arith.constant 0 : i32
    %cond3A_31 = arith.cmpi ne, %convert_element_type3A_29, %cond3A_30 : i32
    scf.if %cond3A_31 {
      %dma_start3A_260 = arith.constant 2 : i32
      %dma_start3A_261 = arith.constant 0 : i32
      %dma_start3A_262 = tpu.memref_slice %arg8[%dma_start3A_260, %dma_start3A_261] : memref<160x128xi32, #tpu.memory_space<vmem>> -> memref<1x128xi32, #tpu.memory_space<vmem>>
      %dma_start3A_263 = tpu.memref_squeeze %dma_start3A_262 : memref<1x128xi32, #tpu.memory_space<vmem>> -> memref<128xi32, #tpu.memory_space<vmem>>
      %dma_start3A_264 = arith.constant 0 : i32
      %dma_start3A_265 = arith.constant 0 : i32
      %dma_start3A_266 = tpu.memref_slice %arg3[%dma_start3A_264, %dma_start3A_265] : memref<10000x64xbf16, #tpu.memory_space<hbm>> -> memref<10000x64xbf16, #tpu.memory_space<hbm>>
      tpu.enqueue_indirect_dma source(%dma_start3A_266 : memref<10000x64xbf16, #tpu.memory_space<hbm>>) target(%arg12 : memref<128x64xbf16, #tpu.memory_space<vmem>>) offsets(%dma_start3A_263 : memref<128xi32, #tpu.memory_space<vmem>>) semaphore(%arg17 : memref<!tpu.dma_semaphore, #tpu.memory_space<semaphore_mem>>)
    } else {
    }
    %dma_wait3A = arith.constant 0 : i32
    %dma_wait3A_32 = arith.constant 0 : i32
    %dma_wait3A_33 = tpu.memref_slice %arg8[%dma_wait3A, %dma_wait3A_32] : memref<160x128xi32, #tpu.memory_space<vmem>> -> memref<1x128xi32, #tpu.memory_space<vmem>>
    %dma_wait3A_34 = tpu.memref_squeeze %dma_wait3A_33 : memref<1x128xi32, #tpu.memory_space<vmem>> -> memref<128xi32, #tpu.memory_space<vmem>>
    %dma_wait3A_35 = arith.constant 0 : i32
    %dma_wait3A_36 = arith.constant 0 : i32
    %dma_wait3A_37 = tpu.memref_slice %arg2[%dma_wait3A_35, %dma_wait3A_36] : memref<10000x64xbf16, #tpu.memory_space<hbm>> -> memref<10000x64xbf16, #tpu.memory_space<hbm>>
    tpu.wait_indirect_dma semaphore(%arg15 : memref<!tpu.dma_semaphore, #tpu.memory_space<semaphore_mem>>) src(%dma_wait3A_37 : memref<10000x64xbf16, #tpu.memory_space<hbm>>) dst(%arg10 : memref<128x64xbf16, #tpu.memory_space<vmem>>)
    %dma_start3A = arith.constant 0 : i32
    %dma_start3A_38 = arith.constant 0 : i32
    %dma_start3A_39 = tpu.memref_slice %arg9[%dma_start3A, %dma_start3A_38] : memref<160x128xi32, #tpu.memory_space<vmem>> -> memref<1x128xi32, #tpu.memory_space<vmem>>
    %dma_start3A_40 = tpu.memref_squeeze %dma_start3A_39 : memref<1x128xi32, #tpu.memory_space<vmem>> -> memref<128xi32, #tpu.memory_space<vmem>>
    %dma_start3A_41 = arith.constant 0 : i32
    %dma_start3A_42 = arith.constant 0 : i32
    %dma_start3A_43 = tpu.memref_slice %arg14[%dma_start3A_41, %dma_start3A_42] : memref<10008x64xbf16, #tpu.memory_space<vmem_shared>> -> memref<10008x64xbf16, #tpu.memory_space<vmem_shared>>
    tpu.enqueue_indirect_dma source(%arg10 : memref<128x64xbf16, #tpu.memory_space<vmem>>) target(%dma_start3A_43 : memref<10008x64xbf16, #tpu.memory_space<vmem_shared>>) offsets(%dma_start3A_40 : memref<128xi32, #tpu.memory_space<vmem>>) semaphore(%arg19 : memref<!tpu.dma_semaphore, #tpu.memory_space<semaphore_mem>>) {add = true}
    %eq3A_44 = arith.constant 0 : i32
    %eq3A_45 = arith.cmpi eq, %arg0, %eq3A_44 : i32
    %convert_element_type3A_46 = arith.extui %eq3A_45 : i1 to i32
    %cond3A_47 = arith.constant 0 : i32
    %cond3A_48 = arith.cmpi ne, %convert_element_type3A_46, %cond3A_47 : i32
    scf.if %cond3A_48 {
      %dma_start3A_260 = arith.constant 3 : i32
      %dma_start3A_261 = arith.constant 0 : i32
      %dma_start3A_262 = tpu.memref_slice %arg8[%dma_start3A_260, %dma_start3A_261] : memref<160x128xi32, #tpu.memory_space<vmem>> -> memref<1x128xi32, #tpu.memory_space<vmem>>
      %dma_start3A_263 = tpu.memref_squeeze %dma_start3A_262 : memref<1x128xi32, #tpu.memory_space<vmem>> -> memref<128xi32, #tpu.memory_space<vmem>>
      %dma_start3A_264 = arith.constant 0 : i32
      %dma_start3A_265 = arith.constant 0 : i32
      %dma_start3A_266 = tpu.memref_slice %arg2[%dma_start3A_264, %dma_start3A_265] : memref<10000x64xbf16, #tpu.memory_space<hbm>> -> memref<10000x64xbf16, #tpu.memory_space<hbm>>
      tpu.enqueue_indirect_dma source(%dma_start3A_266 : memref<10000x64xbf16, #tpu.memory_space<hbm>>) target(%arg13 : memref<128x64xbf16, #tpu.memory_space<vmem>>) offsets(%dma_start3A_263 : memref<128xi32, #tpu.memory_space<vmem>>) semaphore(%arg18 : memref<!tpu.dma_semaphore, #tpu.memory_space<semaphore_mem>>)
    } else {
    }
    %eq3A_49 = arith.constant 1 : i32
    %eq3A_50 = arith.cmpi eq, %arg0, %eq3A_49 : i32
    %convert_element_type3A_51 = arith.extui %eq3A_50 : i1 to i32
    %cond3A_52 = arith.constant 0 : i32
    %cond3A_53 = arith.cmpi ne, %convert_element_type3A_51, %cond3A_52 : i32
    scf.if %cond3A_53 {
      %dma_start3A_260 = arith.constant 3 : i32
      %dma_start3A_261 = arith.constant 0 : i32
      %dma_start3A_262 = tpu.memref_slice %arg8[%dma_start3A_260, %dma_start3A_261] : memref<160x128xi32, #tpu.memory_space<vmem>> -> memref<1x128xi32, #tpu.memory_space<vmem>>
      %dma_start3A_263 = tpu.memref_squeeze %dma_start3A_262 : memref<1x128xi32, #tpu.memory_space<vmem>> -> memref<128xi32, #tpu.memory_space<vmem>>
      %dma_start3A_264 = arith.constant 0 : i32
      %dma_start3A_265 = arith.constant 0 : i32
      %dma_start3A_266 = tpu.memref_slice %arg3[%dma_start3A_264, %dma_start3A_265] : memref<10000x64xbf16, #tpu.memory_space<hbm>> -> memref<10000x64xbf16, #tpu.memory_space<hbm>>
      tpu.enqueue_indirect_dma source(%dma_start3A_266 : memref<10000x64xbf16, #tpu.memory_space<hbm>>) target(%arg13 : memref<128x64xbf16, #tpu.memory_space<vmem>>) offsets(%dma_start3A_263 : memref<128xi32, #tpu.memory_space<vmem>>) semaphore(%arg18 : memref<!tpu.dma_semaphore, #tpu.memory_space<semaphore_mem>>)
    } else {
    }
    %dma_wait3A_54 = arith.constant 0 : i32
    %dma_wait3A_55 = arith.constant 0 : i32
    %dma_wait3A_56 = tpu.memref_slice %arg8[%dma_wait3A_54, %dma_wait3A_55] : memref<160x128xi32, #tpu.memory_space<vmem>> -> memref<1x128xi32, #tpu.memory_space<vmem>>
    %dma_wait3A_57 = tpu.memref_squeeze %dma_wait3A_56 : memref<1x128xi32, #tpu.memory_space<vmem>> -> memref<128xi32, #tpu.memory_space<vmem>>
    %dma_wait3A_58 = arith.constant 0 : i32
    %dma_wait3A_59 = arith.constant 0 : i32
    %dma_wait3A_60 = tpu.memref_slice %arg2[%dma_wait3A_58, %dma_wait3A_59] : memref<10000x64xbf16, #tpu.memory_space<hbm>> -> memref<10000x64xbf16, #tpu.memory_space<hbm>>
    tpu.wait_indirect_dma semaphore(%arg16 : memref<!tpu.dma_semaphore, #tpu.memory_space<semaphore_mem>>) src(%dma_wait3A_60 : memref<10000x64xbf16, #tpu.memory_space<hbm>>) dst(%arg11 : memref<128x64xbf16, #tpu.memory_space<vmem>>)
    %dma_start3A_61 = arith.constant 1 : i32
    %dma_start3A_62 = arith.constant 0 : i32
    %dma_start3A_63 = tpu.memref_slice %arg9[%dma_start3A_61, %dma_start3A_62] : memref<160x128xi32, #tpu.memory_space<vmem>> -> memref<1x128xi32, #tpu.memory_space<vmem>>
    %dma_start3A_64 = tpu.memref_squeeze %dma_start3A_63 : memref<1x128xi32, #tpu.memory_space<vmem>> -> memref<128xi32, #tpu.memory_space<vmem>>
    %dma_start3A_65 = arith.constant 0 : i32
    %dma_start3A_66 = arith.constant 0 : i32
    %dma_start3A_67 = tpu.memref_slice %arg14[%dma_start3A_65, %dma_start3A_66] : memref<10008x64xbf16, #tpu.memory_space<vmem_shared>> -> memref<10008x64xbf16, #tpu.memory_space<vmem_shared>>
    tpu.enqueue_indirect_dma source(%arg11 : memref<128x64xbf16, #tpu.memory_space<vmem>>) target(%dma_start3A_67 : memref<10008x64xbf16, #tpu.memory_space<vmem_shared>>) offsets(%dma_start3A_64 : memref<128xi32, #tpu.memory_space<vmem>>) semaphore(%arg20 : memref<!tpu.dma_semaphore, #tpu.memory_space<semaphore_mem>>) {add = true}
    %dma_wait3A_68 = arith.constant 0 : i32
    %dma_wait3A_69 = arith.constant 0 : i32
    %dma_wait3A_70 = tpu.memref_slice %arg9[%dma_wait3A_68, %dma_wait3A_69] : memref<160x128xi32, #tpu.memory_space<vmem>> -> memref<1x128xi32, #tpu.memory_space<vmem>>
    %dma_wait3A_71 = tpu.memref_squeeze %dma_wait3A_70 : memref<1x128xi32, #tpu.memory_space<vmem>> -> memref<128xi32, #tpu.memory_space<vmem>>
    %dma_wait3A_72 = arith.constant 0 : i32
    %dma_wait3A_73 = arith.constant 0 : i32
    %dma_wait3A_74 = tpu.memref_slice %arg14[%dma_wait3A_72, %dma_wait3A_73] : memref<10008x64xbf16, #tpu.memory_space<vmem_shared>> -> memref<10008x64xbf16, #tpu.memory_space<vmem_shared>>
    tpu.wait_indirect_dma semaphore(%arg19 : memref<!tpu.dma_semaphore, #tpu.memory_space<semaphore_mem>>) src(%arg10 : memref<128x64xbf16, #tpu.memory_space<vmem>>) dst(%dma_wait3A_74 : memref<10008x64xbf16, #tpu.memory_space<vmem_shared>>)
    %eq3A_75 = arith.constant 0 : i32
    %eq3A_76 = arith.cmpi eq, %arg0, %eq3A_75 : i32
    %convert_element_type3A_77 = arith.extui %eq3A_76 : i1 to i32
    %cond3A_78 = arith.constant 0 : i32
    %cond3A_79 = arith.cmpi ne, %convert_element_type3A_77, %cond3A_78 : i32
    scf.if %cond3A_79 {
      %dma_start3A_260 = arith.constant 4 : i32
      %dma_start3A_261 = arith.constant 0 : i32
      %dma_start3A_262 = tpu.memref_slice %arg8[%dma_start3A_260, %dma_start3A_261] : memref<160x128xi32, #tpu.memory_space<vmem>> -> memref<1x128xi32, #tpu.memory_space<vmem>>
      %dma_start3A_263 = tpu.memref_squeeze %dma_start3A_262 : memref<1x128xi32, #tpu.memory_space<vmem>> -> memref<128xi32, #tpu.memory_space<vmem>>
      %dma_start3A_264 = arith.constant 0 : i32
      %dma_start3A_265 = arith.constant 0 : i32
      %dma_start3A_266 = tpu.memref_slice %arg2[%dma_start3A_264, %dma_start3A_265] : memref<10000x64xbf16, #tpu.memory_space<hbm>> -> memref<10000x64xbf16, #tpu.memory_space<hbm>>
      tpu.enqueue_indirect_dma source(%dma_start3A_266 : memref<10000x64xbf16, #tpu.memory_space<hbm>>) target(%arg10 : memref<128x64xbf16, #tpu.memory_space<vmem>>) offsets(%dma_start3A_263 : memref<128xi32, #tpu.memory_space<vmem>>) semaphore(%arg15 : memref<!tpu.dma_semaphore, #tpu.memory_space<semaphore_mem>>)
    } else {
    }
    %eq3A_80 = arith.constant 1 : i32
    %eq3A_81 = arith.cmpi eq, %arg0, %eq3A_80 : i32
    %convert_element_type3A_82 = arith.extui %eq3A_81 : i1 to i32
    %cond3A_83 = arith.constant 0 : i32
    %cond3A_84 = arith.cmpi ne, %convert_element_type3A_82, %cond3A_83 : i32
    scf.if %cond3A_84 {
      %dma_start3A_260 = arith.constant 4 : i32
      %dma_start3A_261 = arith.constant 0 : i32
      %dma_start3A_262 = tpu.memref_slice %arg8[%dma_start3A_260, %dma_start3A_261] : memref<160x128xi32, #tpu.memory_space<vmem>> -> memref<1x128xi32, #tpu.memory_space<vmem>>
      %dma_start3A_263 = tpu.memref_squeeze %dma_start3A_262 : memref<1x128xi32, #tpu.memory_space<vmem>> -> memref<128xi32, #tpu.memory_space<vmem>>
      %dma_start3A_264 = arith.constant 0 : i32
      %dma_start3A_265 = arith.constant 0 : i32
      %dma_start3A_266 = tpu.memref_slice %arg3[%dma_start3A_264, %dma_start3A_265] : memref<10000x64xbf16, #tpu.memory_space<hbm>> -> memref<10000x64xbf16, #tpu.memory_space<hbm>>
      tpu.enqueue_indirect_dma source(%dma_start3A_266 : memref<10000x64xbf16, #tpu.memory_space<hbm>>) target(%arg10 : memref<128x64xbf16, #tpu.memory_space<vmem>>) offsets(%dma_start3A_263 : memref<128xi32, #tpu.memory_space<vmem>>) semaphore(%arg15 : memref<!tpu.dma_semaphore, #tpu.memory_space<semaphore_mem>>)
    } else {
    }
    %dma_wait3A_85 = arith.constant 0 : i32
    %dma_wait3A_86 = arith.constant 0 : i32
    %dma_wait3A_87 = tpu.memref_slice %arg8[%dma_wait3A_85, %dma_wait3A_86] : memref<160x128xi32, #tpu.memory_space<vmem>> -> memref<1x128xi32, #tpu.memory_space<vmem>>
    %dma_wait3A_88 = tpu.memref_squeeze %dma_wait3A_87 : memref<1x128xi32, #tpu.memory_space<vmem>> -> memref<128xi32, #tpu.memory_space<vmem>>
    %dma_wait3A_89 = arith.constant 0 : i32
    %dma_wait3A_90 = arith.constant 0 : i32
    %dma_wait3A_91 = tpu.memref_slice %arg2[%dma_wait3A_89, %dma_wait3A_90] : memref<10000x64xbf16, #tpu.memory_space<hbm>> -> memref<10000x64xbf16, #tpu.memory_space<hbm>>
    tpu.wait_indirect_dma semaphore(%arg17 : memref<!tpu.dma_semaphore, #tpu.memory_space<semaphore_mem>>) src(%dma_wait3A_91 : memref<10000x64xbf16, #tpu.memory_space<hbm>>) dst(%arg12 : memref<128x64xbf16, #tpu.memory_space<vmem>>)
    %dma_start3A_92 = arith.constant 2 : i32
    %dma_start3A_93 = arith.constant 0 : i32
    %dma_start3A_94 = tpu.memref_slice %arg9[%dma_start3A_92, %dma_start3A_93] : memref<160x128xi32, #tpu.memory_space<vmem>> -> memref<1x128xi32, #tpu.memory_space<vmem>>
    %dma_start3A_95 = tpu.memref_squeeze %dma_start3A_94 : memref<1x128xi32, #tpu.memory_space<vmem>> -> memref<128xi32, #tpu.memory_space<vmem>>
    %dma_start3A_96 = arith.constant 0 : i32
    %dma_start3A_97 = arith.constant 0 : i32
    %dma_start3A_98 = tpu.memref_slice %arg14[%dma_start3A_96, %dma_start3A_97] : memref<10008x64xbf16, #tpu.memory_space<vmem_shared>> -> memref<10008x64xbf16, #tpu.memory_space<vmem_shared>>
    tpu.enqueue_indirect_dma source(%arg12 : memref<128x64xbf16, #tpu.memory_space<vmem>>) target(%dma_start3A_98 : memref<10008x64xbf16, #tpu.memory_space<vmem_shared>>) offsets(%dma_start3A_95 : memref<128xi32, #tpu.memory_space<vmem>>) semaphore(%arg21 : memref<!tpu.dma_semaphore, #tpu.memory_space<semaphore_mem>>) {add = true}
    %dma_wait3A_99 = arith.constant 0 : i32
    %dma_wait3A_100 = arith.constant 0 : i32
    %dma_wait3A_101 = tpu.memref_slice %arg9[%dma_wait3A_99, %dma_wait3A_100] : memref<160x128xi32, #tpu.memory_space<vmem>> -> memref<1x128xi32, #tpu.memory_space<vmem>>
    %dma_wait3A_102 = tpu.memref_squeeze %dma_wait3A_101 : memref<1x128xi32, #tpu.memory_space<vmem>> -> memref<128xi32, #tpu.memory_space<vmem>>
    %dma_wait3A_103 = arith.constant 0 : i32
    %dma_wait3A_104 = arith.constant 0 : i32
    %dma_wait3A_105 = tpu.memref_slice %arg14[%dma_wait3A_103, %dma_wait3A_104] : memref<10008x64xbf16, #tpu.memory_space<vmem_shared>> -> memref<10008x64xbf16, #tpu.memory_space<vmem_shared>>
    tpu.wait_indirect_dma semaphore(%arg20 : memref<!tpu.dma_semaphore, #tpu.memory_space<semaphore_mem>>) src(%arg11 : memref<128x64xbf16, #tpu.memory_space<vmem>>) dst(%dma_wait3A_105 : memref<10008x64xbf16, #tpu.memory_space<vmem_shared>>)
    %eq3A_106 = arith.constant 0 : i32
    %eq3A_107 = arith.cmpi eq, %arg0, %eq3A_106 : i32
    %convert_element_type3A_108 = arith.extui %eq3A_107 : i1 to i32
    %cond3A_109 = arith.constant 0 : i32
    %cond3A_110 = arith.cmpi ne, %convert_element_type3A_108, %cond3A_109 : i32
    scf.if %cond3A_110 {
      %dma_start3A_260 = arith.constant 5 : i32
      %dma_start3A_261 = arith.constant 0 : i32
      %dma_start3A_262 = tpu.memref_slice %arg8[%dma_start3A_260, %dma_start3A_261] : memref<160x128xi32, #tpu.memory_space<vmem>> -> memref<1x128xi32, #tpu.memory_space<vmem>>
      %dma_start3A_263 = tpu.memref_squeeze %dma_start3A_262 : memref<1x128xi32, #tpu.memory_space<vmem>> -> memref<128xi32, #tpu.memory_space<vmem>>
      %dma_start3A_264 = arith.constant 0 : i32
      %dma_start3A_265 = arith.constant 0 : i32
      %dma_start3A_266 = tpu.memref_slice %arg2[%dma_start3A_264, %dma_start3A_265] : memref<10000x64xbf16, #tpu.memory_space<hbm>> -> memref<10000x64xbf16, #tpu.memory_space<hbm>>
      tpu.enqueue_indirect_dma source(%dma_start3A_266 : memref<10000x64xbf16, #tpu.memory_space<hbm>>) target(%arg11 : memref<128x64xbf16, #tpu.memory_space<vmem>>) offsets(%dma_start3A_263 : memref<128xi32, #tpu.memory_space<vmem>>) semaphore(%arg16 : memref<!tpu.dma_semaphore, #tpu.memory_space<semaphore_mem>>)
    } else {
    }
    %eq3A_111 = arith.constant 1 : i32
    %eq3A_112 = arith.cmpi eq, %arg0, %eq3A_111 : i32
    %convert_element_type3A_113 = arith.extui %eq3A_112 : i1 to i32
    %cond3A_114 = arith.constant 0 : i32
    %cond3A_115 = arith.cmpi ne, %convert_element_type3A_113, %cond3A_114 : i32
    scf.if %cond3A_115 {
      %dma_start3A_260 = arith.constant 5 : i32
      %dma_start3A_261 = arith.constant 0 : i32
      %dma_start3A_262 = tpu.memref_slice %arg8[%dma_start3A_260, %dma_start3A_261] : memref<160x128xi32, #tpu.memory_space<vmem>> -> memref<1x128xi32, #tpu.memory_space<vmem>>
      %dma_start3A_263 = tpu.memref_squeeze %dma_start3A_262 : memref<1x128xi32, #tpu.memory_space<vmem>> -> memref<128xi32, #tpu.memory_space<vmem>>
      %dma_start3A_264 = arith.constant 0 : i32
      %dma_start3A_265 = arith.constant 0 : i32
      %dma_start3A_266 = tpu.memref_slice %arg3[%dma_start3A_264, %dma_start3A_265] : memref<10000x64xbf16, #tpu.memory_space<hbm>> -> memref<10000x64xbf16, #tpu.memory_space<hbm>>
      tpu.enqueue_indirect_dma source(%dma_start3A_266 : memref<10000x64xbf16, #tpu.memory_space<hbm>>) target(%arg11 : memref<128x64xbf16, #tpu.memory_space<vmem>>) offsets(%dma_start3A_263 : memref<128xi32, #tpu.memory_space<vmem>>) semaphore(%arg16 : memref<!tpu.dma_semaphore, #tpu.memory_space<semaphore_mem>>)
    } else {
    }
    %dma_wait3A_116 = arith.constant 0 : i32
    %dma_wait3A_117 = arith.constant 0 : i32
    %dma_wait3A_118 = tpu.memref_slice %arg8[%dma_wait3A_116, %dma_wait3A_117] : memref<160x128xi32, #tpu.memory_space<vmem>> -> memref<1x128xi32, #tpu.memory_space<vmem>>
    %dma_wait3A_119 = tpu.memref_squeeze %dma_wait3A_118 : memref<1x128xi32, #tpu.memory_space<vmem>> -> memref<128xi32, #tpu.memory_space<vmem>>
    %dma_wait3A_120 = arith.constant 0 : i32
    %dma_wait3A_121 = arith.constant 0 : i32
    %dma_wait3A_122 = tpu.memref_slice %arg2[%dma_wait3A_120, %dma_wait3A_121] : memref<10000x64xbf16, #tpu.memory_space<hbm>> -> memref<10000x64xbf16, #tpu.memory_space<hbm>>
    tpu.wait_indirect_dma semaphore(%arg18 : memref<!tpu.dma_semaphore, #tpu.memory_space<semaphore_mem>>) src(%dma_wait3A_122 : memref<10000x64xbf16, #tpu.memory_space<hbm>>) dst(%arg13 : memref<128x64xbf16, #tpu.memory_space<vmem>>)
    %dma_start3A_123 = arith.constant 3 : i32
    %dma_start3A_124 = arith.constant 0 : i32
    %dma_start3A_125 = tpu.memref_slice %arg9[%dma_start3A_123, %dma_start3A_124] : memref<160x128xi32, #tpu.memory_space<vmem>> -> memref<1x128xi32, #tpu.memory_space<vmem>>
    %dma_start3A_126 = tpu.memref_squeeze %dma_start3A_125 : memref<1x128xi32, #tpu.memory_space<vmem>> -> memref<128xi32, #tpu.memory_space<vmem>>
    %dma_start3A_127 = arith.constant 0 : i32
    %dma_start3A_128 = arith.constant 0 : i32
    %dma_start3A_129 = tpu.memref_slice %arg14[%dma_start3A_127, %dma_start3A_128] : memref<10008x64xbf16, #tpu.memory_space<vmem_shared>> -> memref<10008x64xbf16, #tpu.memory_space<vmem_shared>>
    tpu.enqueue_indirect_dma source(%arg13 : memref<128x64xbf16, #tpu.memory_space<vmem>>) target(%dma_start3A_129 : memref<10008x64xbf16, #tpu.memory_space<vmem_shared>>) offsets(%dma_start3A_126 : memref<128xi32, #tpu.memory_space<vmem>>) semaphore(%arg22 : memref<!tpu.dma_semaphore, #tpu.memory_space<semaphore_mem>>) {add = true}
    %scan3A = arith.constant 0 : i32
    %scan3A_130 = arith.constant 1 : i32
    %scan3A_131 = arith.constant 38 : i32
    %scan3A_132 = arith.addi %scan3A_130, %scan3A_131 : i32
    %scan3A_133 = arith.constant 1 : i32
    scf.for %scan3A_260 = %scan3A_130 to %scan3A_132 step %scan3A_133  : i32 {
      %mul3A_261 = arith.constant 4 : i32
      %mul3A_262 = arith.muli %mul3A_261, %scan3A_260 : i32
      %add3A = arith.constant 0 : i32
      %add3A_263 = arith.addi %mul3A_262, %add3A : i32
      %dma_wait3A_264 = arith.constant 0 : i32
      %dma_wait3A_265 = arith.constant 0 : i32
      %dma_wait3A_266 = tpu.memref_slice %arg9[%dma_wait3A_264, %dma_wait3A_265] : memref<160x128xi32, #tpu.memory_space<vmem>> -> memref<1x128xi32, #tpu.memory_space<vmem>>
      %dma_wait3A_267 = tpu.memref_squeeze %dma_wait3A_266 : memref<1x128xi32, #tpu.memory_space<vmem>> -> memref<128xi32, #tpu.memory_space<vmem>>
      %dma_wait3A_268 = arith.constant 0 : i32
      %dma_wait3A_269 = arith.constant 0 : i32
      %dma_wait3A_270 = tpu.memref_slice %arg14[%dma_wait3A_268, %dma_wait3A_269] : memref<10008x64xbf16, #tpu.memory_space<vmem_shared>> -> memref<10008x64xbf16, #tpu.memory_space<vmem_shared>>
      tpu.wait_indirect_dma semaphore(%arg21 : memref<!tpu.dma_semaphore, #tpu.memory_space<semaphore_mem>>) src(%arg12 : memref<128x64xbf16, #tpu.memory_space<vmem>>) dst(%dma_wait3A_270 : memref<10008x64xbf16, #tpu.memory_space<vmem_shared>>)
      %add3A_271 = arith.constant 2 : i32
      %add3A_272 = arith.addi %add3A_263, %add3A_271 : i32
      %eq3A_273 = arith.constant 0 : i32
      %eq3A_274 = arith.cmpi eq, %arg0, %eq3A_273 : i32
      %convert_element_type3A_275 = arith.extui %eq3A_274 : i1 to i32
      %cond3A_276 = arith.constant 0 : i32
      %cond3A_277 = arith.cmpi ne, %convert_element_type3A_275, %cond3A_276 : i32
      scf.if %cond3A_277 {
        %dma_start3A_398 = arith.constant 0 : i32
        %dma_start3A_399 = tpu.memref_slice %arg8[%add3A_272, %dma_start3A_398] : memref<160x128xi32, #tpu.memory_space<vmem>> -> memref<1x128xi32, #tpu.memory_space<vmem>>
        %dma_start3A_400 = tpu.memref_squeeze %dma_start3A_399 : memref<1x128xi32, #tpu.memory_space<vmem>> -> memref<128xi32, #tpu.memory_space<vmem>>
        %dma_start3A_401 = arith.constant 0 : i32
        %dma_start3A_402 = arith.constant 0 : i32
        %dma_start3A_403 = tpu.memref_slice %arg2[%dma_start3A_401, %dma_start3A_402] : memref<10000x64xbf16, #tpu.memory_space<hbm>> -> memref<10000x64xbf16, #tpu.memory_space<hbm>>
        tpu.enqueue_indirect_dma source(%dma_start3A_403 : memref<10000x64xbf16, #tpu.memory_space<hbm>>) target(%arg12 : memref<128x64xbf16, #tpu.memory_space<vmem>>) offsets(%dma_start3A_400 : memref<128xi32, #tpu.memory_space<vmem>>) semaphore(%arg17 : memref<!tpu.dma_semaphore, #tpu.memory_space<semaphore_mem>>)
      } else {
      }
      %eq3A_278 = arith.constant 1 : i32
      %eq3A_279 = arith.cmpi eq, %arg0, %eq3A_278 : i32
      %convert_element_type3A_280 = arith.extui %eq3A_279 : i1 to i32
      %cond3A_281 = arith.constant 0 : i32
      %cond3A_282 = arith.cmpi ne, %convert_element_type3A_280, %cond3A_281 : i32
      scf.if %cond3A_282 {
        %dma_start3A_398 = arith.constant 0 : i32
        %dma_start3A_399 = tpu.memref_slice %arg8[%add3A_272, %dma_start3A_398] : memref<160x128xi32, #tpu.memory_space<vmem>> -> memref<1x128xi32, #tpu.memory_space<vmem>>
        %dma_start3A_400 = tpu.memref_squeeze %dma_start3A_399 : memref<1x128xi32, #tpu.memory_space<vmem>> -> memref<128xi32, #tpu.memory_space<vmem>>
        %dma_start3A_401 = arith.constant 0 : i32
        %dma_start3A_402 = arith.constant 0 : i32
        %dma_start3A_403 = tpu.memref_slice %arg3[%dma_start3A_401, %dma_start3A_402] : memref<10000x64xbf16, #tpu.memory_space<hbm>> -> memref<10000x64xbf16, #tpu.memory_space<hbm>>
        tpu.enqueue_indirect_dma source(%dma_start3A_403 : memref<10000x64xbf16, #tpu.memory_space<hbm>>) target(%arg12 : memref<128x64xbf16, #tpu.memory_space<vmem>>) offsets(%dma_start3A_400 : memref<128xi32, #tpu.memory_space<vmem>>) semaphore(%arg17 : memref<!tpu.dma_semaphore, #tpu.memory_space<semaphore_mem>>)
      } else {
      }
      %dma_wait3A_283 = arith.constant 0 : i32
      %dma_wait3A_284 = arith.constant 0 : i32
      %dma_wait3A_285 = tpu.memref_slice %arg8[%dma_wait3A_283, %dma_wait3A_284] : memref<160x128xi32, #tpu.memory_space<vmem>> -> memref<1x128xi32, #tpu.memory_space<vmem>>
      %dma_wait3A_286 = tpu.memref_squeeze %dma_wait3A_285 : memref<1x128xi32, #tpu.memory_space<vmem>> -> memref<128xi32, #tpu.memory_space<vmem>>
      %dma_wait3A_287 = arith.constant 0 : i32
      %dma_wait3A_288 = arith.constant 0 : i32
      %dma_wait3A_289 = tpu.memref_slice %arg2[%dma_wait3A_287, %dma_wait3A_288] : memref<10000x64xbf16, #tpu.memory_space<hbm>> -> memref<10000x64xbf16, #tpu.memory_space<hbm>>
      tpu.wait_indirect_dma semaphore(%arg15 : memref<!tpu.dma_semaphore, #tpu.memory_space<semaphore_mem>>) src(%dma_wait3A_289 : memref<10000x64xbf16, #tpu.memory_space<hbm>>) dst(%arg10 : memref<128x64xbf16, #tpu.memory_space<vmem>>)
      %dma_start3A_290 = arith.constant 0 : i32
      %dma_start3A_291 = tpu.memref_slice %arg9[%add3A_263, %dma_start3A_290] : memref<160x128xi32, #tpu.memory_space<vmem>> -> memref<1x128xi32, #tpu.memory_space<vmem>>
      %dma_start3A_292 = tpu.memref_squeeze %dma_start3A_291 : memref<1x128xi32, #tpu.memory_space<vmem>> -> memref<128xi32, #tpu.memory_space<vmem>>
      %dma_start3A_293 = arith.constant 0 : i32
      %dma_start3A_294 = arith.constant 0 : i32
      %dma_start3A_295 = tpu.memref_slice %arg14[%dma_start3A_293, %dma_start3A_294] : memref<10008x64xbf16, #tpu.memory_space<vmem_shared>> -> memref<10008x64xbf16, #tpu.memory_space<vmem_shared>>
      tpu.enqueue_indirect_dma source(%arg10 : memref<128x64xbf16, #tpu.memory_space<vmem>>) target(%dma_start3A_295 : memref<10008x64xbf16, #tpu.memory_space<vmem_shared>>) offsets(%dma_start3A_292 : memref<128xi32, #tpu.memory_space<vmem>>) semaphore(%arg19 : memref<!tpu.dma_semaphore, #tpu.memory_space<semaphore_mem>>) {add = true}
      %add3A_296 = arith.constant 1 : i32
      %add3A_297 = arith.addi %mul3A_262, %add3A_296 : i32
      %dma_wait3A_298 = arith.constant 0 : i32
      %dma_wait3A_299 = arith.constant 0 : i32
      %dma_wait3A_300 = tpu.memref_slice %arg9[%dma_wait3A_298, %dma_wait3A_299] : memref<160x128xi32, #tpu.memory_space<vmem>> -> memref<1x128xi32, #tpu.memory_space<vmem>>
      %dma_wait3A_301 = tpu.memref_squeeze %dma_wait3A_300 : memref<1x128xi32, #tpu.memory_space<vmem>> -> memref<128xi32, #tpu.memory_space<vmem>>
      %dma_wait3A_302 = arith.constant 0 : i32
      %dma_wait3A_303 = arith.constant 0 : i32
      %dma_wait3A_304 = tpu.memref_slice %arg14[%dma_wait3A_302, %dma_wait3A_303] : memref<10008x64xbf16, #tpu.memory_space<vmem_shared>> -> memref<10008x64xbf16, #tpu.memory_space<vmem_shared>>
      tpu.wait_indirect_dma semaphore(%arg22 : memref<!tpu.dma_semaphore, #tpu.memory_space<semaphore_mem>>) src(%arg13 : memref<128x64xbf16, #tpu.memory_space<vmem>>) dst(%dma_wait3A_304 : memref<10008x64xbf16, #tpu.memory_space<vmem_shared>>)
      %add3A_305 = arith.constant 2 : i32
      %add3A_306 = arith.addi %add3A_297, %add3A_305 : i32
      %eq3A_307 = arith.constant 0 : i32
      %eq3A_308 = arith.cmpi eq, %arg0, %eq3A_307 : i32
      %convert_element_type3A_309 = arith.extui %eq3A_308 : i1 to i32
      %cond3A_310 = arith.constant 0 : i32
      %cond3A_311 = arith.cmpi ne, %convert_element_type3A_309, %cond3A_310 : i32
      scf.if %cond3A_311 {
        %dma_start3A_398 = arith.constant 0 : i32
        %dma_start3A_399 = tpu.memref_slice %arg8[%add3A_306, %dma_start3A_398] : memref<160x128xi32, #tpu.memory_space<vmem>> -> memref<1x128xi32, #tpu.memory_space<vmem>>
        %dma_start3A_400 = tpu.memref_squeeze %dma_start3A_399 : memref<1x128xi32, #tpu.memory_space<vmem>> -> memref<128xi32, #tpu.memory_space<vmem>>
        %dma_start3A_401 = arith.constant 0 : i32
        %dma_start3A_402 = arith.constant 0 : i32
        %dma_start3A_403 = tpu.memref_slice %arg2[%dma_start3A_401, %dma_start3A_402] : memref<10000x64xbf16, #tpu.memory_space<hbm>> -> memref<10000x64xbf16, #tpu.memory_space<hbm>>
        tpu.enqueue_indirect_dma source(%dma_start3A_403 : memref<10000x64xbf16, #tpu.memory_space<hbm>>) target(%arg13 : memref<128x64xbf16, #tpu.memory_space<vmem>>) offsets(%dma_start3A_400 : memref<128xi32, #tpu.memory_space<vmem>>) semaphore(%arg18 : memref<!tpu.dma_semaphore, #tpu.memory_space<semaphore_mem>>)
      } else {
      }
      %eq3A_312 = arith.constant 1 : i32
      %eq3A_313 = arith.cmpi eq, %arg0, %eq3A_312 : i32
      %convert_element_type3A_314 = arith.extui %eq3A_313 : i1 to i32
      %cond3A_315 = arith.constant 0 : i32
      %cond3A_316 = arith.cmpi ne, %convert_element_type3A_314, %cond3A_315 : i32
      scf.if %cond3A_316 {
        %dma_start3A_398 = arith.constant 0 : i32
        %dma_start3A_399 = tpu.memref_slice %arg8[%add3A_306, %dma_start3A_398] : memref<160x128xi32, #tpu.memory_space<vmem>> -> memref<1x128xi32, #tpu.memory_space<vmem>>
        %dma_start3A_400 = tpu.memref_squeeze %dma_start3A_399 : memref<1x128xi32, #tpu.memory_space<vmem>> -> memref<128xi32, #tpu.memory_space<vmem>>
        %dma_start3A_401 = arith.constant 0 : i32
        %dma_start3A_402 = arith.constant 0 : i32
        %dma_start3A_403 = tpu.memref_slice %arg3[%dma_start3A_401, %dma_start3A_402] : memref<10000x64xbf16, #tpu.memory_space<hbm>> -> memref<10000x64xbf16, #tpu.memory_space<hbm>>
        tpu.enqueue_indirect_dma source(%dma_start3A_403 : memref<10000x64xbf16, #tpu.memory_space<hbm>>) target(%arg13 : memref<128x64xbf16, #tpu.memory_space<vmem>>) offsets(%dma_start3A_400 : memref<128xi32, #tpu.memory_space<vmem>>) semaphore(%arg18 : memref<!tpu.dma_semaphore, #tpu.memory_space<semaphore_mem>>)
      } else {
      }
      %dma_wait3A_317 = arith.constant 0 : i32
      %dma_wait3A_318 = arith.constant 0 : i32
      %dma_wait3A_319 = tpu.memref_slice %arg8[%dma_wait3A_317, %dma_wait3A_318] : memref<160x128xi32, #tpu.memory_space<vmem>> -> memref<1x128xi32, #tpu.memory_space<vmem>>
      %dma_wait3A_320 = tpu.memref_squeeze %dma_wait3A_319 : memref<1x128xi32, #tpu.memory_space<vmem>> -> memref<128xi32, #tpu.memory_space<vmem>>
      %dma_wait3A_321 = arith.constant 0 : i32
      %dma_wait3A_322 = arith.constant 0 : i32
      %dma_wait3A_323 = tpu.memref_slice %arg2[%dma_wait3A_321, %dma_wait3A_322] : memref<10000x64xbf16, #tpu.memory_space<hbm>> -> memref<10000x64xbf16, #tpu.memory_space<hbm>>
      tpu.wait_indirect_dma semaphore(%arg16 : memref<!tpu.dma_semaphore, #tpu.memory_space<semaphore_mem>>) src(%dma_wait3A_323 : memref<10000x64xbf16, #tpu.memory_space<hbm>>) dst(%arg11 : memref<128x64xbf16, #tpu.memory_space<vmem>>)
      %dma_start3A_324 = arith.constant 0 : i32
      %dma_start3A_325 = tpu.memref_slice %arg9[%add3A_297, %dma_start3A_324] : memref<160x128xi32, #tpu.memory_space<vmem>> -> memref<1x128xi32, #tpu.memory_space<vmem>>
      %dma_start3A_326 = tpu.memref_squeeze %dma_start3A_325 : memref<1x128xi32, #tpu.memory_space<vmem>> -> memref<128xi32, #tpu.memory_space<vmem>>
      %dma_start3A_327 = arith.constant 0 : i32
      %dma_start3A_328 = arith.constant 0 : i32
      %dma_start3A_329 = tpu.memref_slice %arg14[%dma_start3A_327, %dma_start3A_328] : memref<10008x64xbf16, #tpu.memory_space<vmem_shared>> -> memref<10008x64xbf16, #tpu.memory_space<vmem_shared>>
      tpu.enqueue_indirect_dma source(%arg11 : memref<128x64xbf16, #tpu.memory_space<vmem>>) target(%dma_start3A_329 : memref<10008x64xbf16, #tpu.memory_space<vmem_shared>>) offsets(%dma_start3A_326 : memref<128xi32, #tpu.memory_space<vmem>>) semaphore(%arg20 : memref<!tpu.dma_semaphore, #tpu.memory_space<semaphore_mem>>) {add = true}
      %add3A_330 = arith.constant 2 : i32
      %add3A_331 = arith.addi %mul3A_262, %add3A_330 : i32
      %dma_wait3A_332 = arith.constant 0 : i32
      %dma_wait3A_333 = arith.constant 0 : i32
      %dma_wait3A_334 = tpu.memref_slice %arg9[%dma_wait3A_332, %dma_wait3A_333] : memref<160x128xi32, #tpu.memory_space<vmem>> -> memref<1x128xi32, #tpu.memory_space<vmem>>
      %dma_wait3A_335 = tpu.memref_squeeze %dma_wait3A_334 : memref<1x128xi32, #tpu.memory_space<vmem>> -> memref<128xi32, #tpu.memory_space<vmem>>
      %dma_wait3A_336 = arith.constant 0 : i32
      %dma_wait3A_337 = arith.constant 0 : i32
      %dma_wait3A_338 = tpu.memref_slice %arg14[%dma_wait3A_336, %dma_wait3A_337] : memref<10008x64xbf16, #tpu.memory_space<vmem_shared>> -> memref<10008x64xbf16, #tpu.memory_space<vmem_shared>>
      tpu.wait_indirect_dma semaphore(%arg19 : memref<!tpu.dma_semaphore, #tpu.memory_space<semaphore_mem>>) src(%arg10 : memref<128x64xbf16, #tpu.memory_space<vmem>>) dst(%dma_wait3A_338 : memref<10008x64xbf16, #tpu.memory_space<vmem_shared>>)
      %add3A_339 = arith.constant 2 : i32
      %add3A_340 = arith.addi %add3A_331, %add3A_339 : i32
      %eq3A_341 = arith.constant 0 : i32
      %eq3A_342 = arith.cmpi eq, %arg0, %eq3A_341 : i32
      %convert_element_type3A_343 = arith.extui %eq3A_342 : i1 to i32
      %cond3A_344 = arith.constant 0 : i32
      %cond3A_345 = arith.cmpi ne, %convert_element_type3A_343, %cond3A_344 : i32
      scf.if %cond3A_345 {
        %dma_start3A_398 = arith.constant 0 : i32
        %dma_start3A_399 = tpu.memref_slice %arg8[%add3A_340, %dma_start3A_398] : memref<160x128xi32, #tpu.memory_space<vmem>> -> memref<1x128xi32, #tpu.memory_space<vmem>>
        %dma_start3A_400 = tpu.memref_squeeze %dma_start3A_399 : memref<1x128xi32, #tpu.memory_space<vmem>> -> memref<128xi32, #tpu.memory_space<vmem>>
        %dma_start3A_401 = arith.constant 0 : i32
        %dma_start3A_402 = arith.constant 0 : i32
        %dma_start3A_403 = tpu.memref_slice %arg2[%dma_start3A_401, %dma_start3A_402] : memref<10000x64xbf16, #tpu.memory_space<hbm>> -> memref<10000x64xbf16, #tpu.memory_space<hbm>>
        tpu.enqueue_indirect_dma source(%dma_start3A_403 : memref<10000x64xbf16, #tpu.memory_space<hbm>>) target(%arg10 : memref<128x64xbf16, #tpu.memory_space<vmem>>) offsets(%dma_start3A_400 : memref<128xi32, #tpu.memory_space<vmem>>) semaphore(%arg15 : memref<!tpu.dma_semaphore, #tpu.memory_space<semaphore_mem>>)
      } else {
      }
      %eq3A_346 = arith.constant 1 : i32
      %eq3A_347 = arith.cmpi eq, %arg0, %eq3A_346 : i32
      %convert_element_type3A_348 = arith.extui %eq3A_347 : i1 to i32
      %cond3A_349 = arith.constant 0 : i32
      %cond3A_350 = arith.cmpi ne, %convert_element_type3A_348, %cond3A_349 : i32
      scf.if %cond3A_350 {
        %dma_start3A_398 = arith.constant 0 : i32
        %dma_start3A_399 = tpu.memref_slice %arg8[%add3A_340, %dma_start3A_398] : memref<160x128xi32, #tpu.memory_space<vmem>> -> memref<1x128xi32, #tpu.memory_space<vmem>>
        %dma_start3A_400 = tpu.memref_squeeze %dma_start3A_399 : memref<1x128xi32, #tpu.memory_space<vmem>> -> memref<128xi32, #tpu.memory_space<vmem>>
        %dma_start3A_401 = arith.constant 0 : i32
        %dma_start3A_402 = arith.constant 0 : i32
        %dma_start3A_403 = tpu.memref_slice %arg3[%dma_start3A_401, %dma_start3A_402] : memref<10000x64xbf16, #tpu.memory_space<hbm>> -> memref<10000x64xbf16, #tpu.memory_space<hbm>>
        tpu.enqueue_indirect_dma source(%dma_start3A_403 : memref<10000x64xbf16, #tpu.memory_space<hbm>>) target(%arg10 : memref<128x64xbf16, #tpu.memory_space<vmem>>) offsets(%dma_start3A_400 : memref<128xi32, #tpu.memory_space<vmem>>) semaphore(%arg15 : memref<!tpu.dma_semaphore, #tpu.memory_space<semaphore_mem>>)
      } else {
      }
      %dma_wait3A_351 = arith.constant 0 : i32
      %dma_wait3A_352 = arith.constant 0 : i32
      %dma_wait3A_353 = tpu.memref_slice %arg8[%dma_wait3A_351, %dma_wait3A_352] : memref<160x128xi32, #tpu.memory_space<vmem>> -> memref<1x128xi32, #tpu.memory_space<vmem>>
      %dma_wait3A_354 = tpu.memref_squeeze %dma_wait3A_353 : memref<1x128xi32, #tpu.memory_space<vmem>> -> memref<128xi32, #tpu.memory_space<vmem>>
      %dma_wait3A_355 = arith.constant 0 : i32
      %dma_wait3A_356 = arith.constant 0 : i32
      %dma_wait3A_357 = tpu.memref_slice %arg2[%dma_wait3A_355, %dma_wait3A_356] : memref<10000x64xbf16, #tpu.memory_space<hbm>> -> memref<10000x64xbf16, #tpu.memory_space<hbm>>
      tpu.wait_indirect_dma semaphore(%arg17 : memref<!tpu.dma_semaphore, #tpu.memory_space<semaphore_mem>>) src(%dma_wait3A_357 : memref<10000x64xbf16, #tpu.memory_space<hbm>>) dst(%arg12 : memref<128x64xbf16, #tpu.memory_space<vmem>>)
      %dma_start3A_358 = arith.constant 0 : i32
      %dma_start3A_359 = tpu.memref_slice %arg9[%add3A_331, %dma_start3A_358] : memref<160x128xi32, #tpu.memory_space<vmem>> -> memref<1x128xi32, #tpu.memory_space<vmem>>
      %dma_start3A_360 = tpu.memref_squeeze %dma_start3A_359 : memref<1x128xi32, #tpu.memory_space<vmem>> -> memref<128xi32, #tpu.memory_space<vmem>>
      %dma_start3A_361 = arith.constant 0 : i32
      %dma_start3A_362 = arith.constant 0 : i32
      %dma_start3A_363 = tpu.memref_slice %arg14[%dma_start3A_361, %dma_start3A_362] : memref<10008x64xbf16, #tpu.memory_space<vmem_shared>> -> memref<10008x64xbf16, #tpu.memory_space<vmem_shared>>
      tpu.enqueue_indirect_dma source(%arg12 : memref<128x64xbf16, #tpu.memory_space<vmem>>) target(%dma_start3A_363 : memref<10008x64xbf16, #tpu.memory_space<vmem_shared>>) offsets(%dma_start3A_360 : memref<128xi32, #tpu.memory_space<vmem>>) semaphore(%arg21 : memref<!tpu.dma_semaphore, #tpu.memory_space<semaphore_mem>>) {add = true}
      %add3A_364 = arith.constant 3 : i32
      %add3A_365 = arith.addi %mul3A_262, %add3A_364 : i32
      %dma_wait3A_366 = arith.constant 0 : i32
      %dma_wait3A_367 = arith.constant 0 : i32
      %dma_wait3A_368 = tpu.memref_slice %arg9[%dma_wait3A_366, %dma_wait3A_367] : memref<160x128xi32, #tpu.memory_space<vmem>> -> memref<1x128xi32, #tpu.memory_space<vmem>>
      %dma_wait3A_369 = tpu.memref_squeeze %dma_wait3A_368 : memref<1x128xi32, #tpu.memory_space<vmem>> -> memref<128xi32, #tpu.memory_space<vmem>>
      %dma_wait3A_370 = arith.constant 0 : i32
      %dma_wait3A_371 = arith.constant 0 : i32
      %dma_wait3A_372 = tpu.memref_slice %arg14[%dma_wait3A_370, %dma_wait3A_371] : memref<10008x64xbf16, #tpu.memory_space<vmem_shared>> -> memref<10008x64xbf16, #tpu.memory_space<vmem_shared>>
      tpu.wait_indirect_dma semaphore(%arg20 : memref<!tpu.dma_semaphore, #tpu.memory_space<semaphore_mem>>) src(%arg11 : memref<128x64xbf16, #tpu.memory_space<vmem>>) dst(%dma_wait3A_372 : memref<10008x64xbf16, #tpu.memory_space<vmem_shared>>)
      %add3A_373 = arith.constant 2 : i32
      %add3A_374 = arith.addi %add3A_365, %add3A_373 : i32
      %eq3A_375 = arith.constant 0 : i32
      %eq3A_376 = arith.cmpi eq, %arg0, %eq3A_375 : i32
      %convert_element_type3A_377 = arith.extui %eq3A_376 : i1 to i32
      %cond3A_378 = arith.constant 0 : i32
      %cond3A_379 = arith.cmpi ne, %convert_element_type3A_377, %cond3A_378 : i32
      scf.if %cond3A_379 {
        %dma_start3A_398 = arith.constant 0 : i32
        %dma_start3A_399 = tpu.memref_slice %arg8[%add3A_374, %dma_start3A_398] : memref<160x128xi32, #tpu.memory_space<vmem>> -> memref<1x128xi32, #tpu.memory_space<vmem>>
        %dma_start3A_400 = tpu.memref_squeeze %dma_start3A_399 : memref<1x128xi32, #tpu.memory_space<vmem>> -> memref<128xi32, #tpu.memory_space<vmem>>
        %dma_start3A_401 = arith.constant 0 : i32
        %dma_start3A_402 = arith.constant 0 : i32
        %dma_start3A_403 = tpu.memref_slice %arg2[%dma_start3A_401, %dma_start3A_402] : memref<10000x64xbf16, #tpu.memory_space<hbm>> -> memref<10000x64xbf16, #tpu.memory_space<hbm>>
        tpu.enqueue_indirect_dma source(%dma_start3A_403 : memref<10000x64xbf16, #tpu.memory_space<hbm>>) target(%arg11 : memref<128x64xbf16, #tpu.memory_space<vmem>>) offsets(%dma_start3A_400 : memref<128xi32, #tpu.memory_space<vmem>>) semaphore(%arg16 : memref<!tpu.dma_semaphore, #tpu.memory_space<semaphore_mem>>)
      } else {
      }
      %eq3A_380 = arith.constant 1 : i32
      %eq3A_381 = arith.cmpi eq, %arg0, %eq3A_380 : i32
      %convert_element_type3A_382 = arith.extui %eq3A_381 : i1 to i32
      %cond3A_383 = arith.constant 0 : i32
      %cond3A_384 = arith.cmpi ne, %convert_element_type3A_382, %cond3A_383 : i32
      scf.if %cond3A_384 {
        %dma_start3A_398 = arith.constant 0 : i32
        %dma_start3A_399 = tpu.memref_slice %arg8[%add3A_374, %dma_start3A_398] : memref<160x128xi32, #tpu.memory_space<vmem>> -> memref<1x128xi32, #tpu.memory_space<vmem>>
        %dma_start3A_400 = tpu.memref_squeeze %dma_start3A_399 : memref<1x128xi32, #tpu.memory_space<vmem>> -> memref<128xi32, #tpu.memory_space<vmem>>
        %dma_start3A_401 = arith.constant 0 : i32
        %dma_start3A_402 = arith.constant 0 : i32
        %dma_start3A_403 = tpu.memref_slice %arg3[%dma_start3A_401, %dma_start3A_402] : memref<10000x64xbf16, #tpu.memory_space<hbm>> -> memref<10000x64xbf16, #tpu.memory_space<hbm>>
        tpu.enqueue_indirect_dma source(%dma_start3A_403 : memref<10000x64xbf16, #tpu.memory_space<hbm>>) target(%arg11 : memref<128x64xbf16, #tpu.memory_space<vmem>>) offsets(%dma_start3A_400 : memref<128xi32, #tpu.memory_space<vmem>>) semaphore(%arg16 : memref<!tpu.dma_semaphore, #tpu.memory_space<semaphore_mem>>)
      } else {
      }
      %dma_wait3A_385 = arith.constant 0 : i32
      %dma_wait3A_386 = arith.constant 0 : i32
      %dma_wait3A_387 = tpu.memref_slice %arg8[%dma_wait3A_385, %dma_wait3A_386] : memref<160x128xi32, #tpu.memory_space<vmem>> -> memref<1x128xi32, #tpu.memory_space<vmem>>
      %dma_wait3A_388 = tpu.memref_squeeze %dma_wait3A_387 : memref<1x128xi32, #tpu.memory_space<vmem>> -> memref<128xi32, #tpu.memory_space<vmem>>
      %dma_wait3A_389 = arith.constant 0 : i32
      %dma_wait3A_390 = arith.constant 0 : i32
      %dma_wait3A_391 = tpu.memref_slice %arg2[%dma_wait3A_389, %dma_wait3A_390] : memref<10000x64xbf16, #tpu.memory_space<hbm>> -> memref<10000x64xbf16, #tpu.memory_space<hbm>>
      tpu.wait_indirect_dma semaphore(%arg18 : memref<!tpu.dma_semaphore, #tpu.memory_space<semaphore_mem>>) src(%dma_wait3A_391 : memref<10000x64xbf16, #tpu.memory_space<hbm>>) dst(%arg13 : memref<128x64xbf16, #tpu.memory_space<vmem>>)
      %dma_start3A_392 = arith.constant 0 : i32
      %dma_start3A_393 = tpu.memref_slice %arg9[%add3A_365, %dma_start3A_392] : memref<160x128xi32, #tpu.memory_space<vmem>> -> memref<1x128xi32, #tpu.memory_space<vmem>>
      %dma_start3A_394 = tpu.memref_squeeze %dma_start3A_393 : memref<1x128xi32, #tpu.memory_space<vmem>> -> memref<128xi32, #tpu.memory_space<vmem>>
      %dma_start3A_395 = arith.constant 0 : i32
      %dma_start3A_396 = arith.constant 0 : i32
      %dma_start3A_397 = tpu.memref_slice %arg14[%dma_start3A_395, %dma_start3A_396] : memref<10008x64xbf16, #tpu.memory_space<vmem_shared>> -> memref<10008x64xbf16, #tpu.memory_space<vmem_shared>>
      tpu.enqueue_indirect_dma source(%arg13 : memref<128x64xbf16, #tpu.memory_space<vmem>>) target(%dma_start3A_397 : memref<10008x64xbf16, #tpu.memory_space<vmem_shared>>) offsets(%dma_start3A_394 : memref<128xi32, #tpu.memory_space<vmem>>) semaphore(%arg22 : memref<!tpu.dma_semaphore, #tpu.memory_space<semaphore_mem>>) {add = true}
    }
    %scan3A_134 = arith.constant 38 : i32
    %dma_wait3A_135 = arith.constant 0 : i32
    %dma_wait3A_136 = arith.constant 0 : i32
    %dma_wait3A_137 = tpu.memref_slice %arg9[%dma_wait3A_135, %dma_wait3A_136] : memref<160x128xi32, #tpu.memory_space<vmem>> -> memref<1x128xi32, #tpu.memory_space<vmem>>
    %dma_wait3A_138 = tpu.memref_squeeze %dma_wait3A_137 : memref<1x128xi32, #tpu.memory_space<vmem>> -> memref<128xi32, #tpu.memory_space<vmem>>
    %dma_wait3A_139 = arith.constant 0 : i32
    %dma_wait3A_140 = arith.constant 0 : i32
    %dma_wait3A_141 = tpu.memref_slice %arg14[%dma_wait3A_139, %dma_wait3A_140] : memref<10008x64xbf16, #tpu.memory_space<vmem_shared>> -> memref<10008x64xbf16, #tpu.memory_space<vmem_shared>>
    tpu.wait_indirect_dma semaphore(%arg21 : memref<!tpu.dma_semaphore, #tpu.memory_space<semaphore_mem>>) src(%arg12 : memref<128x64xbf16, #tpu.memory_space<vmem>>) dst(%dma_wait3A_141 : memref<10008x64xbf16, #tpu.memory_space<vmem_shared>>)
    %eq3A_142 = arith.constant 0 : i32
    %eq3A_143 = arith.cmpi eq, %arg0, %eq3A_142 : i32
    %convert_element_type3A_144 = arith.extui %eq3A_143 : i1 to i32
    %cond3A_145 = arith.constant 0 : i32
    %cond3A_146 = arith.cmpi ne, %convert_element_type3A_144, %cond3A_145 : i32
    scf.if %cond3A_146 {
      %dma_start3A_260 = arith.constant 158 : i32
      %dma_start3A_261 = arith.constant 0 : i32
      %dma_start3A_262 = tpu.memref_slice %arg8[%dma_start3A_260, %dma_start3A_261] : memref<160x128xi32, #tpu.memory_space<vmem>> -> memref<1x128xi32, #tpu.memory_space<vmem>>
      %dma_start3A_263 = tpu.memref_squeeze %dma_start3A_262 : memref<1x128xi32, #tpu.memory_space<vmem>> -> memref<128xi32, #tpu.memory_space<vmem>>
      %dma_start3A_264 = arith.constant 0 : i32
      %dma_start3A_265 = arith.constant 0 : i32
      %dma_start3A_266 = tpu.memref_slice %arg2[%dma_start3A_264, %dma_start3A_265] : memref<10000x64xbf16, #tpu.memory_space<hbm>> -> memref<10000x64xbf16, #tpu.memory_space<hbm>>
      tpu.enqueue_indirect_dma source(%dma_start3A_266 : memref<10000x64xbf16, #tpu.memory_space<hbm>>) target(%arg12 : memref<128x64xbf16, #tpu.memory_space<vmem>>) offsets(%dma_start3A_263 : memref<128xi32, #tpu.memory_space<vmem>>) semaphore(%arg17 : memref<!tpu.dma_semaphore, #tpu.memory_space<semaphore_mem>>)
    } else {
    }
    %eq3A_147 = arith.constant 1 : i32
    %eq3A_148 = arith.cmpi eq, %arg0, %eq3A_147 : i32
    %convert_element_type3A_149 = arith.extui %eq3A_148 : i1 to i32
    %cond3A_150 = arith.constant 0 : i32
    %cond3A_151 = arith.cmpi ne, %convert_element_type3A_149, %cond3A_150 : i32
    scf.if %cond3A_151 {
      %dma_start3A_260 = arith.constant 158 : i32
      %dma_start3A_261 = arith.constant 0 : i32
      %dma_start3A_262 = tpu.memref_slice %arg8[%dma_start3A_260, %dma_start3A_261] : memref<160x128xi32, #tpu.memory_space<vmem>> -> memref<1x128xi32, #tpu.memory_space<vmem>>
      %dma_start3A_263 = tpu.memref_squeeze %dma_start3A_262 : memref<1x128xi32, #tpu.memory_space<vmem>> -> memref<128xi32, #tpu.memory_space<vmem>>
      %dma_start3A_264 = arith.constant 0 : i32
      %dma_start3A_265 = arith.constant 0 : i32
      %dma_start3A_266 = tpu.memref_slice %arg3[%dma_start3A_264, %dma_start3A_265] : memref<10000x64xbf16, #tpu.memory_space<hbm>> -> memref<10000x64xbf16, #tpu.memory_space<hbm>>
      tpu.enqueue_indirect_dma source(%dma_start3A_266 : memref<10000x64xbf16, #tpu.memory_space<hbm>>) target(%arg12 : memref<128x64xbf16, #tpu.memory_space<vmem>>) offsets(%dma_start3A_263 : memref<128xi32, #tpu.memory_space<vmem>>) semaphore(%arg17 : memref<!tpu.dma_semaphore, #tpu.memory_space<semaphore_mem>>)
    } else {
    }
    %dma_wait3A_152 = arith.constant 0 : i32
    %dma_wait3A_153 = arith.constant 0 : i32
    %dma_wait3A_154 = tpu.memref_slice %arg8[%dma_wait3A_152, %dma_wait3A_153] : memref<160x128xi32, #tpu.memory_space<vmem>> -> memref<1x128xi32, #tpu.memory_space<vmem>>
    %dma_wait3A_155 = tpu.memref_squeeze %dma_wait3A_154 : memref<1x128xi32, #tpu.memory_space<vmem>> -> memref<128xi32, #tpu.memory_space<vmem>>
    %dma_wait3A_156 = arith.constant 0 : i32
    %dma_wait3A_157 = arith.constant 0 : i32
    %dma_wait3A_158 = tpu.memref_slice %arg2[%dma_wait3A_156, %dma_wait3A_157] : memref<10000x64xbf16, #tpu.memory_space<hbm>> -> memref<10000x64xbf16, #tpu.memory_space<hbm>>
    tpu.wait_indirect_dma semaphore(%arg15 : memref<!tpu.dma_semaphore, #tpu.memory_space<semaphore_mem>>) src(%dma_wait3A_158 : memref<10000x64xbf16, #tpu.memory_space<hbm>>) dst(%arg10 : memref<128x64xbf16, #tpu.memory_space<vmem>>)
    %dma_start3A_159 = arith.constant 156 : i32
    %dma_start3A_160 = arith.constant 0 : i32
    %dma_start3A_161 = tpu.memref_slice %arg9[%dma_start3A_159, %dma_start3A_160] : memref<160x128xi32, #tpu.memory_space<vmem>> -> memref<1x128xi32, #tpu.memory_space<vmem>>
    %dma_start3A_162 = tpu.memref_squeeze %dma_start3A_161 : memref<1x128xi32, #tpu.memory_space<vmem>> -> memref<128xi32, #tpu.memory_space<vmem>>
    %dma_start3A_163 = arith.constant 0 : i32
    %dma_start3A_164 = arith.constant 0 : i32
    %dma_start3A_165 = tpu.memref_slice %arg14[%dma_start3A_163, %dma_start3A_164] : memref<10008x64xbf16, #tpu.memory_space<vmem_shared>> -> memref<10008x64xbf16, #tpu.memory_space<vmem_shared>>
    tpu.enqueue_indirect_dma source(%arg10 : memref<128x64xbf16, #tpu.memory_space<vmem>>) target(%dma_start3A_165 : memref<10008x64xbf16, #tpu.memory_space<vmem_shared>>) offsets(%dma_start3A_162 : memref<128xi32, #tpu.memory_space<vmem>>) semaphore(%arg19 : memref<!tpu.dma_semaphore, #tpu.memory_space<semaphore_mem>>) {add = true}
    %dma_wait3A_166 = arith.constant 0 : i32
    %dma_wait3A_167 = arith.constant 0 : i32
    %dma_wait3A_168 = tpu.memref_slice %arg9[%dma_wait3A_166, %dma_wait3A_167] : memref<160x128xi32, #tpu.memory_space<vmem>> -> memref<1x128xi32, #tpu.memory_space<vmem>>
    %dma_wait3A_169 = tpu.memref_squeeze %dma_wait3A_168 : memref<1x128xi32, #tpu.memory_space<vmem>> -> memref<128xi32, #tpu.memory_space<vmem>>
    %dma_wait3A_170 = arith.constant 0 : i32
    %dma_wait3A_171 = arith.constant 0 : i32
    %dma_wait3A_172 = tpu.memref_slice %arg14[%dma_wait3A_170, %dma_wait3A_171] : memref<10008x64xbf16, #tpu.memory_space<vmem_shared>> -> memref<10008x64xbf16, #tpu.memory_space<vmem_shared>>
    tpu.wait_indirect_dma semaphore(%arg22 : memref<!tpu.dma_semaphore, #tpu.memory_space<semaphore_mem>>) src(%arg13 : memref<128x64xbf16, #tpu.memory_space<vmem>>) dst(%dma_wait3A_172 : memref<10008x64xbf16, #tpu.memory_space<vmem_shared>>)
    %eq3A_173 = arith.constant 0 : i32
    %eq3A_174 = arith.cmpi eq, %arg0, %eq3A_173 : i32
    %convert_element_type3A_175 = arith.extui %eq3A_174 : i1 to i32
    %cond3A_176 = arith.constant 0 : i32
    %cond3A_177 = arith.cmpi ne, %convert_element_type3A_175, %cond3A_176 : i32
    scf.if %cond3A_177 {
      %dma_start3A_260 = arith.constant 159 : i32
      %dma_start3A_261 = arith.constant 0 : i32
      %dma_start3A_262 = tpu.memref_slice %arg8[%dma_start3A_260, %dma_start3A_261] : memref<160x128xi32, #tpu.memory_space<vmem>> -> memref<1x128xi32, #tpu.memory_space<vmem>>
      %dma_start3A_263 = tpu.memref_squeeze %dma_start3A_262 : memref<1x128xi32, #tpu.memory_space<vmem>> -> memref<128xi32, #tpu.memory_space<vmem>>
      %dma_start3A_264 = arith.constant 0 : i32
      %dma_start3A_265 = arith.constant 0 : i32
      %dma_start3A_266 = tpu.memref_slice %arg2[%dma_start3A_264, %dma_start3A_265] : memref<10000x64xbf16, #tpu.memory_space<hbm>> -> memref<10000x64xbf16, #tpu.memory_space<hbm>>
      tpu.enqueue_indirect_dma source(%dma_start3A_266 : memref<10000x64xbf16, #tpu.memory_space<hbm>>) target(%arg13 : memref<128x64xbf16, #tpu.memory_space<vmem>>) offsets(%dma_start3A_263 : memref<128xi32, #tpu.memory_space<vmem>>) semaphore(%arg18 : memref<!tpu.dma_semaphore, #tpu.memory_space<semaphore_mem>>)
    } else {
    }
    %eq3A_178 = arith.constant 1 : i32
    %eq3A_179 = arith.cmpi eq, %arg0, %eq3A_178 : i32
    %convert_element_type3A_180 = arith.extui %eq3A_179 : i1 to i32
    %cond3A_181 = arith.constant 0 : i32
    %cond3A_182 = arith.cmpi ne, %convert_element_type3A_180, %cond3A_181 : i32
    scf.if %cond3A_182 {
      %dma_start3A_260 = arith.constant 159 : i32
      %dma_start3A_261 = arith.constant 0 : i32
      %dma_start3A_262 = tpu.memref_slice %arg8[%dma_start3A_260, %dma_start3A_261] : memref<160x128xi32, #tpu.memory_space<vmem>> -> memref<1x128xi32, #tpu.memory_space<vmem>>
      %dma_start3A_263 = tpu.memref_squeeze %dma_start3A_262 : memref<1x128xi32, #tpu.memory_space<vmem>> -> memref<128xi32, #tpu.memory_space<vmem>>
      %dma_start3A_264 = arith.constant 0 : i32
      %dma_start3A_265 = arith.constant 0 : i32
      %dma_start3A_266 = tpu.memref_slice %arg3[%dma_start3A_264, %dma_start3A_265] : memref<10000x64xbf16, #tpu.memory_space<hbm>> -> memref<10000x64xbf16, #tpu.memory_space<hbm>>
      tpu.enqueue_indirect_dma source(%dma_start3A_266 : memref<10000x64xbf16, #tpu.memory_space<hbm>>) target(%arg13 : memref<128x64xbf16, #tpu.memory_space<vmem>>) offsets(%dma_start3A_263 : memref<128xi32, #tpu.memory_space<vmem>>) semaphore(%arg18 : memref<!tpu.dma_semaphore, #tpu.memory_space<semaphore_mem>>)
    } else {
    }
    %dma_wait3A_183 = arith.constant 0 : i32
    %dma_wait3A_184 = arith.constant 0 : i32
    %dma_wait3A_185 = tpu.memref_slice %arg8[%dma_wait3A_183, %dma_wait3A_184] : memref<160x128xi32, #tpu.memory_space<vmem>> -> memref<1x128xi32, #tpu.memory_space<vmem>>
    %dma_wait3A_186 = tpu.memref_squeeze %dma_wait3A_185 : memref<1x128xi32, #tpu.memory_space<vmem>> -> memref<128xi32, #tpu.memory_space<vmem>>
    %dma_wait3A_187 = arith.constant 0 : i32
    %dma_wait3A_188 = arith.constant 0 : i32
    %dma_wait3A_189 = tpu.memref_slice %arg2[%dma_wait3A_187, %dma_wait3A_188] : memref<10000x64xbf16, #tpu.memory_space<hbm>> -> memref<10000x64xbf16, #tpu.memory_space<hbm>>
    tpu.wait_indirect_dma semaphore(%arg16 : memref<!tpu.dma_semaphore, #tpu.memory_space<semaphore_mem>>) src(%dma_wait3A_189 : memref<10000x64xbf16, #tpu.memory_space<hbm>>) dst(%arg11 : memref<128x64xbf16, #tpu.memory_space<vmem>>)
    %dma_start3A_190 = arith.constant 157 : i32
    %dma_start3A_191 = arith.constant 0 : i32
    %dma_start3A_192 = tpu.memref_slice %arg9[%dma_start3A_190, %dma_start3A_191] : memref<160x128xi32, #tpu.memory_space<vmem>> -> memref<1x128xi32, #tpu.memory_space<vmem>>
    %dma_start3A_193 = tpu.memref_squeeze %dma_start3A_192 : memref<1x128xi32, #tpu.memory_space<vmem>> -> memref<128xi32, #tpu.memory_space<vmem>>
    %dma_start3A_194 = arith.constant 0 : i32
    %dma_start3A_195 = arith.constant 0 : i32
    %dma_start3A_196 = tpu.memref_slice %arg14[%dma_start3A_194, %dma_start3A_195] : memref<10008x64xbf16, #tpu.memory_space<vmem_shared>> -> memref<10008x64xbf16, #tpu.memory_space<vmem_shared>>
    tpu.enqueue_indirect_dma source(%arg11 : memref<128x64xbf16, #tpu.memory_space<vmem>>) target(%dma_start3A_196 : memref<10008x64xbf16, #tpu.memory_space<vmem_shared>>) offsets(%dma_start3A_193 : memref<128xi32, #tpu.memory_space<vmem>>) semaphore(%arg20 : memref<!tpu.dma_semaphore, #tpu.memory_space<semaphore_mem>>) {add = true}
    %dma_wait3A_197 = arith.constant 0 : i32
    %dma_wait3A_198 = arith.constant 0 : i32
    %dma_wait3A_199 = tpu.memref_slice %arg8[%dma_wait3A_197, %dma_wait3A_198] : memref<160x128xi32, #tpu.memory_space<vmem>> -> memref<1x128xi32, #tpu.memory_space<vmem>>
    %dma_wait3A_200 = tpu.memref_squeeze %dma_wait3A_199 : memref<1x128xi32, #tpu.memory_space<vmem>> -> memref<128xi32, #tpu.memory_space<vmem>>
    %dma_wait3A_201 = arith.constant 0 : i32
    %dma_wait3A_202 = arith.constant 0 : i32
    %dma_wait3A_203 = tpu.memref_slice %arg2[%dma_wait3A_201, %dma_wait3A_202] : memref<10000x64xbf16, #tpu.memory_space<hbm>> -> memref<10000x64xbf16, #tpu.memory_space<hbm>>
    tpu.wait_indirect_dma semaphore(%arg17 : memref<!tpu.dma_semaphore, #tpu.memory_space<semaphore_mem>>) src(%dma_wait3A_203 : memref<10000x64xbf16, #tpu.memory_space<hbm>>) dst(%arg12 : memref<128x64xbf16, #tpu.memory_space<vmem>>)
    %dma_start3A_204 = arith.constant 158 : i32
    %dma_start3A_205 = arith.constant 0 : i32
    %dma_start3A_206 = tpu.memref_slice %arg9[%dma_start3A_204, %dma_start3A_205] : memref<160x128xi32, #tpu.memory_space<vmem>> -> memref<1x128xi32, #tpu.memory_space<vmem>>
    %dma_start3A_207 = tpu.memref_squeeze %dma_start3A_206 : memref<1x128xi32, #tpu.memory_space<vmem>> -> memref<128xi32, #tpu.memory_space<vmem>>
    %dma_start3A_208 = arith.constant 0 : i32
    %dma_start3A_209 = arith.constant 0 : i32
    %dma_start3A_210 = tpu.memref_slice %arg14[%dma_start3A_208, %dma_start3A_209] : memref<10008x64xbf16, #tpu.memory_space<vmem_shared>> -> memref<10008x64xbf16, #tpu.memory_space<vmem_shared>>
    tpu.enqueue_indirect_dma source(%arg12 : memref<128x64xbf16, #tpu.memory_space<vmem>>) target(%dma_start3A_210 : memref<10008x64xbf16, #tpu.memory_space<vmem_shared>>) offsets(%dma_start3A_207 : memref<128xi32, #tpu.memory_space<vmem>>) semaphore(%arg21 : memref<!tpu.dma_semaphore, #tpu.memory_space<semaphore_mem>>) {add = true}
    %dma_wait3A_211 = arith.constant 0 : i32
    %dma_wait3A_212 = arith.constant 0 : i32
    %dma_wait3A_213 = tpu.memref_slice %arg8[%dma_wait3A_211, %dma_wait3A_212] : memref<160x128xi32, #tpu.memory_space<vmem>> -> memref<1x128xi32, #tpu.memory_space<vmem>>
    %dma_wait3A_214 = tpu.memref_squeeze %dma_wait3A_213 : memref<1x128xi32, #tpu.memory_space<vmem>> -> memref<128xi32, #tpu.memory_space<vmem>>
    %dma_wait3A_215 = arith.constant 0 : i32
    %dma_wait3A_216 = arith.constant 0 : i32
    %dma_wait3A_217 = tpu.memref_slice %arg2[%dma_wait3A_215, %dma_wait3A_216] : memref<10000x64xbf16, #tpu.memory_space<hbm>> -> memref<10000x64xbf16, #tpu.memory_space<hbm>>
    tpu.wait_indirect_dma semaphore(%arg18 : memref<!tpu.dma_semaphore, #tpu.memory_space<semaphore_mem>>) src(%dma_wait3A_217 : memref<10000x64xbf16, #tpu.memory_space<hbm>>) dst(%arg13 : memref<128x64xbf16, #tpu.memory_space<vmem>>)
    %dma_start3A_218 = arith.constant 159 : i32
    %dma_start3A_219 = arith.constant 0 : i32
    %dma_start3A_220 = tpu.memref_slice %arg9[%dma_start3A_218, %dma_start3A_219] : memref<160x128xi32, #tpu.memory_space<vmem>> -> memref<1x128xi32, #tpu.memory_space<vmem>>
    %dma_start3A_221 = tpu.memref_squeeze %dma_start3A_220 : memref<1x128xi32, #tpu.memory_space<vmem>> -> memref<128xi32, #tpu.memory_space<vmem>>
    %dma_start3A_222 = arith.constant 0 : i32
    %dma_start3A_223 = arith.constant 0 : i32
    %dma_start3A_224 = tpu.memref_slice %arg14[%dma_start3A_222, %dma_start3A_223] : memref<10008x64xbf16, #tpu.memory_space<vmem_shared>> -> memref<10008x64xbf16, #tpu.memory_space<vmem_shared>>
    tpu.enqueue_indirect_dma source(%arg13 : memref<128x64xbf16, #tpu.memory_space<vmem>>) target(%dma_start3A_224 : memref<10008x64xbf16, #tpu.memory_space<vmem_shared>>) offsets(%dma_start3A_221 : memref<128xi32, #tpu.memory_space<vmem>>) semaphore(%arg22 : memref<!tpu.dma_semaphore, #tpu.memory_space<semaphore_mem>>) {add = true}
    %dma_wait3A_225 = arith.constant 0 : i32
    %dma_wait3A_226 = arith.constant 0 : i32
    %dma_wait3A_227 = tpu.memref_slice %arg9[%dma_wait3A_225, %dma_wait3A_226] : memref<160x128xi32, #tpu.memory_space<vmem>> -> memref<1x128xi32, #tpu.memory_space<vmem>>
    %dma_wait3A_228 = tpu.memref_squeeze %dma_wait3A_227 : memref<1x128xi32, #tpu.memory_space<vmem>> -> memref<128xi32, #tpu.memory_space<vmem>>
    %dma_wait3A_229 = arith.constant 0 : i32
    %dma_wait3A_230 = arith.constant 0 : i32
    %dma_wait3A_231 = tpu.memref_slice %arg14[%dma_wait3A_229, %dma_wait3A_230] : memref<10008x64xbf16, #tpu.memory_space<vmem_shared>> -> memref<10008x64xbf16, #tpu.memory_space<vmem_shared>>
    tpu.wait_indirect_dma semaphore(%arg19 : memref<!tpu.dma_semaphore, #tpu.memory_space<semaphore_mem>>) src(%arg10 : memref<128x64xbf16, #tpu.memory_space<vmem>>) dst(%dma_wait3A_231 : memref<10008x64xbf16, #tpu.memory_space<vmem_shared>>)
    %dma_wait3A_232 = arith.constant 0 : i32
    %dma_wait3A_233 = arith.constant 0 : i32
    %dma_wait3A_234 = tpu.memref_slice %arg9[%dma_wait3A_232, %dma_wait3A_233] : memref<160x128xi32, #tpu.memory_space<vmem>> -> memref<1x128xi32, #tpu.memory_space<vmem>>
    %dma_wait3A_235 = tpu.memref_squeeze %dma_wait3A_234 : memref<1x128xi32, #tpu.memory_space<vmem>> -> memref<128xi32, #tpu.memory_space<vmem>>
    %dma_wait3A_236 = arith.constant 0 : i32
    %dma_wait3A_237 = arith.constant 0 : i32
    %dma_wait3A_238 = tpu.memref_slice %arg14[%dma_wait3A_236, %dma_wait3A_237] : memref<10008x64xbf16, #tpu.memory_space<vmem_shared>> -> memref<10008x64xbf16, #tpu.memory_space<vmem_shared>>
    tpu.wait_indirect_dma semaphore(%arg20 : memref<!tpu.dma_semaphore, #tpu.memory_space<semaphore_mem>>) src(%arg11 : memref<128x64xbf16, #tpu.memory_space<vmem>>) dst(%dma_wait3A_238 : memref<10008x64xbf16, #tpu.memory_space<vmem_shared>>)
    %dma_wait3A_239 = arith.constant 0 : i32
    %dma_wait3A_240 = arith.constant 0 : i32
    %dma_wait3A_241 = tpu.memref_slice %arg9[%dma_wait3A_239, %dma_wait3A_240] : memref<160x128xi32, #tpu.memory_space<vmem>> -> memref<1x128xi32, #tpu.memory_space<vmem>>
    %dma_wait3A_242 = tpu.memref_squeeze %dma_wait3A_241 : memref<1x128xi32, #tpu.memory_space<vmem>> -> memref<128xi32, #tpu.memory_space<vmem>>
    %dma_wait3A_243 = arith.constant 0 : i32
    %dma_wait3A_244 = arith.constant 0 : i32
    %dma_wait3A_245 = tpu.memref_slice %arg14[%dma_wait3A_243, %dma_wait3A_244] : memref<10008x64xbf16, #tpu.memory_space<vmem_shared>> -> memref<10008x64xbf16, #tpu.memory_space<vmem_shared>>
    tpu.wait_indirect_dma semaphore(%arg21 : memref<!tpu.dma_semaphore, #tpu.memory_space<semaphore_mem>>) src(%arg12 : memref<128x64xbf16, #tpu.memory_space<vmem>>) dst(%dma_wait3A_245 : memref<10008x64xbf16, #tpu.memory_space<vmem_shared>>)
    %dma_wait3A_246 = arith.constant 0 : i32
    %dma_wait3A_247 = arith.constant 0 : i32
    %dma_wait3A_248 = tpu.memref_slice %arg9[%dma_wait3A_246, %dma_wait3A_247] : memref<160x128xi32, #tpu.memory_space<vmem>> -> memref<1x128xi32, #tpu.memory_space<vmem>>
    %dma_wait3A_249 = tpu.memref_squeeze %dma_wait3A_248 : memref<1x128xi32, #tpu.memory_space<vmem>> -> memref<128xi32, #tpu.memory_space<vmem>>
    %dma_wait3A_250 = arith.constant 0 : i32
    %dma_wait3A_251 = arith.constant 0 : i32
    %dma_wait3A_252 = tpu.memref_slice %arg14[%dma_wait3A_250, %dma_wait3A_251] : memref<10008x64xbf16, #tpu.memory_space<vmem_shared>> -> memref<10008x64xbf16, #tpu.memory_space<vmem_shared>>
    tpu.wait_indirect_dma semaphore(%arg22 : memref<!tpu.dma_semaphore, #tpu.memory_space<semaphore_mem>>) src(%arg13 : memref<128x64xbf16, #tpu.memory_space<vmem>>) dst(%dma_wait3A_252 : memref<10008x64xbf16, #tpu.memory_space<vmem_shared>>)
    %barrier3A_253 = arith.constant 0 : index
    tpu.barrier barrier_id(%barrier3A_253)
    %mul3A_254 = arith.constant 625 : i32
    %mul3A_255 = arith.muli %arg1, %mul3A_254 : i32
    %mul3A_256 = arith.constant 625 : i32
    %mul3A_257 = arith.muli %arg1, %mul3A_256 : i32
    %mul3A_258 = arith.constant 64 : i32
    %mul3A_259 = arith.muli %arg0, %mul3A_258 : i32
    "tpu.region"() ({
      %run_scoped3A = tpu.sem_alloc : memref<!tpu.dma_semaphore, #tpu.memory_space<semaphore_mem>>
      %dma_start3A_260 = tpu.memref_slice %arg7[%mul3A_257, %mul3A_259] : memref<10000x128xbf16, #tpu.memory_space<hbm>> -> memref<625x64xbf16, #tpu.memory_space<hbm>>
      %dma_start3A_261 = arith.constant 0 : i32
      %dma_start3A_262 = tpu.memref_slice %arg14[%mul3A_255, %dma_start3A_261] : memref<10008x64xbf16, #tpu.memory_space<vmem_shared>> -> memref<625x64xbf16, #tpu.memory_space<vmem_shared>>
      tpu.enqueue_dma source(%dma_start3A_262 : memref<625x64xbf16, #tpu.memory_space<vmem_shared>>) target(%dma_start3A_260 : memref<625x64xbf16, #tpu.memory_space<hbm>>) target_semaphore(%run_scoped3A : memref<!tpu.dma_semaphore, #tpu.memory_space<semaphore_mem>>)
      %dma_wait3A_263 = tpu.memref_slice %arg7[%mul3A_257, %mul3A_259] : memref<10000x128xbf16, #tpu.memory_space<hbm>> -> memref<625x64xbf16, #tpu.memory_space<hbm>>
      %dma_wait3A_264 = arith.constant 0 : i32
      %dma_wait3A_265 = tpu.memref_slice %arg14[%mul3A_255, %dma_wait3A_264] : memref<10008x64xbf16, #tpu.memory_space<vmem_shared>> -> memref<625x64xbf16, #tpu.memory_space<vmem_shared>>
      tpu.wait_dma2 semaphore(%run_scoped3A : memref<!tpu.dma_semaphore, #tpu.memory_space<semaphore_mem>>) src(%dma_wait3A_265 : memref<625x64xbf16, #tpu.memory_space<vmem_shared>>) dst(%dma_wait3A_263 : memref<625x64xbf16, #tpu.memory_space<hbm>>)
      tpu.yield
    }) : () -> ()
    return
  }
}

#map = affine_map<(d0, d1) -> (0, 0)>
module attributes {stable_mosaic.version = 14 : i64} {
  func.func @body(%arg0: i32, %arg1: i32, %arg2: memref<10000x64xbf16, #tpu.memory_space<hbm>>, %arg3: memref<10000x64xbf16, #tpu.memory_space<hbm>>, %arg4: memref<2560x128xi32, #tpu.memory_space<hbm>>, %arg5: memref<2560x128xi32, #tpu.memory_space<hbm>>, %arg6: memref<625x64xbf16, #tpu.memory_space<hbm>>, %arg7: memref<10000x128xbf16, #tpu.memory_space<hbm>>, %arg8: memref<160x128xi32, #tpu.memory_space<vmem>>, %arg9: memref<160x128xi32, #tpu.memory_space<vmem>>, %arg10: memref<128x64xbf16, #tpu.memory_space<vmem>>, %arg11: memref<128x64xbf16, #tpu.memory_space<vmem>>, %arg12: memref<128x64xbf16, #tpu.memory_space<vmem>>, %arg13: memref<128x64xbf16, #tpu.memory_space<vmem>>, %arg14: memref<10008x64xbf16, #tpu.memory_space<vmem_shared>>, %arg15: memref<!tpu.dma_semaphore, #tpu.memory_space<semaphore_mem>>, %arg16: memref<!tpu.dma_semaphore, #tpu.memory_space<semaphore_mem>>, %arg17: memref<!tpu.dma_semaphore, #tpu.memory_space<semaphore_mem>>, %arg18: memref<!tpu.dma_semaphore, #tpu.memory_space<semaphore_mem>>, %arg19: memref<!tpu.dma_semaphore, #tpu.memory_space<semaphore_mem>>, %arg20: memref<!tpu.dma_semaphore, #tpu.memory_space<semaphore_mem>>, %arg21: memref<!tpu.dma_semaphore, #tpu.memory_space<semaphore_mem>>, %arg22: memref<!tpu.dma_semaphore, #tpu.memory_space<semaphore_mem>>) attributes {dimension_semantics = [#tpu.dimension_semantics<core_parallel>, #tpu.dimension_semantics<subcore_parallel>], iteration_bounds = array<i64: 2, 16>, scalar_prefetch = 0 : i64, scratch_operands = 15 : i64, tpu.core_type = #tpu.core_type<sc_vector_subcore>, window_params = [{transform_indices = #map}, {transform_indices = #map}, {transform_indices = #map}, {transform_indices = #map}, {transform_indices = #map}, {transform_indices = #map}]} {
    %mul3A = arith.constant 625 : i32
    %mul3A_0 = arith.muli %arg1, %mul3A : i32
    "tpu.region"() ({
      %run_scoped3A = tpu.sem_alloc : memref<!tpu.dma_semaphore, #tpu.memory_space<semaphore_mem>>
      %dma_start3A_260 = arith.constant 0 : i32
      %dma_start3A_261 = tpu.memref_slice %arg14[%mul3A_0, %dma_start3A_260] : memref<10008x64xbf16, #tpu.memory_space<vmem_shared>> -> memref<625x64xbf16, #tpu.memory_space<vmem_shared>>
      tpu.enqueue_dma source(%arg6 : memref<625x64xbf16, #tpu.memory_space<hbm>>) target(%dma_start3A_261 : memref<625x64xbf16, #tpu.memory_space<vmem_shared>>) target_semaphore(%run_scoped3A : memref<!tpu.dma_semaphore, #tpu.memory_space<semaphore_mem>>)
      %dma_wait3A_262 = arith.constant 0 : i32
      %dma_wait3A_263 = tpu.memref_slice %arg14[%mul3A_0, %dma_wait3A_262] : memref<10008x64xbf16, #tpu.memory_space<vmem_shared>> -> memref<625x64xbf16, #tpu.memory_space<vmem_shared>>
      tpu.wait_dma2 semaphore(%run_scoped3A : memref<!tpu.dma_semaphore, #tpu.memory_space<semaphore_mem>>) src(%arg6 : memref<625x64xbf16, #tpu.memory_space<hbm>>) dst(%dma_wait3A_263 : memref<625x64xbf16, #tpu.memory_space<vmem_shared>>)
      tpu.yield
    }) : () -> ()
    %mul3A_1 = arith.constant 160 : i32
    %mul3A_2 = arith.muli %arg1, %mul3A_1 : i32
    "tpu.region"() ({
      %run_scoped3A = tpu.sem_alloc : memref<!tpu.dma_semaphore, #tpu.memory_space<semaphore_mem>>
      %dma_start3A_260 = arith.constant 0 : i32
      %dma_start3A_261 = tpu.memref_slice %arg4[%mul3A_2, %dma_start3A_260] : memref<2560x128xi32, #tpu.memory_space<hbm>> -> memref<160x128xi32, #tpu.memory_space<hbm>>
      %dma_start3A_262 = arith.constant 0 : i32
      %dma_start3A_263 = tpu.memref_slice %arg4[%mul3A_2, %dma_start3A_262] : memref<2560x128xi32, #tpu.memory_space<hbm>> -> memref<160x128xi32, #tpu.memory_space<hbm>>
      tpu.enqueue_dma source(%dma_start3A_263 : memref<160x128xi32, #tpu.memory_space<hbm>>) target(%arg8 : memref<160x128xi32, #tpu.memory_space<vmem>>) target_semaphore(%run_scoped3A : memref<!tpu.dma_semaphore, #tpu.memory_space<semaphore_mem>>)
      %dma_wait3A_264 = arith.constant 0 : i32
      %dma_wait3A_265 = tpu.memref_slice %arg4[%mul3A_2, %dma_wait3A_264] : memref<2560x128xi32, #tpu.memory_space<hbm>> -> memref<160x128xi32, #tpu.memory_space<hbm>>
      %dma_wait3A_266 = arith.constant 0 : i32
      %dma_wait3A_267 = tpu.memref_slice %arg4[%mul3A_2, %dma_wait3A_266] : memref<2560x128xi32, #tpu.memory_space<hbm>> -> memref<160x128xi32, #tpu.memory_space<hbm>>
      tpu.wait_dma2 semaphore(%run_scoped3A : memref<!tpu.dma_semaphore, #tpu.memory_space<semaphore_mem>>) src(%dma_wait3A_267 : memref<160x128xi32, #tpu.memory_space<hbm>>) dst(%arg8 : memref<160x128xi32, #tpu.memory_space<vmem>>)
      tpu.yield
    }) : () -> ()
    %mul3A_3 = arith.constant 160 : i32
    %mul3A_4 = arith.muli %arg1, %mul3A_3 : i32
    "tpu.region"() ({
      %run_scoped3A = tpu.sem_alloc : memref<!tpu.dma_semaphore, #tpu.memory_space<semaphore_mem>>
      %dma_start3A_260 = arith.constant 0 : i32
      %dma_start3A_261 = tpu.memref_slice %arg5[%mul3A_4, %dma_start3A_260] : memref<2560x128xi32, #tpu.memory_space<hbm>> -> memref<160x128xi32, #tpu.memory_space<hbm>>
      %dma_start3A_262 = arith.constant 0 : i32
      %dma_start3A_263 = tpu.memref_slice %arg5[%mul3A_4, %dma_start3A_262] : memref<2560x128xi32, #tpu.memory_space<hbm>> -> memref<160x128xi32, #tpu.memory_space<hbm>>
      tpu.enqueue_dma source(%dma_start3A_263 : memref<160x128xi32, #tpu.memory_space<hbm>>) target(%arg9 : memref<160x128xi32, #tpu.memory_space<vmem>>) target_semaphore(%run_scoped3A : memref<!tpu.dma_semaphore, #tpu.memory_space<semaphore_mem>>)
      %dma_wait3A_264 = arith.constant 0 : i32
      %dma_wait3A_265 = tpu.memref_slice %arg5[%mul3A_4, %dma_wait3A_264] : memref<2560x128xi32, #tpu.memory_space<hbm>> -> memref<160x128xi32, #tpu.memory_space<hbm>>
      %dma_wait3A_266 = arith.constant 0 : i32
      %dma_wait3A_267 = tpu.memref_slice %arg5[%mul3A_4, %dma_wait3A_266] : memref<2560x128xi32, #tpu.memory_space<hbm>> -> memref<160x128xi32, #tpu.memory_space<hbm>>
      tpu.wait_dma2 semaphore(%run_scoped3A : memref<!tpu.dma_semaphore, #tpu.memory_space<semaphore_mem>>) src(%dma_wait3A_267 : memref<160x128xi32, #tpu.memory_space<hbm>>) dst(%arg9 : memref<160x128xi32, #tpu.memory_space<vmem>>)
      tpu.yield
    }) : () -> ()
    %barrier3A = arith.constant 0 : index
    tpu.barrier barrier_id(%barrier3A)
    %eq3A = arith.constant 0 : i32
    %eq3A_5 = arith.cmpi eq, %arg0, %eq3A : i32
    %convert_element_type3A = arith.extui %eq3A_5 : i1 to i32
    %cond3A = arith.constant 0 : i32
    %cond3A_6 = arith.cmpi ne, %convert_element_type3A, %cond3A : i32
    scf.if %cond3A_6 {
      %dma_start3A_260 = arith.constant 0 : i32
      %dma_start3A_261 = arith.constant 0 : i32
      %dma_start3A_262 = tpu.memref_slice %arg8[%dma_start3A_260, %dma_start3A_261] : memref<160x128xi32, #tpu.memory_space<vmem>> -> memref<1x128xi32, #tpu.memory_space<vmem>>
      %dma_start3A_263 = tpu.memref_squeeze %dma_start3A_262 : memref<1x128xi32, #tpu.memory_space<vmem>> -> memref<128xi32, #tpu.memory_space<vmem>>
      %dma_start3A_264 = arith.constant 0 : i32
      %dma_start3A_265 = arith.constant 0 : i32
      %dma_start3A_266 = tpu.memref_slice %arg2[%dma_start3A_264, %dma_start3A_265] : memref<10000x64xbf16, #tpu.memory_space<hbm>> -> memref<10000x64xbf16, #tpu.memory_space<hbm>>
      tpu.enqueue_indirect_dma source(%dma_start3A_266 : memref<10000x64xbf16, #tpu.memory_space<hbm>>) target(%arg10 : memref<128x64xbf16, #tpu.memory_space<vmem>>) offsets(%dma_start3A_263 : memref<128xi32, #tpu.memory_space<vmem>>) semaphore(%arg15 : memref<!tpu.dma_semaphore, #tpu.memory_space<semaphore_mem>>)
    } else {
    }
    %eq3A_7 = arith.constant 1 : i32
    %eq3A_8 = arith.cmpi eq, %arg0, %eq3A_7 : i32
    %convert_element_type3A_9 = arith.extui %eq3A_8 : i1 to i32
    %cond3A_10 = arith.constant 0 : i32
    %cond3A_11 = arith.cmpi ne, %convert_element_type3A_9, %cond3A_10 : i32
    scf.if %cond3A_11 {
      %dma_start3A_260 = arith.constant 0 : i32
      %dma_start3A_261 = arith.constant 0 : i32
      %dma_start3A_262 = tpu.memref_slice %arg8[%dma_start3A_260, %dma_start3A_261] : memref<160x128xi32, #tpu.memory_space<vmem>> -> memref<1x128xi32, #tpu.memory_space<vmem>>
      %dma_start3A_263 = tpu.memref_squeeze %dma_start3A_262 : memref<1x128xi32, #tpu.memory_space<vmem>> -> memref<128xi32, #tpu.memory_space<vmem>>
      %dma_start3A_264 = arith.constant 0 : i32
      %dma_start3A_265 = arith.constant 0 : i32
      %dma_start3A_266 = tpu.memref_slice %arg3[%dma_start3A_264, %dma_start3A_265] : memref<10000x64xbf16, #tpu.memory_space<hbm>> -> memref<10000x64xbf16, #tpu.memory_space<hbm>>
      tpu.enqueue_indirect_dma source(%dma_start3A_266 : memref<10000x64xbf16, #tpu.memory_space<hbm>>) target(%arg10 : memref<128x64xbf16, #tpu.memory_space<vmem>>) offsets(%dma_start3A_263 : memref<128xi32, #tpu.memory_space<vmem>>) semaphore(%arg15 : memref<!tpu.dma_semaphore, #tpu.memory_space<semaphore_mem>>)
    } else {
    }
    %eq3A_12 = arith.constant 0 : i32
    %eq3A_13 = arith.cmpi eq, %arg0, %eq3A_12 : i32
    %convert_element_type3A_14 = arith.extui %eq3A_13 : i1 to i32
    %cond3A_15 = arith.constant 0 : i32
    %cond3A_16 = arith.cmpi ne, %convert_element_type3A_14, %cond3A_15 : i32
    scf.if %cond3A_16 {
      %dma_start3A_260 = arith.constant 1 : i32
      %dma_start3A_261 = arith.constant 0 : i32
      %dma_start3A_262 = tpu.memref_slice %arg8[%dma_start3A_260, %dma_start3A_261] : memref<160x128xi32, #tpu.memory_space<vmem>> -> memref<1x128xi32, #tpu.memory_space<vmem>>
      %dma_start3A_263 = tpu.memref_squeeze %dma_start3A_262 : memref<1x128xi32, #tpu.memory_space<vmem>> -> memref<128xi32, #tpu.memory_space<vmem>>
      %dma_start3A_264 = arith.constant 0 : i32
      %dma_start3A_265 = arith.constant 0 : i32
      %dma_start3A_266 = tpu.memref_slice %arg2[%dma_start3A_264, %dma_start3A_265] : memref<10000x64xbf16, #tpu.memory_space<hbm>> -> memref<10000x64xbf16, #tpu.memory_space<hbm>>
      tpu.enqueue_indirect_dma source(%dma_start3A_266 : memref<10000x64xbf16, #tpu.memory_space<hbm>>) target(%arg11 : memref<128x64xbf16, #tpu.memory_space<vmem>>) offsets(%dma_start3A_263 : memref<128xi32, #tpu.memory_space<vmem>>) semaphore(%arg16 : memref<!tpu.dma_semaphore, #tpu.memory_space<semaphore_mem>>)
    } else {
    }
    %eq3A_17 = arith.constant 1 : i32
    %eq3A_18 = arith.cmpi eq, %arg0, %eq3A_17 : i32
    %convert_element_type3A_19 = arith.extui %eq3A_18 : i1 to i32
    %cond3A_20 = arith.constant 0 : i32
    %cond3A_21 = arith.cmpi ne, %convert_element_type3A_19, %cond3A_20 : i32
    scf.if %cond3A_21 {
      %dma_start3A_260 = arith.constant 1 : i32
      %dma_start3A_261 = arith.constant 0 : i32
      %dma_start3A_262 = tpu.memref_slice %arg8[%dma_start3A_260, %dma_start3A_261] : memref<160x128xi32, #tpu.memory_space<vmem>> -> memref<1x128xi32, #tpu.memory_space<vmem>>
      %dma_start3A_263 = tpu.memref_squeeze %dma_start3A_262 : memref<1x128xi32, #tpu.memory_space<vmem>> -> memref<128xi32, #tpu.memory_space<vmem>>
      %dma_start3A_264 = arith.constant 0 : i32
      %dma_start3A_265 = arith.constant 0 : i32
      %dma_start3A_266 = tpu.memref_slice %arg3[%dma_start3A_264, %dma_start3A_265] : memref<10000x64xbf16, #tpu.memory_space<hbm>> -> memref<10000x64xbf16, #tpu.memory_space<hbm>>
      tpu.enqueue_indirect_dma source(%dma_start3A_266 : memref<10000x64xbf16, #tpu.memory_space<hbm>>) target(%arg11 : memref<128x64xbf16, #tpu.memory_space<vmem>>) offsets(%dma_start3A_263 : memref<128xi32, #tpu.memory_space<vmem>>) semaphore(%arg16 : memref<!tpu.dma_semaphore, #tpu.memory_space<semaphore_mem>>)
    } else {
    }
    %eq3A_22 = arith.constant 0 : i32
    %eq3A_23 = arith.cmpi eq, %arg0, %eq3A_22 : i32
    %convert_element_type3A_24 = arith.extui %eq3A_23 : i1 to i32
    %cond3A_25 = arith.constant 0 : i32
    %cond3A_26 = arith.cmpi ne, %convert_element_type3A_24, %cond3A_25 : i32
    scf.if %cond3A_26 {
      %dma_start3A_260 = arith.constant 2 : i32
      %dma_start3A_261 = arith.constant 0 : i32
      %dma_start3A_262 = tpu.memref_slice %arg8[%dma_start3A_260, %dma_start3A_261] : memref<160x128xi32, #tpu.memory_space<vmem>> -> memref<1x128xi32, #tpu.memory_space<vmem>>
      %dma_start3A_263 = tpu.memref_squeeze %dma_start3A_262 : memref<1x128xi32, #tpu.memory_space<vmem>> -> memref<128xi32, #tpu.memory_space<vmem>>
      %dma_start3A_264 = arith.constant 0 : i32
      %dma_start3A_265 = arith.constant 0 : i32
      %dma_start3A_266 = tpu.memref_slice %arg2[%dma_start3A_264, %dma_start3A_265] : memref<10000x64xbf16, #tpu.memory_space<hbm>> -> memref<10000x64xbf16, #tpu.memory_space<hbm>>
      tpu.enqueue_indirect_dma source(%dma_start3A_266 : memref<10000x64xbf16, #tpu.memory_space<hbm>>) target(%arg12 : memref<128x64xbf16, #tpu.memory_space<vmem>>) offsets(%dma_start3A_263 : memref<128xi32, #tpu.memory_space<vmem>>) semaphore(%arg17 : memref<!tpu.dma_semaphore, #tpu.memory_space<semaphore_mem>>)
    } else {
    }
    %eq3A_27 = arith.constant 1 : i32
    %eq3A_28 = arith.cmpi eq, %arg0, %eq3A_27 : i32
    %convert_element_type3A_29 = arith.extui %eq3A_28 : i1 to i32
    %cond3A_30 = arith.constant 0 : i32
    %cond3A_31 = arith.cmpi ne, %convert_element_type3A_29, %cond3A_30 : i32
    scf.if %cond3A_31 {
      %dma_start3A_260 = arith.constant 2 : i32
      %dma_start3A_261 = arith.constant 0 : i32
      %dma_start3A_262 = tpu.memref_slice %arg8[%dma_start3A_260, %dma_start3A_261] : memref<160x128xi32, #tpu.memory_space<vmem>> -> memref<1x128xi32, #tpu.memory_space<vmem>>
      %dma_start3A_263 = tpu.memref_squeeze %dma_start3A_262 : memref<1x128xi32, #tpu.memory_space<vmem>> -> memref<128xi32, #tpu.memory_space<vmem>>
      %dma_start3A_264 = arith.constant 0 : i32
      %dma_start3A_265 = arith.constant 0 : i32
      %dma_start3A_266 = tpu.memref_slice %arg3[%dma_start3A_264, %dma_start3A_265] : memref<10000x64xbf16, #tpu.memory_space<hbm>> -> memref<10000x64xbf16, #tpu.memory_space<hbm>>
      tpu.enqueue_indirect_dma source(%dma_start3A_266 : memref<10000x64xbf16, #tpu.memory_space<hbm>>) target(%arg12 : memref<128x64xbf16, #tpu.memory_space<vmem>>) offsets(%dma_start3A_263 : memref<128xi32, #tpu.memory_space<vmem>>) semaphore(%arg17 : memref<!tpu.dma_semaphore, #tpu.memory_space<semaphore_mem>>)
    } else {
    }
    %dma_wait3A = arith.constant 0 : i32
    %dma_wait3A_32 = arith.constant 0 : i32
    %dma_wait3A_33 = tpu.memref_slice %arg8[%dma_wait3A, %dma_wait3A_32] : memref<160x128xi32, #tpu.memory_space<vmem>> -> memref<1x128xi32, #tpu.memory_space<vmem>>
    %dma_wait3A_34 = tpu.memref_squeeze %dma_wait3A_33 : memref<1x128xi32, #tpu.memory_space<vmem>> -> memref<128xi32, #tpu.memory_space<vmem>>
    %dma_wait3A_35 = arith.constant 0 : i32
    %dma_wait3A_36 = arith.constant 0 : i32
    %dma_wait3A_37 = tpu.memref_slice %arg2[%dma_wait3A_35, %dma_wait3A_36] : memref<10000x64xbf16, #tpu.memory_space<hbm>> -> memref<10000x64xbf16, #tpu.memory_space<hbm>>
    tpu.wait_indirect_dma semaphore(%arg15 : memref<!tpu.dma_semaphore, #tpu.memory_space<semaphore_mem>>) src(%dma_wait3A_37 : memref<10000x64xbf16, #tpu.memory_space<hbm>>) dst(%arg10 : memref<128x64xbf16, #tpu.memory_space<vmem>>)
    %dma_start3A = arith.constant 0 : i32
    %dma_start3A_38 = arith.constant 0 : i32
    %dma_start3A_39 = tpu.memref_slice %arg9[%dma_start3A, %dma_start3A_38] : memref<160x128xi32, #tpu.memory_space<vmem>> -> memref<1x128xi32, #tpu.memory_space<vmem>>
    %dma_start3A_40 = tpu.memref_squeeze %dma_start3A_39 : memref<1x128xi32, #tpu.memory_space<vmem>> -> memref<128xi32, #tpu.memory_space<vmem>>
    %dma_start3A_41 = arith.constant 0 : i32
    %dma_start3A_42 = arith.constant 0 : i32
    %dma_start3A_43 = tpu.memref_slice %arg14[%dma_start3A_41, %dma_start3A_42] : memref<10008x64xbf16, #tpu.memory_space<vmem_shared>> -> memref<10008x64xbf16, #tpu.memory_space<vmem_shared>>
    tpu.enqueue_indirect_dma source(%arg10 : memref<128x64xbf16, #tpu.memory_space<vmem>>) target(%dma_start3A_43 : memref<10008x64xbf16, #tpu.memory_space<vmem_shared>>) offsets(%dma_start3A_40 : memref<128xi32, #tpu.memory_space<vmem>>) semaphore(%arg19 : memref<!tpu.dma_semaphore, #tpu.memory_space<semaphore_mem>>) {add = true}
    %eq3A_44 = arith.constant 0 : i32
    %eq3A_45 = arith.cmpi eq, %arg0, %eq3A_44 : i32
    %convert_element_type3A_46 = arith.extui %eq3A_45 : i1 to i32
    %cond3A_47 = arith.constant 0 : i32
    %cond3A_48 = arith.cmpi ne, %convert_element_type3A_46, %cond3A_47 : i32
    scf.if %cond3A_48 {
      %dma_start3A_260 = arith.constant 3 : i32
      %dma_start3A_261 = arith.constant 0 : i32
      %dma_start3A_262 = tpu.memref_slice %arg8[%dma_start3A_260, %dma_start3A_261] : memref<160x128xi32, #tpu.memory_space<vmem>> -> memref<1x128xi32, #tpu.memory_space<vmem>>
      %dma_start3A_263 = tpu.memref_squeeze %dma_start3A_262 : memref<1x128xi32, #tpu.memory_space<vmem>> -> memref<128xi32, #tpu.memory_space<vmem>>
      %dma_start3A_264 = arith.constant 0 : i32
      %dma_start3A_265 = arith.constant 0 : i32
      %dma_start3A_266 = tpu.memref_slice %arg2[%dma_start3A_264, %dma_start3A_265] : memref<10000x64xbf16, #tpu.memory_space<hbm>> -> memref<10000x64xbf16, #tpu.memory_space<hbm>>
      tpu.enqueue_indirect_dma source(%dma_start3A_266 : memref<10000x64xbf16, #tpu.memory_space<hbm>>) target(%arg13 : memref<128x64xbf16, #tpu.memory_space<vmem>>) offsets(%dma_start3A_263 : memref<128xi32, #tpu.memory_space<vmem>>) semaphore(%arg18 : memref<!tpu.dma_semaphore, #tpu.memory_space<semaphore_mem>>)
    } else {
    }
    %eq3A_49 = arith.constant 1 : i32
    %eq3A_50 = arith.cmpi eq, %arg0, %eq3A_49 : i32
    %convert_element_type3A_51 = arith.extui %eq3A_50 : i1 to i32
    %cond3A_52 = arith.constant 0 : i32
    %cond3A_53 = arith.cmpi ne, %convert_element_type3A_51, %cond3A_52 : i32
    scf.if %cond3A_53 {
      %dma_start3A_260 = arith.constant 3 : i32
      %dma_start3A_261 = arith.constant 0 : i32
      %dma_start3A_262 = tpu.memref_slice %arg8[%dma_start3A_260, %dma_start3A_261] : memref<160x128xi32, #tpu.memory_space<vmem>> -> memref<1x128xi32, #tpu.memory_space<vmem>>
      %dma_start3A_263 = tpu.memref_squeeze %dma_start3A_262 : memref<1x128xi32, #tpu.memory_space<vmem>> -> memref<128xi32, #tpu.memory_space<vmem>>
      %dma_start3A_264 = arith.constant 0 : i32
      %dma_start3A_265 = arith.constant 0 : i32
      %dma_start3A_266 = tpu.memref_slice %arg3[%dma_start3A_264, %dma_start3A_265] : memref<10000x64xbf16, #tpu.memory_space<hbm>> -> memref<10000x64xbf16, #tpu.memory_space<hbm>>
      tpu.enqueue_indirect_dma source(%dma_start3A_266 : memref<10000x64xbf16, #tpu.memory_space<hbm>>) target(%arg13 : memref<128x64xbf16, #tpu.memory_space<vmem>>) offsets(%dma_start3A_263 : memref<128xi32, #tpu.memory_space<vmem>>) semaphore(%arg18 : memref<!tpu.dma_semaphore, #tpu.memory_space<semaphore_mem>>)
    } else {
    }
    %dma_wait3A_54 = arith.constant 0 : i32
    %dma_wait3A_55 = arith.constant 0 : i32
    %dma_wait3A_56 = tpu.memref_slice %arg8[%dma_wait3A_54, %dma_wait3A_55] : memref<160x128xi32, #tpu.memory_space<vmem>> -> memref<1x128xi32, #tpu.memory_space<vmem>>
    %dma_wait3A_57 = tpu.memref_squeeze %dma_wait3A_56 : memref<1x128xi32, #tpu.memory_space<vmem>> -> memref<128xi32, #tpu.memory_space<vmem>>
    %dma_wait3A_58 = arith.constant 0 : i32
    %dma_wait3A_59 = arith.constant 0 : i32
    %dma_wait3A_60 = tpu.memref_slice %arg2[%dma_wait3A_58, %dma_wait3A_59] : memref<10000x64xbf16, #tpu.memory_space<hbm>> -> memref<10000x64xbf16, #tpu.memory_space<hbm>>
    tpu.wait_indirect_dma semaphore(%arg16 : memref<!tpu.dma_semaphore, #tpu.memory_space<semaphore_mem>>) src(%dma_wait3A_60 : memref<10000x64xbf16, #tpu.memory_space<hbm>>) dst(%arg11 : memref<128x64xbf16, #tpu.memory_space<vmem>>)
    %dma_start3A_61 = arith.constant 1 : i32
    %dma_start3A_62 = arith.constant 0 : i32
    %dma_start3A_63 = tpu.memref_slice %arg9[%dma_start3A_61, %dma_start3A_62] : memref<160x128xi32, #tpu.memory_space<vmem>> -> memref<1x128xi32, #tpu.memory_space<vmem>>
    %dma_start3A_64 = tpu.memref_squeeze %dma_start3A_63 : memref<1x128xi32, #tpu.memory_space<vmem>> -> memref<128xi32, #tpu.memory_space<vmem>>
    %dma_start3A_65 = arith.constant 0 : i32
    %dma_start3A_66 = arith.constant 0 : i32
    %dma_start3A_67 = tpu.memref_slice %arg14[%dma_start3A_65, %dma_start3A_66] : memref<10008x64xbf16, #tpu.memory_space<vmem_shared>> -> memref<10008x64xbf16, #tpu.memory_space<vmem_shared>>
    tpu.enqueue_indirect_dma source(%arg11 : memref<128x64xbf16, #tpu.memory_space<vmem>>) target(%dma_start3A_67 : memref<10008x64xbf16, #tpu.memory_space<vmem_shared>>) offsets(%dma_start3A_64 : memref<128xi32, #tpu.memory_space<vmem>>) semaphore(%arg20 : memref<!tpu.dma_semaphore, #tpu.memory_space<semaphore_mem>>) {add = true}
    %dma_wait3A_68 = arith.constant 0 : i32
    %dma_wait3A_69 = arith.constant 0 : i32
    %dma_wait3A_70 = tpu.memref_slice %arg9[%dma_wait3A_68, %dma_wait3A_69] : memref<160x128xi32, #tpu.memory_space<vmem>> -> memref<1x128xi32, #tpu.memory_space<vmem>>
    %dma_wait3A_71 = tpu.memref_squeeze %dma_wait3A_70 : memref<1x128xi32, #tpu.memory_space<vmem>> -> memref<128xi32, #tpu.memory_space<vmem>>
    %dma_wait3A_72 = arith.constant 0 : i32
    %dma_wait3A_73 = arith.constant 0 : i32
    %dma_wait3A_74 = tpu.memref_slice %arg14[%dma_wait3A_72, %dma_wait3A_73] : memref<10008x64xbf16, #tpu.memory_space<vmem_shared>> -> memref<10008x64xbf16, #tpu.memory_space<vmem_shared>>
    tpu.wait_indirect_dma semaphore(%arg19 : memref<!tpu.dma_semaphore, #tpu.memory_space<semaphore_mem>>) src(%arg10 : memref<128x64xbf16, #tpu.memory_space<vmem>>) dst(%dma_wait3A_74 : memref<10008x64xbf16, #tpu.memory_space<vmem_shared>>)
    %eq3A_75 = arith.constant 0 : i32
    %eq3A_76 = arith.cmpi eq, %arg0, %eq3A_75 : i32
    %convert_element_type3A_77 = arith.extui %eq3A_76 : i1 to i32
    %cond3A_78 = arith.constant 0 : i32
    %cond3A_79 = arith.cmpi ne, %convert_element_type3A_77, %cond3A_78 : i32
    scf.if %cond3A_79 {
      %dma_start3A_260 = arith.constant 4 : i32
      %dma_start3A_261 = arith.constant 0 : i32
      %dma_start3A_262 = tpu.memref_slice %arg8[%dma_start3A_260, %dma_start3A_261] : memref<160x128xi32, #tpu.memory_space<vmem>> -> memref<1x128xi32, #tpu.memory_space<vmem>>
      %dma_start3A_263 = tpu.memref_squeeze %dma_start3A_262 : memref<1x128xi32, #tpu.memory_space<vmem>> -> memref<128xi32, #tpu.memory_space<vmem>>
      %dma_start3A_264 = arith.constant 0 : i32
      %dma_start3A_265 = arith.constant 0 : i32
      %dma_start3A_266 = tpu.memref_slice %arg2[%dma_start3A_264, %dma_start3A_265] : memref<10000x64xbf16, #tpu.memory_space<hbm>> -> memref<10000x64xbf16, #tpu.memory_space<hbm>>
      tpu.enqueue_indirect_dma source(%dma_start3A_266 : memref<10000x64xbf16, #tpu.memory_space<hbm>>) target(%arg10 : memref<128x64xbf16, #tpu.memory_space<vmem>>) offsets(%dma_start3A_263 : memref<128xi32, #tpu.memory_space<vmem>>) semaphore(%arg15 : memref<!tpu.dma_semaphore, #tpu.memory_space<semaphore_mem>>)
    } else {
    }
    %eq3A_80 = arith.constant 1 : i32
    %eq3A_81 = arith.cmpi eq, %arg0, %eq3A_80 : i32
    %convert_element_type3A_82 = arith.extui %eq3A_81 : i1 to i32
    %cond3A_83 = arith.constant 0 : i32
    %cond3A_84 = arith.cmpi ne, %convert_element_type3A_82, %cond3A_83 : i32
    scf.if %cond3A_84 {
      %dma_start3A_260 = arith.constant 4 : i32
      %dma_start3A_261 = arith.constant 0 : i32
      %dma_start3A_262 = tpu.memref_slice %arg8[%dma_start3A_260, %dma_start3A_261] : memref<160x128xi32, #tpu.memory_space<vmem>> -> memref<1x128xi32, #tpu.memory_space<vmem>>
      %dma_start3A_263 = tpu.memref_squeeze %dma_start3A_262 : memref<1x128xi32, #tpu.memory_space<vmem>> -> memref<128xi32, #tpu.memory_space<vmem>>
      %dma_start3A_264 = arith.constant 0 : i32
      %dma_start3A_265 = arith.constant 0 : i32
      %dma_start3A_266 = tpu.memref_slice %arg3[%dma_start3A_264, %dma_start3A_265] : memref<10000x64xbf16, #tpu.memory_space<hbm>> -> memref<10000x64xbf16, #tpu.memory_space<hbm>>
      tpu.enqueue_indirect_dma source(%dma_start3A_266 : memref<10000x64xbf16, #tpu.memory_space<hbm>>) target(%arg10 : memref<128x64xbf16, #tpu.memory_space<vmem>>) offsets(%dma_start3A_263 : memref<128xi32, #tpu.memory_space<vmem>>) semaphore(%arg15 : memref<!tpu.dma_semaphore, #tpu.memory_space<semaphore_mem>>)
    } else {
    }
    %dma_wait3A_85 = arith.constant 0 : i32
    %dma_wait3A_86 = arith.constant 0 : i32
    %dma_wait3A_87 = tpu.memref_slice %arg8[%dma_wait3A_85, %dma_wait3A_86] : memref<160x128xi32, #tpu.memory_space<vmem>> -> memref<1x128xi32, #tpu.memory_space<vmem>>
    %dma_wait3A_88 = tpu.memref_squeeze %dma_wait3A_87 : memref<1x128xi32, #tpu.memory_space<vmem>> -> memref<128xi32, #tpu.memory_space<vmem>>
    %dma_wait3A_89 = arith.constant 0 : i32
    %dma_wait3A_90 = arith.constant 0 : i32
    %dma_wait3A_91 = tpu.memref_slice %arg2[%dma_wait3A_89, %dma_wait3A_90] : memref<10000x64xbf16, #tpu.memory_space<hbm>> -> memref<10000x64xbf16, #tpu.memory_space<hbm>>
    tpu.wait_indirect_dma semaphore(%arg17 : memref<!tpu.dma_semaphore, #tpu.memory_space<semaphore_mem>>) src(%dma_wait3A_91 : memref<10000x64xbf16, #tpu.memory_space<hbm>>) dst(%arg12 : memref<128x64xbf16, #tpu.memory_space<vmem>>)
    %dma_start3A_92 = arith.constant 2 : i32
    %dma_start3A_93 = arith.constant 0 : i32
    %dma_start3A_94 = tpu.memref_slice %arg9[%dma_start3A_92, %dma_start3A_93] : memref<160x128xi32, #tpu.memory_space<vmem>> -> memref<1x128xi32, #tpu.memory_space<vmem>>
    %dma_start3A_95 = tpu.memref_squeeze %dma_start3A_94 : memref<1x128xi32, #tpu.memory_space<vmem>> -> memref<128xi32, #tpu.memory_space<vmem>>
    %dma_start3A_96 = arith.constant 0 : i32
    %dma_start3A_97 = arith.constant 0 : i32
    %dma_start3A_98 = tpu.memref_slice %arg14[%dma_start3A_96, %dma_start3A_97] : memref<10008x64xbf16, #tpu.memory_space<vmem_shared>> -> memref<10008x64xbf16, #tpu.memory_space<vmem_shared>>
    tpu.enqueue_indirect_dma source(%arg12 : memref<128x64xbf16, #tpu.memory_space<vmem>>) target(%dma_start3A_98 : memref<10008x64xbf16, #tpu.memory_space<vmem_shared>>) offsets(%dma_start3A_95 : memref<128xi32, #tpu.memory_space<vmem>>) semaphore(%arg21 : memref<!tpu.dma_semaphore, #tpu.memory_space<semaphore_mem>>) {add = true}
    %dma_wait3A_99 = arith.constant 0 : i32
    %dma_wait3A_100 = arith.constant 0 : i32
    %dma_wait3A_101 = tpu.memref_slice %arg9[%dma_wait3A_99, %dma_wait3A_100] : memref<160x128xi32, #tpu.memory_space<vmem>> -> memref<1x128xi32, #tpu.memory_space<vmem>>
    %dma_wait3A_102 = tpu.memref_squeeze %dma_wait3A_101 : memref<1x128xi32, #tpu.memory_space<vmem>> -> memref<128xi32, #tpu.memory_space<vmem>>
    %dma_wait3A_103 = arith.constant 0 : i32
    %dma_wait3A_104 = arith.constant 0 : i32
    %dma_wait3A_105 = tpu.memref_slice %arg14[%dma_wait3A_103, %dma_wait3A_104] : memref<10008x64xbf16, #tpu.memory_space<vmem_shared>> -> memref<10008x64xbf16, #tpu.memory_space<vmem_shared>>
    tpu.wait_indirect_dma semaphore(%arg20 : memref<!tpu.dma_semaphore, #tpu.memory_space<semaphore_mem>>) src(%arg11 : memref<128x64xbf16, #tpu.memory_space<vmem>>) dst(%dma_wait3A_105 : memref<10008x64xbf16, #tpu.memory_space<vmem_shared>>)
    %eq3A_106 = arith.constant 0 : i32
    %eq3A_107 = arith.cmpi eq, %arg0, %eq3A_106 : i32
    %convert_element_type3A_108 = arith.extui %eq3A_107 : i1 to i32
    %cond3A_109 = arith.constant 0 : i32
    %cond3A_110 = arith.cmpi ne, %convert_element_type3A_108, %cond3A_109 : i32
    scf.if %cond3A_110 {
      %dma_start3A_260 = arith.constant 5 : i32
      %dma_start3A_261 = arith.constant 0 : i32
      %dma_start3A_262 = tpu.memref_slice %arg8[%dma_start3A_260, %dma_start3A_261] : memref<160x128xi32, #tpu.memory_space<vmem>> -> memref<1x128xi32, #tpu.memory_space<vmem>>
      %dma_start3A_263 = tpu.memref_squeeze %dma_start3A_262 : memref<1x128xi32, #tpu.memory_space<vmem>> -> memref<128xi32, #tpu.memory_space<vmem>>
      %dma_start3A_264 = arith.constant 0 : i32
      %dma_start3A_265 = arith.constant 0 : i32
      %dma_start3A_266 = tpu.memref_slice %arg2[%dma_start3A_264, %dma_start3A_265] : memref<10000x64xbf16, #tpu.memory_space<hbm>> -> memref<10000x64xbf16, #tpu.memory_space<hbm>>
      tpu.enqueue_indirect_dma source(%dma_start3A_266 : memref<10000x64xbf16, #tpu.memory_space<hbm>>) target(%arg11 : memref<128x64xbf16, #tpu.memory_space<vmem>>) offsets(%dma_start3A_263 : memref<128xi32, #tpu.memory_space<vmem>>) semaphore(%arg16 : memref<!tpu.dma_semaphore, #tpu.memory_space<semaphore_mem>>)
    } else {
    }
    %eq3A_111 = arith.constant 1 : i32
    %eq3A_112 = arith.cmpi eq, %arg0, %eq3A_111 : i32
    %convert_element_type3A_113 = arith.extui %eq3A_112 : i1 to i32
    %cond3A_114 = arith.constant 0 : i32
    %cond3A_115 = arith.cmpi ne, %convert_element_type3A_113, %cond3A_114 : i32
    scf.if %cond3A_115 {
      %dma_start3A_260 = arith.constant 5 : i32
      %dma_start3A_261 = arith.constant 0 : i32
      %dma_start3A_262 = tpu.memref_slice %arg8[%dma_start3A_260, %dma_start3A_261] : memref<160x128xi32, #tpu.memory_space<vmem>> -> memref<1x128xi32, #tpu.memory_space<vmem>>
      %dma_start3A_263 = tpu.memref_squeeze %dma_start3A_262 : memref<1x128xi32, #tpu.memory_space<vmem>> -> memref<128xi32, #tpu.memory_space<vmem>>
      %dma_start3A_264 = arith.constant 0 : i32
      %dma_start3A_265 = arith.constant 0 : i32
      %dma_start3A_266 = tpu.memref_slice %arg3[%dma_start3A_264, %dma_start3A_265] : memref<10000x64xbf16, #tpu.memory_space<hbm>> -> memref<10000x64xbf16, #tpu.memory_space<hbm>>
      tpu.enqueue_indirect_dma source(%dma_start3A_266 : memref<10000x64xbf16, #tpu.memory_space<hbm>>) target(%arg11 : memref<128x64xbf16, #tpu.memory_space<vmem>>) offsets(%dma_start3A_263 : memref<128xi32, #tpu.memory_space<vmem>>) semaphore(%arg16 : memref<!tpu.dma_semaphore, #tpu.memory_space<semaphore_mem>>)
    } else {
    }
    %dma_wait3A_116 = arith.constant 0 : i32
    %dma_wait3A_117 = arith.constant 0 : i32
    %dma_wait3A_118 = tpu.memref_slice %arg8[%dma_wait3A_116, %dma_wait3A_117] : memref<160x128xi32, #tpu.memory_space<vmem>> -> memref<1x128xi32, #tpu.memory_space<vmem>>
    %dma_wait3A_119 = tpu.memref_squeeze %dma_wait3A_118 : memref<1x128xi32, #tpu.memory_space<vmem>> -> memref<128xi32, #tpu.memory_space<vmem>>
    %dma_wait3A_120 = arith.constant 0 : i32
    %dma_wait3A_121 = arith.constant 0 : i32
    %dma_wait3A_122 = tpu.memref_slice %arg2[%dma_wait3A_120, %dma_wait3A_121] : memref<10000x64xbf16, #tpu.memory_space<hbm>> -> memref<10000x64xbf16, #tpu.memory_space<hbm>>
    tpu.wait_indirect_dma semaphore(%arg18 : memref<!tpu.dma_semaphore, #tpu.memory_space<semaphore_mem>>) src(%dma_wait3A_122 : memref<10000x64xbf16, #tpu.memory_space<hbm>>) dst(%arg13 : memref<128x64xbf16, #tpu.memory_space<vmem>>)
    %dma_start3A_123 = arith.constant 3 : i32
    %dma_start3A_124 = arith.constant 0 : i32
    %dma_start3A_125 = tpu.memref_slice %arg9[%dma_start3A_123, %dma_start3A_124] : memref<160x128xi32, #tpu.memory_space<vmem>> -> memref<1x128xi32, #tpu.memory_space<vmem>>
    %dma_start3A_126 = tpu.memref_squeeze %dma_start3A_125 : memref<1x128xi32, #tpu.memory_space<vmem>> -> memref<128xi32, #tpu.memory_space<vmem>>
    %dma_start3A_127 = arith.constant 0 : i32
    %dma_start3A_128 = arith.constant 0 : i32
    %dma_start3A_129 = tpu.memref_slice %arg14[%dma_start3A_127, %dma_start3A_128] : memref<10008x64xbf16, #tpu.memory_space<vmem_shared>> -> memref<10008x64xbf16, #tpu.memory_space<vmem_shared>>
    tpu.enqueue_indirect_dma source(%arg13 : memref<128x64xbf16, #tpu.memory_space<vmem>>) target(%dma_start3A_129 : memref<10008x64xbf16, #tpu.memory_space<vmem_shared>>) offsets(%dma_start3A_126 : memref<128xi32, #tpu.memory_space<vmem>>) semaphore(%arg22 : memref<!tpu.dma_semaphore, #tpu.memory_space<semaphore_mem>>) {add = true}
    %scan3A = arith.constant 0 : i32
    %scan3A_130 = arith.constant 1 : i32
    %scan3A_131 = arith.constant 38 : i32
    %scan3A_132 = arith.addi %scan3A_130, %scan3A_131 : i32
    %scan3A_133 = arith.constant 1 : i32
    scf.for %scan3A_260 = %scan3A_130 to %scan3A_132 step %scan3A_133  : i32 {
      %mul3A_261 = arith.constant 4 : i32
      %mul3A_262 = arith.muli %mul3A_261, %scan3A_260 : i32
      %add3A = arith.constant 0 : i32
      %add3A_263 = arith.addi %mul3A_262, %add3A : i32
      %dma_wait3A_264 = arith.constant 0 : i32
      %dma_wait3A_265 = arith.constant 0 : i32
      %dma_wait3A_266 = tpu.memref_slice %arg9[%dma_wait3A_264, %dma_wait3A_265] : memref<160x128xi32, #tpu.memory_space<vmem>> -> memref<1x128xi32, #tpu.memory_space<vmem>>
      %dma_wait3A_267 = tpu.memref_squeeze %dma_wait3A_266 : memref<1x128xi32, #tpu.memory_space<vmem>> -> memref<128xi32, #tpu.memory_space<vmem>>
      %dma_wait3A_268 = arith.constant 0 : i32
      %dma_wait3A_269 = arith.constant 0 : i32
      %dma_wait3A_270 = tpu.memref_slice %arg14[%dma_wait3A_268, %dma_wait3A_269] : memref<10008x64xbf16, #tpu.memory_space<vmem_shared>> -> memref<10008x64xbf16, #tpu.memory_space<vmem_shared>>
      tpu.wait_indirect_dma semaphore(%arg21 : memref<!tpu.dma_semaphore, #tpu.memory_space<semaphore_mem>>) src(%arg12 : memref<128x64xbf16, #tpu.memory_space<vmem>>) dst(%dma_wait3A_270 : memref<10008x64xbf16, #tpu.memory_space<vmem_shared>>)
      %add3A_271 = arith.constant 2 : i32
      %add3A_272 = arith.addi %add3A_263, %add3A_271 : i32
      %eq3A_273 = arith.constant 0 : i32
      %eq3A_274 = arith.cmpi eq, %arg0, %eq3A_273 : i32
      %convert_element_type3A_275 = arith.extui %eq3A_274 : i1 to i32
      %cond3A_276 = arith.constant 0 : i32
      %cond3A_277 = arith.cmpi ne, %convert_element_type3A_275, %cond3A_276 : i32
      scf.if %cond3A_277 {
        %dma_start3A_398 = arith.constant 0 : i32
        %dma_start3A_399 = tpu.memref_slice %arg8[%add3A_272, %dma_start3A_398] : memref<160x128xi32, #tpu.memory_space<vmem>> -> memref<1x128xi32, #tpu.memory_space<vmem>>
        %dma_start3A_400 = tpu.memref_squeeze %dma_start3A_399 : memref<1x128xi32, #tpu.memory_space<vmem>> -> memref<128xi32, #tpu.memory_space<vmem>>
        %dma_start3A_401 = arith.constant 0 : i32
        %dma_start3A_402 = arith.constant 0 : i32
        %dma_start3A_403 = tpu.memref_slice %arg2[%dma_start3A_401, %dma_start3A_402] : memref<10000x64xbf16, #tpu.memory_space<hbm>> -> memref<10000x64xbf16, #tpu.memory_space<hbm>>
        tpu.enqueue_indirect_dma source(%dma_start3A_403 : memref<10000x64xbf16, #tpu.memory_space<hbm>>) target(%arg12 : memref<128x64xbf16, #tpu.memory_space<vmem>>) offsets(%dma_start3A_400 : memref<128xi32, #tpu.memory_space<vmem>>) semaphore(%arg17 : memref<!tpu.dma_semaphore, #tpu.memory_space<semaphore_mem>>)
      } else {
      }
      %eq3A_278 = arith.constant 1 : i32
      %eq3A_279 = arith.cmpi eq, %arg0, %eq3A_278 : i32
      %convert_element_type3A_280 = arith.extui %eq3A_279 : i1 to i32
      %cond3A_281 = arith.constant 0 : i32
      %cond3A_282 = arith.cmpi ne, %convert_element_type3A_280, %cond3A_281 : i32
      scf.if %cond3A_282 {
        %dma_start3A_398 = arith.constant 0 : i32
        %dma_start3A_399 = tpu.memref_slice %arg8[%add3A_272, %dma_start3A_398] : memref<160x128xi32, #tpu.memory_space<vmem>> -> memref<1x128xi32, #tpu.memory_space<vmem>>
        %dma_start3A_400 = tpu.memref_squeeze %dma_start3A_399 : memref<1x128xi32, #tpu.memory_space<vmem>> -> memref<128xi32, #tpu.memory_space<vmem>>
        %dma_start3A_401 = arith.constant 0 : i32
        %dma_start3A_402 = arith.constant 0 : i32
        %dma_start3A_403 = tpu.memref_slice %arg3[%dma_start3A_401, %dma_start3A_402] : memref<10000x64xbf16, #tpu.memory_space<hbm>> -> memref<10000x64xbf16, #tpu.memory_space<hbm>>
        tpu.enqueue_indirect_dma source(%dma_start3A_403 : memref<10000x64xbf16, #tpu.memory_space<hbm>>) target(%arg12 : memref<128x64xbf16, #tpu.memory_space<vmem>>) offsets(%dma_start3A_400 : memref<128xi32, #tpu.memory_space<vmem>>) semaphore(%arg17 : memref<!tpu.dma_semaphore, #tpu.memory_space<semaphore_mem>>)
      } else {
      }
      %dma_wait3A_283 = arith.constant 0 : i32
      %dma_wait3A_284 = arith.constant 0 : i32
      %dma_wait3A_285 = tpu.memref_slice %arg8[%dma_wait3A_283, %dma_wait3A_284] : memref<160x128xi32, #tpu.memory_space<vmem>> -> memref<1x128xi32, #tpu.memory_space<vmem>>
      %dma_wait3A_286 = tpu.memref_squeeze %dma_wait3A_285 : memref<1x128xi32, #tpu.memory_space<vmem>> -> memref<128xi32, #tpu.memory_space<vmem>>
      %dma_wait3A_287 = arith.constant 0 : i32
      %dma_wait3A_288 = arith.constant 0 : i32
      %dma_wait3A_289 = tpu.memref_slice %arg2[%dma_wait3A_287, %dma_wait3A_288] : memref<10000x64xbf16, #tpu.memory_space<hbm>> -> memref<10000x64xbf16, #tpu.memory_space<hbm>>
      tpu.wait_indirect_dma semaphore(%arg15 : memref<!tpu.dma_semaphore, #tpu.memory_space<semaphore_mem>>) src(%dma_wait3A_289 : memref<10000x64xbf16, #tpu.memory_space<hbm>>) dst(%arg10 : memref<128x64xbf16, #tpu.memory_space<vmem>>)
      %dma_start3A_290 = arith.constant 0 : i32
      %dma_start3A_291 = tpu.memref_slice %arg9[%add3A_263, %dma_start3A_290] : memref<160x128xi32, #tpu.memory_space<vmem>> -> memref<1x128xi32, #tpu.memory_space<vmem>>
      %dma_start3A_292 = tpu.memref_squeeze %dma_start3A_291 : memref<1x128xi32, #tpu.memory_space<vmem>> -> memref<128xi32, #tpu.memory_space<vmem>>
      %dma_start3A_293 = arith.constant 0 : i32
      %dma_start3A_294 = arith.constant 0 : i32
      %dma_start3A_295 = tpu.memref_slice %arg14[%dma_start3A_293, %dma_start3A_294] : memref<10008x64xbf16, #tpu.memory_space<vmem_shared>> -> memref<10008x64xbf16, #tpu.memory_space<vmem_shared>>
      tpu.enqueue_indirect_dma source(%arg10 : memref<128x64xbf16, #tpu.memory_space<vmem>>) target(%dma_start3A_295 : memref<10008x64xbf16, #tpu.memory_space<vmem_shared>>) offsets(%dma_start3A_292 : memref<128xi32, #tpu.memory_space<vmem>>) semaphore(%arg19 : memref<!tpu.dma_semaphore, #tpu.memory_space<semaphore_mem>>) {add = true}
      %add3A_296 = arith.constant 1 : i32
      %add3A_297 = arith.addi %mul3A_262, %add3A_296 : i32
      %dma_wait3A_298 = arith.constant 0 : i32
      %dma_wait3A_299 = arith.constant 0 : i32
      %dma_wait3A_300 = tpu.memref_slice %arg9[%dma_wait3A_298, %dma_wait3A_299] : memref<160x128xi32, #tpu.memory_space<vmem>> -> memref<1x128xi32, #tpu.memory_space<vmem>>
      %dma_wait3A_301 = tpu.memref_squeeze %dma_wait3A_300 : memref<1x128xi32, #tpu.memory_space<vmem>> -> memref<128xi32, #tpu.memory_space<vmem>>
      %dma_wait3A_302 = arith.constant 0 : i32
      %dma_wait3A_303 = arith.constant 0 : i32
      %dma_wait3A_304 = tpu.memref_slice %arg14[%dma_wait3A_302, %dma_wait3A_303] : memref<10008x64xbf16, #tpu.memory_space<vmem_shared>> -> memref<10008x64xbf16, #tpu.memory_space<vmem_shared>>
      tpu.wait_indirect_dma semaphore(%arg22 : memref<!tpu.dma_semaphore, #tpu.memory_space<semaphore_mem>>) src(%arg13 : memref<128x64xbf16, #tpu.memory_space<vmem>>) dst(%dma_wait3A_304 : memref<10008x64xbf16, #tpu.memory_space<vmem_shared>>)
      %add3A_305 = arith.constant 2 : i32
      %add3A_306 = arith.addi %add3A_297, %add3A_305 : i32
      %eq3A_307 = arith.constant 0 : i32
      %eq3A_308 = arith.cmpi eq, %arg0, %eq3A_307 : i32
      %convert_element_type3A_309 = arith.extui %eq3A_308 : i1 to i32
      %cond3A_310 = arith.constant 0 : i32
      %cond3A_311 = arith.cmpi ne, %convert_element_type3A_309, %cond3A_310 : i32
      scf.if %cond3A_311 {
        %dma_start3A_398 = arith.constant 0 : i32
        %dma_start3A_399 = tpu.memref_slice %arg8[%add3A_306, %dma_start3A_398] : memref<160x128xi32, #tpu.memory_space<vmem>> -> memref<1x128xi32, #tpu.memory_space<vmem>>
        %dma_start3A_400 = tpu.memref_squeeze %dma_start3A_399 : memref<1x128xi32, #tpu.memory_space<vmem>> -> memref<128xi32, #tpu.memory_space<vmem>>
        %dma_start3A_401 = arith.constant 0 : i32
        %dma_start3A_402 = arith.constant 0 : i32
        %dma_start3A_403 = tpu.memref_slice %arg2[%dma_start3A_401, %dma_start3A_402] : memref<10000x64xbf16, #tpu.memory_space<hbm>> -> memref<10000x64xbf16, #tpu.memory_space<hbm>>
        tpu.enqueue_indirect_dma source(%dma_start3A_403 : memref<10000x64xbf16, #tpu.memory_space<hbm>>) target(%arg13 : memref<128x64xbf16, #tpu.memory_space<vmem>>) offsets(%dma_start3A_400 : memref<128xi32, #tpu.memory_space<vmem>>) semaphore(%arg18 : memref<!tpu.dma_semaphore, #tpu.memory_space<semaphore_mem>>)
      } else {
      }
      %eq3A_312 = arith.constant 1 : i32
      %eq3A_313 = arith.cmpi eq, %arg0, %eq3A_312 : i32
      %convert_element_type3A_314 = arith.extui %eq3A_313 : i1 to i32
      %cond3A_315 = arith.constant 0 : i32
      %cond3A_316 = arith.cmpi ne, %convert_element_type3A_314, %cond3A_315 : i32
      scf.if %cond3A_316 {
        %dma_start3A_398 = arith.constant 0 : i32
        %dma_start3A_399 = tpu.memref_slice %arg8[%add3A_306, %dma_start3A_398] : memref<160x128xi32, #tpu.memory_space<vmem>> -> memref<1x128xi32, #tpu.memory_space<vmem>>
        %dma_start3A_400 = tpu.memref_squeeze %dma_start3A_399 : memref<1x128xi32, #tpu.memory_space<vmem>> -> memref<128xi32, #tpu.memory_space<vmem>>
        %dma_start3A_401 = arith.constant 0 : i32
        %dma_start3A_402 = arith.constant 0 : i32
        %dma_start3A_403 = tpu.memref_slice %arg3[%dma_start3A_401, %dma_start3A_402] : memref<10000x64xbf16, #tpu.memory_space<hbm>> -> memref<10000x64xbf16, #tpu.memory_space<hbm>>
        tpu.enqueue_indirect_dma source(%dma_start3A_403 : memref<10000x64xbf16, #tpu.memory_space<hbm>>) target(%arg13 : memref<128x64xbf16, #tpu.memory_space<vmem>>) offsets(%dma_start3A_400 : memref<128xi32, #tpu.memory_space<vmem>>) semaphore(%arg18 : memref<!tpu.dma_semaphore, #tpu.memory_space<semaphore_mem>>)
      } else {
      }
      %dma_wait3A_317 = arith.constant 0 : i32
      %dma_wait3A_318 = arith.constant 0 : i32
      %dma_wait3A_319 = tpu.memref_slice %arg8[%dma_wait3A_317, %dma_wait3A_318] : memref<160x128xi32, #tpu.memory_space<vmem>> -> memref<1x128xi32, #tpu.memory_space<vmem>>
      %dma_wait3A_320 = tpu.memref_squeeze %dma_wait3A_319 : memref<1x128xi32, #tpu.memory_space<vmem>> -> memref<128xi32, #tpu.memory_space<vmem>>
      %dma_wait3A_321 = arith.constant 0 : i32
      %dma_wait3A_322 = arith.constant 0 : i32
      %dma_wait3A_323 = tpu.memref_slice %arg2[%dma_wait3A_321, %dma_wait3A_322] : memref<10000x64xbf16, #tpu.memory_space<hbm>> -> memref<10000x64xbf16, #tpu.memory_space<hbm>>
      tpu.wait_indirect_dma semaphore(%arg16 : memref<!tpu.dma_semaphore, #tpu.memory_space<semaphore_mem>>) src(%dma_wait3A_323 : memref<10000x64xbf16, #tpu.memory_space<hbm>>) dst(%arg11 : memref<128x64xbf16, #tpu.memory_space<vmem>>)
      %dma_start3A_324 = arith.constant 0 : i32
      %dma_start3A_325 = tpu.memref_slice %arg9[%add3A_297, %dma_start3A_324] : memref<160x128xi32, #tpu.memory_space<vmem>> -> memref<1x128xi32, #tpu.memory_space<vmem>>
      %dma_start3A_326 = tpu.memref_squeeze %dma_start3A_325 : memref<1x128xi32, #tpu.memory_space<vmem>> -> memref<128xi32, #tpu.memory_space<vmem>>
      %dma_start3A_327 = arith.constant 0 : i32
      %dma_start3A_328 = arith.constant 0 : i32
      %dma_start3A_329 = tpu.memref_slice %arg14[%dma_start3A_327, %dma_start3A_328] : memref<10008x64xbf16, #tpu.memory_space<vmem_shared>> -> memref<10008x64xbf16, #tpu.memory_space<vmem_shared>>
      tpu.enqueue_indirect_dma source(%arg11 : memref<128x64xbf16, #tpu.memory_space<vmem>>) target(%dma_start3A_329 : memref<10008x64xbf16, #tpu.memory_space<vmem_shared>>) offsets(%dma_start3A_326 : memref<128xi32, #tpu.memory_space<vmem>>) semaphore(%arg20 : memref<!tpu.dma_semaphore, #tpu.memory_space<semaphore_mem>>) {add = true}
      %add3A_330 = arith.constant 2 : i32
      %add3A_331 = arith.addi %mul3A_262, %add3A_330 : i32
      %dma_wait3A_332 = arith.constant 0 : i32
      %dma_wait3A_333 = arith.constant 0 : i32
      %dma_wait3A_334 = tpu.memref_slice %arg9[%dma_wait3A_332, %dma_wait3A_333] : memref<160x128xi32, #tpu.memory_space<vmem>> -> memref<1x128xi32, #tpu.memory_space<vmem>>
      %dma_wait3A_335 = tpu.memref_squeeze %dma_wait3A_334 : memref<1x128xi32, #tpu.memory_space<vmem>> -> memref<128xi32, #tpu.memory_space<vmem>>
      %dma_wait3A_336 = arith.constant 0 : i32
      %dma_wait3A_337 = arith.constant 0 : i32
      %dma_wait3A_338 = tpu.memref_slice %arg14[%dma_wait3A_336, %dma_wait3A_337] : memref<10008x64xbf16, #tpu.memory_space<vmem_shared>> -> memref<10008x64xbf16, #tpu.memory_space<vmem_shared>>
      tpu.wait_indirect_dma semaphore(%arg19 : memref<!tpu.dma_semaphore, #tpu.memory_space<semaphore_mem>>) src(%arg10 : memref<128x64xbf16, #tpu.memory_space<vmem>>) dst(%dma_wait3A_338 : memref<10008x64xbf16, #tpu.memory_space<vmem_shared>>)
      %add3A_339 = arith.constant 2 : i32
      %add3A_340 = arith.addi %add3A_331, %add3A_339 : i32
      %eq3A_341 = arith.constant 0 : i32
      %eq3A_342 = arith.cmpi eq, %arg0, %eq3A_341 : i32
      %convert_element_type3A_343 = arith.extui %eq3A_342 : i1 to i32
      %cond3A_344 = arith.constant 0 : i32
      %cond3A_345 = arith.cmpi ne, %convert_element_type3A_343, %cond3A_344 : i32
      scf.if %cond3A_345 {
        %dma_start3A_398 = arith.constant 0 : i32
        %dma_start3A_399 = tpu.memref_slice %arg8[%add3A_340, %dma_start3A_398] : memref<160x128xi32, #tpu.memory_space<vmem>> -> memref<1x128xi32, #tpu.memory_space<vmem>>
        %dma_start3A_400 = tpu.memref_squeeze %dma_start3A_399 : memref<1x128xi32, #tpu.memory_space<vmem>> -> memref<128xi32, #tpu.memory_space<vmem>>
        %dma_start3A_401 = arith.constant 0 : i32
        %dma_start3A_402 = arith.constant 0 : i32
        %dma_start3A_403 = tpu.memref_slice %arg2[%dma_start3A_401, %dma_start3A_402] : memref<10000x64xbf16, #tpu.memory_space<hbm>> -> memref<10000x64xbf16, #tpu.memory_space<hbm>>
        tpu.enqueue_indirect_dma source(%dma_start3A_403 : memref<10000x64xbf16, #tpu.memory_space<hbm>>) target(%arg10 : memref<128x64xbf16, #tpu.memory_space<vmem>>) offsets(%dma_start3A_400 : memref<128xi32, #tpu.memory_space<vmem>>) semaphore(%arg15 : memref<!tpu.dma_semaphore, #tpu.memory_space<semaphore_mem>>)
      } else {
      }
      %eq3A_346 = arith.constant 1 : i32
      %eq3A_347 = arith.cmpi eq, %arg0, %eq3A_346 : i32
      %convert_element_type3A_348 = arith.extui %eq3A_347 : i1 to i32
      %cond3A_349 = arith.constant 0 : i32
      %cond3A_350 = arith.cmpi ne, %convert_element_type3A_348, %cond3A_349 : i32
      scf.if %cond3A_350 {
        %dma_start3A_398 = arith.constant 0 : i32
        %dma_start3A_399 = tpu.memref_slice %arg8[%add3A_340, %dma_start3A_398] : memref<160x128xi32, #tpu.memory_space<vmem>> -> memref<1x128xi32, #tpu.memory_space<vmem>>
        %dma_start3A_400 = tpu.memref_squeeze %dma_start3A_399 : memref<1x128xi32, #tpu.memory_space<vmem>> -> memref<128xi32, #tpu.memory_space<vmem>>
        %dma_start3A_401 = arith.constant 0 : i32
        %dma_start3A_402 = arith.constant 0 : i32
        %dma_start3A_403 = tpu.memref_slice %arg3[%dma_start3A_401, %dma_start3A_402] : memref<10000x64xbf16, #tpu.memory_space<hbm>> -> memref<10000x64xbf16, #tpu.memory_space<hbm>>
        tpu.enqueue_indirect_dma source(%dma_start3A_403 : memref<10000x64xbf16, #tpu.memory_space<hbm>>) target(%arg10 : memref<128x64xbf16, #tpu.memory_space<vmem>>) offsets(%dma_start3A_400 : memref<128xi32, #tpu.memory_space<vmem>>) semaphore(%arg15 : memref<!tpu.dma_semaphore, #tpu.memory_space<semaphore_mem>>)
      } else {
      }
      %dma_wait3A_351 = arith.constant 0 : i32
      %dma_wait3A_352 = arith.constant 0 : i32
      %dma_wait3A_353 = tpu.memref_slice %arg8[%dma_wait3A_351, %dma_wait3A_352] : memref<160x128xi32, #tpu.memory_space<vmem>> -> memref<1x128xi32, #tpu.memory_space<vmem>>
      %dma_wait3A_354 = tpu.memref_squeeze %dma_wait3A_353 : memref<1x128xi32, #tpu.memory_space<vmem>> -> memref<128xi32, #tpu.memory_space<vmem>>
      %dma_wait3A_355 = arith.constant 0 : i32
      %dma_wait3A_356 = arith.constant 0 : i32
      %dma_wait3A_357 = tpu.memref_slice %arg2[%dma_wait3A_355, %dma_wait3A_356] : memref<10000x64xbf16, #tpu.memory_space<hbm>> -> memref<10000x64xbf16, #tpu.memory_space<hbm>>
      tpu.wait_indirect_dma semaphore(%arg17 : memref<!tpu.dma_semaphore, #tpu.memory_space<semaphore_mem>>) src(%dma_wait3A_357 : memref<10000x64xbf16, #tpu.memory_space<hbm>>) dst(%arg12 : memref<128x64xbf16, #tpu.memory_space<vmem>>)
      %dma_start3A_358 = arith.constant 0 : i32
      %dma_start3A_359 = tpu.memref_slice %arg9[%add3A_331, %dma_start3A_358] : memref<160x128xi32, #tpu.memory_space<vmem>> -> memref<1x128xi32, #tpu.memory_space<vmem>>
      %dma_start3A_360 = tpu.memref_squeeze %dma_start3A_359 : memref<1x128xi32, #tpu.memory_space<vmem>> -> memref<128xi32, #tpu.memory_space<vmem>>
      %dma_start3A_361 = arith.constant 0 : i32
      %dma_start3A_362 = arith.constant 0 : i32
      %dma_start3A_363 = tpu.memref_slice %arg14[%dma_start3A_361, %dma_start3A_362] : memref<10008x64xbf16, #tpu.memory_space<vmem_shared>> -> memref<10008x64xbf16, #tpu.memory_space<vmem_shared>>
      tpu.enqueue_indirect_dma source(%arg12 : memref<128x64xbf16, #tpu.memory_space<vmem>>) target(%dma_start3A_363 : memref<10008x64xbf16, #tpu.memory_space<vmem_shared>>) offsets(%dma_start3A_360 : memref<128xi32, #tpu.memory_space<vmem>>) semaphore(%arg21 : memref<!tpu.dma_semaphore, #tpu.memory_space<semaphore_mem>>) {add = true}
      %add3A_364 = arith.constant 3 : i32
      %add3A_365 = arith.addi %mul3A_262, %add3A_364 : i32
      %dma_wait3A_366 = arith.constant 0 : i32
      %dma_wait3A_367 = arith.constant 0 : i32
      %dma_wait3A_368 = tpu.memref_slice %arg9[%dma_wait3A_366, %dma_wait3A_367] : memref<160x128xi32, #tpu.memory_space<vmem>> -> memref<1x128xi32, #tpu.memory_space<vmem>>
      %dma_wait3A_369 = tpu.memref_squeeze %dma_wait3A_368 : memref<1x128xi32, #tpu.memory_space<vmem>> -> memref<128xi32, #tpu.memory_space<vmem>>
      %dma_wait3A_370 = arith.constant 0 : i32
      %dma_wait3A_371 = arith.constant 0 : i32
      %dma_wait3A_372 = tpu.memref_slice %arg14[%dma_wait3A_370, %dma_wait3A_371] : memref<10008x64xbf16, #tpu.memory_space<vmem_shared>> -> memref<10008x64xbf16, #tpu.memory_space<vmem_shared>>
      tpu.wait_indirect_dma semaphore(%arg20 : memref<!tpu.dma_semaphore, #tpu.memory_space<semaphore_mem>>) src(%arg11 : memref<128x64xbf16, #tpu.memory_space<vmem>>) dst(%dma_wait3A_372 : memref<10008x64xbf16, #tpu.memory_space<vmem_shared>>)
      %add3A_373 = arith.constant 2 : i32
      %add3A_374 = arith.addi %add3A_365, %add3A_373 : i32
      %eq3A_375 = arith.constant 0 : i32
      %eq3A_376 = arith.cmpi eq, %arg0, %eq3A_375 : i32
      %convert_element_type3A_377 = arith.extui %eq3A_376 : i1 to i32
      %cond3A_378 = arith.constant 0 : i32
      %cond3A_379 = arith.cmpi ne, %convert_element_type3A_377, %cond3A_378 : i32
      scf.if %cond3A_379 {
        %dma_start3A_398 = arith.constant 0 : i32
        %dma_start3A_399 = tpu.memref_slice %arg8[%add3A_374, %dma_start3A_398] : memref<160x128xi32, #tpu.memory_space<vmem>> -> memref<1x128xi32, #tpu.memory_space<vmem>>
        %dma_start3A_400 = tpu.memref_squeeze %dma_start3A_399 : memref<1x128xi32, #tpu.memory_space<vmem>> -> memref<128xi32, #tpu.memory_space<vmem>>
        %dma_start3A_401 = arith.constant 0 : i32
        %dma_start3A_402 = arith.constant 0 : i32
        %dma_start3A_403 = tpu.memref_slice %arg2[%dma_start3A_401, %dma_start3A_402] : memref<10000x64xbf16, #tpu.memory_space<hbm>> -> memref<10000x64xbf16, #tpu.memory_space<hbm>>
        tpu.enqueue_indirect_dma source(%dma_start3A_403 : memref<10000x64xbf16, #tpu.memory_space<hbm>>) target(%arg11 : memref<128x64xbf16, #tpu.memory_space<vmem>>) offsets(%dma_start3A_400 : memref<128xi32, #tpu.memory_space<vmem>>) semaphore(%arg16 : memref<!tpu.dma_semaphore, #tpu.memory_space<semaphore_mem>>)
      } else {
      }
      %eq3A_380 = arith.constant 1 : i32
      %eq3A_381 = arith.cmpi eq, %arg0, %eq3A_380 : i32
      %convert_element_type3A_382 = arith.extui %eq3A_381 : i1 to i32
      %cond3A_383 = arith.constant 0 : i32
      %cond3A_384 = arith.cmpi ne, %convert_element_type3A_382, %cond3A_383 : i32
      scf.if %cond3A_384 {
        %dma_start3A_398 = arith.constant 0 : i32
        %dma_start3A_399 = tpu.memref_slice %arg8[%add3A_374, %dma_start3A_398] : memref<160x128xi32, #tpu.memory_space<vmem>> -> memref<1x128xi32, #tpu.memory_space<vmem>>
        %dma_start3A_400 = tpu.memref_squeeze %dma_start3A_399 : memref<1x128xi32, #tpu.memory_space<vmem>> -> memref<128xi32, #tpu.memory_space<vmem>>
        %dma_start3A_401 = arith.constant 0 : i32
        %dma_start3A_402 = arith.constant 0 : i32
        %dma_start3A_403 = tpu.memref_slice %arg3[%dma_start3A_401, %dma_start3A_402] : memref<10000x64xbf16, #tpu.memory_space<hbm>> -> memref<10000x64xbf16, #tpu.memory_space<hbm>>
        tpu.enqueue_indirect_dma source(%dma_start3A_403 : memref<10000x64xbf16, #tpu.memory_space<hbm>>) target(%arg11 : memref<128x64xbf16, #tpu.memory_space<vmem>>) offsets(%dma_start3A_400 : memref<128xi32, #tpu.memory_space<vmem>>) semaphore(%arg16 : memref<!tpu.dma_semaphore, #tpu.memory_space<semaphore_mem>>)
      } else {
      }
      %dma_wait3A_385 = arith.constant 0 : i32
      %dma_wait3A_386 = arith.constant 0 : i32
      %dma_wait3A_387 = tpu.memref_slice %arg8[%dma_wait3A_385, %dma_wait3A_386] : memref<160x128xi32, #tpu.memory_space<vmem>> -> memref<1x128xi32, #tpu.memory_space<vmem>>
      %dma_wait3A_388 = tpu.memref_squeeze %dma_wait3A_387 : memref<1x128xi32, #tpu.memory_space<vmem>> -> memref<128xi32, #tpu.memory_space<vmem>>
      %dma_wait3A_389 = arith.constant 0 : i32
      %dma_wait3A_390 = arith.constant 0 : i32
      %dma_wait3A_391 = tpu.memref_slice %arg2[%dma_wait3A_389, %dma_wait3A_390] : memref<10000x64xbf16, #tpu.memory_space<hbm>> -> memref<10000x64xbf16, #tpu.memory_space<hbm>>
      tpu.wait_indirect_dma semaphore(%arg18 : memref<!tpu.dma_semaphore, #tpu.memory_space<semaphore_mem>>) src(%dma_wait3A_391 : memref<10000x64xbf16, #tpu.memory_space<hbm>>) dst(%arg13 : memref<128x64xbf16, #tpu.memory_space<vmem>>)
      %dma_start3A_392 = arith.constant 0 : i32
      %dma_start3A_393 = tpu.memref_slice %arg9[%add3A_365, %dma_start3A_392] : memref<160x128xi32, #tpu.memory_space<vmem>> -> memref<1x128xi32, #tpu.memory_space<vmem>>
      %dma_start3A_394 = tpu.memref_squeeze %dma_start3A_393 : memref<1x128xi32, #tpu.memory_space<vmem>> -> memref<128xi32, #tpu.memory_space<vmem>>
      %dma_start3A_395 = arith.constant 0 : i32
      %dma_start3A_396 = arith.constant 0 : i32
      %dma_start3A_397 = tpu.memref_slice %arg14[%dma_start3A_395, %dma_start3A_396] : memref<10008x64xbf16, #tpu.memory_space<vmem_shared>> -> memref<10008x64xbf16, #tpu.memory_space<vmem_shared>>
      tpu.enqueue_indirect_dma source(%arg13 : memref<128x64xbf16, #tpu.memory_space<vmem>>) target(%dma_start3A_397 : memref<10008x64xbf16, #tpu.memory_space<vmem_shared>>) offsets(%dma_start3A_394 : memref<128xi32, #tpu.memory_space<vmem>>) semaphore(%arg22 : memref<!tpu.dma_semaphore, #tpu.memory_space<semaphore_mem>>) {add = true}
    }
    %scan3A_134 = arith.constant 38 : i32
    %dma_wait3A_135 = arith.constant 0 : i32
    %dma_wait3A_136 = arith.constant 0 : i32
    %dma_wait3A_137 = tpu.memref_slice %arg9[%dma_wait3A_135, %dma_wait3A_136] : memref<160x128xi32, #tpu.memory_space<vmem>> -> memref<1x128xi32, #tpu.memory_space<vmem>>
    %dma_wait3A_138 = tpu.memref_squeeze %dma_wait3A_137 : memref<1x128xi32, #tpu.memory_space<vmem>> -> memref<128xi32, #tpu.memory_space<vmem>>
    %dma_wait3A_139 = arith.constant 0 : i32
    %dma_wait3A_140 = arith.constant 0 : i32
    %dma_wait3A_141 = tpu.memref_slice %arg14[%dma_wait3A_139, %dma_wait3A_140] : memref<10008x64xbf16, #tpu.memory_space<vmem_shared>> -> memref<10008x64xbf16, #tpu.memory_space<vmem_shared>>
    tpu.wait_indirect_dma semaphore(%arg21 : memref<!tpu.dma_semaphore, #tpu.memory_space<semaphore_mem>>) src(%arg12 : memref<128x64xbf16, #tpu.memory_space<vmem>>) dst(%dma_wait3A_141 : memref<10008x64xbf16, #tpu.memory_space<vmem_shared>>)
    %eq3A_142 = arith.constant 0 : i32
    %eq3A_143 = arith.cmpi eq, %arg0, %eq3A_142 : i32
    %convert_element_type3A_144 = arith.extui %eq3A_143 : i1 to i32
    %cond3A_145 = arith.constant 0 : i32
    %cond3A_146 = arith.cmpi ne, %convert_element_type3A_144, %cond3A_145 : i32
    scf.if %cond3A_146 {
      %dma_start3A_260 = arith.constant 158 : i32
      %dma_start3A_261 = arith.constant 0 : i32
      %dma_start3A_262 = tpu.memref_slice %arg8[%dma_start3A_260, %dma_start3A_261] : memref<160x128xi32, #tpu.memory_space<vmem>> -> memref<1x128xi32, #tpu.memory_space<vmem>>
      %dma_start3A_263 = tpu.memref_squeeze %dma_start3A_262 : memref<1x128xi32, #tpu.memory_space<vmem>> -> memref<128xi32, #tpu.memory_space<vmem>>
      %dma_start3A_264 = arith.constant 0 : i32
      %dma_start3A_265 = arith.constant 0 : i32
      %dma_start3A_266 = tpu.memref_slice %arg2[%dma_start3A_264, %dma_start3A_265] : memref<10000x64xbf16, #tpu.memory_space<hbm>> -> memref<10000x64xbf16, #tpu.memory_space<hbm>>
      tpu.enqueue_indirect_dma source(%dma_start3A_266 : memref<10000x64xbf16, #tpu.memory_space<hbm>>) target(%arg12 : memref<128x64xbf16, #tpu.memory_space<vmem>>) offsets(%dma_start3A_263 : memref<128xi32, #tpu.memory_space<vmem>>) semaphore(%arg17 : memref<!tpu.dma_semaphore, #tpu.memory_space<semaphore_mem>>)
    } else {
    }
    %eq3A_147 = arith.constant 1 : i32
    %eq3A_148 = arith.cmpi eq, %arg0, %eq3A_147 : i32
    %convert_element_type3A_149 = arith.extui %eq3A_148 : i1 to i32
    %cond3A_150 = arith.constant 0 : i32
    %cond3A_151 = arith.cmpi ne, %convert_element_type3A_149, %cond3A_150 : i32
    scf.if %cond3A_151 {
      %dma_start3A_260 = arith.constant 158 : i32
      %dma_start3A_261 = arith.constant 0 : i32
      %dma_start3A_262 = tpu.memref_slice %arg8[%dma_start3A_260, %dma_start3A_261] : memref<160x128xi32, #tpu.memory_space<vmem>> -> memref<1x128xi32, #tpu.memory_space<vmem>>
      %dma_start3A_263 = tpu.memref_squeeze %dma_start3A_262 : memref<1x128xi32, #tpu.memory_space<vmem>> -> memref<128xi32, #tpu.memory_space<vmem>>
      %dma_start3A_264 = arith.constant 0 : i32
      %dma_start3A_265 = arith.constant 0 : i32
      %dma_start3A_266 = tpu.memref_slice %arg3[%dma_start3A_264, %dma_start3A_265] : memref<10000x64xbf16, #tpu.memory_space<hbm>> -> memref<10000x64xbf16, #tpu.memory_space<hbm>>
      tpu.enqueue_indirect_dma source(%dma_start3A_266 : memref<10000x64xbf16, #tpu.memory_space<hbm>>) target(%arg12 : memref<128x64xbf16, #tpu.memory_space<vmem>>) offsets(%dma_start3A_263 : memref<128xi32, #tpu.memory_space<vmem>>) semaphore(%arg17 : memref<!tpu.dma_semaphore, #tpu.memory_space<semaphore_mem>>)
    } else {
    }
    %dma_wait3A_152 = arith.constant 0 : i32
    %dma_wait3A_153 = arith.constant 0 : i32
    %dma_wait3A_154 = tpu.memref_slice %arg8[%dma_wait3A_152, %dma_wait3A_153] : memref<160x128xi32, #tpu.memory_space<vmem>> -> memref<1x128xi32, #tpu.memory_space<vmem>>
    %dma_wait3A_155 = tpu.memref_squeeze %dma_wait3A_154 : memref<1x128xi32, #tpu.memory_space<vmem>> -> memref<128xi32, #tpu.memory_space<vmem>>
    %dma_wait3A_156 = arith.constant 0 : i32
    %dma_wait3A_157 = arith.constant 0 : i32
    %dma_wait3A_158 = tpu.memref_slice %arg2[%dma_wait3A_156, %dma_wait3A_157] : memref<10000x64xbf16, #tpu.memory_space<hbm>> -> memref<10000x64xbf16, #tpu.memory_space<hbm>>
    tpu.wait_indirect_dma semaphore(%arg15 : memref<!tpu.dma_semaphore, #tpu.memory_space<semaphore_mem>>) src(%dma_wait3A_158 : memref<10000x64xbf16, #tpu.memory_space<hbm>>) dst(%arg10 : memref<128x64xbf16, #tpu.memory_space<vmem>>)
    %dma_start3A_159 = arith.constant 156 : i32
    %dma_start3A_160 = arith.constant 0 : i32
    %dma_start3A_161 = tpu.memref_slice %arg9[%dma_start3A_159, %dma_start3A_160] : memref<160x128xi32, #tpu.memory_space<vmem>> -> memref<1x128xi32, #tpu.memory_space<vmem>>
    %dma_start3A_162 = tpu.memref_squeeze %dma_start3A_161 : memref<1x128xi32, #tpu.memory_space<vmem>> -> memref<128xi32, #tpu.memory_space<vmem>>
    %dma_start3A_163 = arith.constant 0 : i32
    %dma_start3A_164 = arith.constant 0 : i32
    %dma_start3A_165 = tpu.memref_slice %arg14[%dma_start3A_163, %dma_start3A_164] : memref<10008x64xbf16, #tpu.memory_space<vmem_shared>> -> memref<10008x64xbf16, #tpu.memory_space<vmem_shared>>
    tpu.enqueue_indirect_dma source(%arg10 : memref<128x64xbf16, #tpu.memory_space<vmem>>) target(%dma_start3A_165 : memref<10008x64xbf16, #tpu.memory_space<vmem_shared>>) offsets(%dma_start3A_162 : memref<128xi32, #tpu.memory_space<vmem>>) semaphore(%arg19 : memref<!tpu.dma_semaphore, #tpu.memory_space<semaphore_mem>>) {add = true}
    %dma_wait3A_166 = arith.constant 0 : i32
    %dma_wait3A_167 = arith.constant 0 : i32
    %dma_wait3A_168 = tpu.memref_slice %arg9[%dma_wait3A_166, %dma_wait3A_167] : memref<160x128xi32, #tpu.memory_space<vmem>> -> memref<1x128xi32, #tpu.memory_space<vmem>>
    %dma_wait3A_169 = tpu.memref_squeeze %dma_wait3A_168 : memref<1x128xi32, #tpu.memory_space<vmem>> -> memref<128xi32, #tpu.memory_space<vmem>>
    %dma_wait3A_170 = arith.constant 0 : i32
    %dma_wait3A_171 = arith.constant 0 : i32
    %dma_wait3A_172 = tpu.memref_slice %arg14[%dma_wait3A_170, %dma_wait3A_171] : memref<10008x64xbf16, #tpu.memory_space<vmem_shared>> -> memref<10008x64xbf16, #tpu.memory_space<vmem_shared>>
    tpu.wait_indirect_dma semaphore(%arg22 : memref<!tpu.dma_semaphore, #tpu.memory_space<semaphore_mem>>) src(%arg13 : memref<128x64xbf16, #tpu.memory_space<vmem>>) dst(%dma_wait3A_172 : memref<10008x64xbf16, #tpu.memory_space<vmem_shared>>)
    %eq3A_173 = arith.constant 0 : i32
    %eq3A_174 = arith.cmpi eq, %arg0, %eq3A_173 : i32
    %convert_element_type3A_175 = arith.extui %eq3A_174 : i1 to i32
    %cond3A_176 = arith.constant 0 : i32
    %cond3A_177 = arith.cmpi ne, %convert_element_type3A_175, %cond3A_176 : i32
    scf.if %cond3A_177 {
      %dma_start3A_260 = arith.constant 159 : i32
      %dma_start3A_261 = arith.constant 0 : i32
      %dma_start3A_262 = tpu.memref_slice %arg8[%dma_start3A_260, %dma_start3A_261] : memref<160x128xi32, #tpu.memory_space<vmem>> -> memref<1x128xi32, #tpu.memory_space<vmem>>
      %dma_start3A_263 = tpu.memref_squeeze %dma_start3A_262 : memref<1x128xi32, #tpu.memory_space<vmem>> -> memref<128xi32, #tpu.memory_space<vmem>>
      %dma_start3A_264 = arith.constant 0 : i32
      %dma_start3A_265 = arith.constant 0 : i32
      %dma_start3A_266 = tpu.memref_slice %arg2[%dma_start3A_264, %dma_start3A_265] : memref<10000x64xbf16, #tpu.memory_space<hbm>> -> memref<10000x64xbf16, #tpu.memory_space<hbm>>
      tpu.enqueue_indirect_dma source(%dma_start3A_266 : memref<10000x64xbf16, #tpu.memory_space<hbm>>) target(%arg13 : memref<128x64xbf16, #tpu.memory_space<vmem>>) offsets(%dma_start3A_263 : memref<128xi32, #tpu.memory_space<vmem>>) semaphore(%arg18 : memref<!tpu.dma_semaphore, #tpu.memory_space<semaphore_mem>>)
    } else {
    }
    %eq3A_178 = arith.constant 1 : i32
    %eq3A_179 = arith.cmpi eq, %arg0, %eq3A_178 : i32
    %convert_element_type3A_180 = arith.extui %eq3A_179 : i1 to i32
    %cond3A_181 = arith.constant 0 : i32
    %cond3A_182 = arith.cmpi ne, %convert_element_type3A_180, %cond3A_181 : i32
    scf.if %cond3A_182 {
      %dma_start3A_260 = arith.constant 159 : i32
      %dma_start3A_261 = arith.constant 0 : i32
      %dma_start3A_262 = tpu.memref_slice %arg8[%dma_start3A_260, %dma_start3A_261] : memref<160x128xi32, #tpu.memory_space<vmem>> -> memref<1x128xi32, #tpu.memory_space<vmem>>
      %dma_start3A_263 = tpu.memref_squeeze %dma_start3A_262 : memref<1x128xi32, #tpu.memory_space<vmem>> -> memref<128xi32, #tpu.memory_space<vmem>>
      %dma_start3A_264 = arith.constant 0 : i32
      %dma_start3A_265 = arith.constant 0 : i32
      %dma_start3A_266 = tpu.memref_slice %arg3[%dma_start3A_264, %dma_start3A_265] : memref<10000x64xbf16, #tpu.memory_space<hbm>> -> memref<10000x64xbf16, #tpu.memory_space<hbm>>
      tpu.enqueue_indirect_dma source(%dma_start3A_266 : memref<10000x64xbf16, #tpu.memory_space<hbm>>) target(%arg13 : memref<128x64xbf16, #tpu.memory_space<vmem>>) offsets(%dma_start3A_263 : memref<128xi32, #tpu.memory_space<vmem>>) semaphore(%arg18 : memref<!tpu.dma_semaphore, #tpu.memory_space<semaphore_mem>>)
    } else {
    }
    %dma_wait3A_183 = arith.constant 0 : i32
    %dma_wait3A_184 = arith.constant 0 : i32
    %dma_wait3A_185 = tpu.memref_slice %arg8[%dma_wait3A_183, %dma_wait3A_184] : memref<160x128xi32, #tpu.memory_space<vmem>> -> memref<1x128xi32, #tpu.memory_space<vmem>>
    %dma_wait3A_186 = tpu.memref_squeeze %dma_wait3A_185 : memref<1x128xi32, #tpu.memory_space<vmem>> -> memref<128xi32, #tpu.memory_space<vmem>>
    %dma_wait3A_187 = arith.constant 0 : i32
    %dma_wait3A_188 = arith.constant 0 : i32
    %dma_wait3A_189 = tpu.memref_slice %arg2[%dma_wait3A_187, %dma_wait3A_188] : memref<10000x64xbf16, #tpu.memory_space<hbm>> -> memref<10000x64xbf16, #tpu.memory_space<hbm>>
    tpu.wait_indirect_dma semaphore(%arg16 : memref<!tpu.dma_semaphore, #tpu.memory_space<semaphore_mem>>) src(%dma_wait3A_189 : memref<10000x64xbf16, #tpu.memory_space<hbm>>) dst(%arg11 : memref<128x64xbf16, #tpu.memory_space<vmem>>)
    %dma_start3A_190 = arith.constant 157 : i32
    %dma_start3A_191 = arith.constant 0 : i32
    %dma_start3A_192 = tpu.memref_slice %arg9[%dma_start3A_190, %dma_start3A_191] : memref<160x128xi32, #tpu.memory_space<vmem>> -> memref<1x128xi32, #tpu.memory_space<vmem>>
    %dma_start3A_193 = tpu.memref_squeeze %dma_start3A_192 : memref<1x128xi32, #tpu.memory_space<vmem>> -> memref<128xi32, #tpu.memory_space<vmem>>
    %dma_start3A_194 = arith.constant 0 : i32
    %dma_start3A_195 = arith.constant 0 : i32
    %dma_start3A_196 = tpu.memref_slice %arg14[%dma_start3A_194, %dma_start3A_195] : memref<10008x64xbf16, #tpu.memory_space<vmem_shared>> -> memref<10008x64xbf16, #tpu.memory_space<vmem_shared>>
    tpu.enqueue_indirect_dma source(%arg11 : memref<128x64xbf16, #tpu.memory_space<vmem>>) target(%dma_start3A_196 : memref<10008x64xbf16, #tpu.memory_space<vmem_shared>>) offsets(%dma_start3A_193 : memref<128xi32, #tpu.memory_space<vmem>>) semaphore(%arg20 : memref<!tpu.dma_semaphore, #tpu.memory_space<semaphore_mem>>) {add = true}
    %dma_wait3A_197 = arith.constant 0 : i32
    %dma_wait3A_198 = arith.constant 0 : i32
    %dma_wait3A_199 = tpu.memref_slice %arg8[%dma_wait3A_197, %dma_wait3A_198] : memref<160x128xi32, #tpu.memory_space<vmem>> -> memref<1x128xi32, #tpu.memory_space<vmem>>
    %dma_wait3A_200 = tpu.memref_squeeze %dma_wait3A_199 : memref<1x128xi32, #tpu.memory_space<vmem>> -> memref<128xi32, #tpu.memory_space<vmem>>
    %dma_wait3A_201 = arith.constant 0 : i32
    %dma_wait3A_202 = arith.constant 0 : i32
    %dma_wait3A_203 = tpu.memref_slice %arg2[%dma_wait3A_201, %dma_wait3A_202] : memref<10000x64xbf16, #tpu.memory_space<hbm>> -> memref<10000x64xbf16, #tpu.memory_space<hbm>>
    tpu.wait_indirect_dma semaphore(%arg17 : memref<!tpu.dma_semaphore, #tpu.memory_space<semaphore_mem>>) src(%dma_wait3A_203 : memref<10000x64xbf16, #tpu.memory_space<hbm>>) dst(%arg12 : memref<128x64xbf16, #tpu.memory_space<vmem>>)
    %dma_start3A_204 = arith.constant 158 : i32
    %dma_start3A_205 = arith.constant 0 : i32
    %dma_start3A_206 = tpu.memref_slice %arg9[%dma_start3A_204, %dma_start3A_205] : memref<160x128xi32, #tpu.memory_space<vmem>> -> memref<1x128xi32, #tpu.memory_space<vmem>>
    %dma_start3A_207 = tpu.memref_squeeze %dma_start3A_206 : memref<1x128xi32, #tpu.memory_space<vmem>> -> memref<128xi32, #tpu.memory_space<vmem>>
    %dma_start3A_208 = arith.constant 0 : i32
    %dma_start3A_209 = arith.constant 0 : i32
    %dma_start3A_210 = tpu.memref_slice %arg14[%dma_start3A_208, %dma_start3A_209] : memref<10008x64xbf16, #tpu.memory_space<vmem_shared>> -> memref<10008x64xbf16, #tpu.memory_space<vmem_shared>>
    tpu.enqueue_indirect_dma source(%arg12 : memref<128x64xbf16, #tpu.memory_space<vmem>>) target(%dma_start3A_210 : memref<10008x64xbf16, #tpu.memory_space<vmem_shared>>) offsets(%dma_start3A_207 : memref<128xi32, #tpu.memory_space<vmem>>) semaphore(%arg21 : memref<!tpu.dma_semaphore, #tpu.memory_space<semaphore_mem>>) {add = true}
    %dma_wait3A_211 = arith.constant 0 : i32
    %dma_wait3A_212 = arith.constant 0 : i32
    %dma_wait3A_213 = tpu.memref_slice %arg8[%dma_wait3A_211, %dma_wait3A_212] : memref<160x128xi32, #tpu.memory_space<vmem>> -> memref<1x128xi32, #tpu.memory_space<vmem>>
    %dma_wait3A_214 = tpu.memref_squeeze %dma_wait3A_213 : memref<1x128xi32, #tpu.memory_space<vmem>> -> memref<128xi32, #tpu.memory_space<vmem>>
    %dma_wait3A_215 = arith.constant 0 : i32
    %dma_wait3A_216 = arith.constant 0 : i32
    %dma_wait3A_217 = tpu.memref_slice %arg2[%dma_wait3A_215, %dma_wait3A_216] : memref<10000x64xbf16, #tpu.memory_space<hbm>> -> memref<10000x64xbf16, #tpu.memory_space<hbm>>
    tpu.wait_indirect_dma semaphore(%arg18 : memref<!tpu.dma_semaphore, #tpu.memory_space<semaphore_mem>>) src(%dma_wait3A_217 : memref<10000x64xbf16, #tpu.memory_space<hbm>>) dst(%arg13 : memref<128x64xbf16, #tpu.memory_space<vmem>>)
    %dma_start3A_218 = arith.constant 159 : i32
    %dma_start3A_219 = arith.constant 0 : i32
    %dma_start3A_220 = tpu.memref_slice %arg9[%dma_start3A_218, %dma_start3A_219] : memref<160x128xi32, #tpu.memory_space<vmem>> -> memref<1x128xi32, #tpu.memory_space<vmem>>
    %dma_start3A_221 = tpu.memref_squeeze %dma_start3A_220 : memref<1x128xi32, #tpu.memory_space<vmem>> -> memref<128xi32, #tpu.memory_space<vmem>>
    %dma_start3A_222 = arith.constant 0 : i32
    %dma_start3A_223 = arith.constant 0 : i32
    %dma_start3A_224 = tpu.memref_slice %arg14[%dma_start3A_222, %dma_start3A_223] : memref<10008x64xbf16, #tpu.memory_space<vmem_shared>> -> memref<10008x64xbf16, #tpu.memory_space<vmem_shared>>
    tpu.enqueue_indirect_dma source(%arg13 : memref<128x64xbf16, #tpu.memory_space<vmem>>) target(%dma_start3A_224 : memref<10008x64xbf16, #tpu.memory_space<vmem_shared>>) offsets(%dma_start3A_221 : memref<128xi32, #tpu.memory_space<vmem>>) semaphore(%arg22 : memref<!tpu.dma_semaphore, #tpu.memory_space<semaphore_mem>>) {add = true}
    %dma_wait3A_225 = arith.constant 0 : i32
    %dma_wait3A_226 = arith.constant 0 : i32
    %dma_wait3A_227 = tpu.memref_slice %arg9[%dma_wait3A_225, %dma_wait3A_226] : memref<160x128xi32, #tpu.memory_space<vmem>> -> memref<1x128xi32, #tpu.memory_space<vmem>>
    %dma_wait3A_228 = tpu.memref_squeeze %dma_wait3A_227 : memref<1x128xi32, #tpu.memory_space<vmem>> -> memref<128xi32, #tpu.memory_space<vmem>>
    %dma_wait3A_229 = arith.constant 0 : i32
    %dma_wait3A_230 = arith.constant 0 : i32
    %dma_wait3A_231 = tpu.memref_slice %arg14[%dma_wait3A_229, %dma_wait3A_230] : memref<10008x64xbf16, #tpu.memory_space<vmem_shared>> -> memref<10008x64xbf16, #tpu.memory_space<vmem_shared>>
    tpu.wait_indirect_dma semaphore(%arg19 : memref<!tpu.dma_semaphore, #tpu.memory_space<semaphore_mem>>) src(%arg10 : memref<128x64xbf16, #tpu.memory_space<vmem>>) dst(%dma_wait3A_231 : memref<10008x64xbf16, #tpu.memory_space<vmem_shared>>)
    %dma_wait3A_232 = arith.constant 0 : i32
    %dma_wait3A_233 = arith.constant 0 : i32
    %dma_wait3A_234 = tpu.memref_slice %arg9[%dma_wait3A_232, %dma_wait3A_233] : memref<160x128xi32, #tpu.memory_space<vmem>> -> memref<1x128xi32, #tpu.memory_space<vmem>>
    %dma_wait3A_235 = tpu.memref_squeeze %dma_wait3A_234 : memref<1x128xi32, #tpu.memory_space<vmem>> -> memref<128xi32, #tpu.memory_space<vmem>>
    %dma_wait3A_236 = arith.constant 0 : i32
    %dma_wait3A_237 = arith.constant 0 : i32
    %dma_wait3A_238 = tpu.memref_slice %arg14[%dma_wait3A_236, %dma_wait3A_237] : memref<10008x64xbf16, #tpu.memory_space<vmem_shared>> -> memref<10008x64xbf16, #tpu.memory_space<vmem_shared>>
    tpu.wait_indirect_dma semaphore(%arg20 : memref<!tpu.dma_semaphore, #tpu.memory_space<semaphore_mem>>) src(%arg11 : memref<128x64xbf16, #tpu.memory_space<vmem>>) dst(%dma_wait3A_238 : memref<10008x64xbf16, #tpu.memory_space<vmem_shared>>)
    %dma_wait3A_239 = arith.constant 0 : i32
    %dma_wait3A_240 = arith.constant 0 : i32
    %dma_wait3A_241 = tpu.memref_slice %arg9[%dma_wait3A_239, %dma_wait3A_240] : memref<160x128xi32, #tpu.memory_space<vmem>> -> memref<1x128xi32, #tpu.memory_space<vmem>>
    %dma_wait3A_242 = tpu.memref_squeeze %dma_wait3A_241 : memref<1x128xi32, #tpu.memory_space<vmem>> -> memref<128xi32, #tpu.memory_space<vmem>>
    %dma_wait3A_243 = arith.constant 0 : i32
    %dma_wait3A_244 = arith.constant 0 : i32
    %dma_wait3A_245 = tpu.memref_slice %arg14[%dma_wait3A_243, %dma_wait3A_244] : memref<10008x64xbf16, #tpu.memory_space<vmem_shared>> -> memref<10008x64xbf16, #tpu.memory_space<vmem_shared>>
    tpu.wait_indirect_dma semaphore(%arg21 : memref<!tpu.dma_semaphore, #tpu.memory_space<semaphore_mem>>) src(%arg12 : memref<128x64xbf16, #tpu.memory_space<vmem>>) dst(%dma_wait3A_245 : memref<10008x64xbf16, #tpu.memory_space<vmem_shared>>)
    %dma_wait3A_246 = arith.constant 0 : i32
    %dma_wait3A_247 = arith.constant 0 : i32
    %dma_wait3A_248 = tpu.memref_slice %arg9[%dma_wait3A_246, %dma_wait3A_247] : memref<160x128xi32, #tpu.memory_space<vmem>> -> memref<1x128xi32, #tpu.memory_space<vmem>>
    %dma_wait3A_249 = tpu.memref_squeeze %dma_wait3A_248 : memref<1x128xi32, #tpu.memory_space<vmem>> -> memref<128xi32, #tpu.memory_space<vmem>>
    %dma_wait3A_250 = arith.constant 0 : i32
    %dma_wait3A_251 = arith.constant 0 : i32
    %dma_wait3A_252 = tpu.memref_slice %arg14[%dma_wait3A_250, %dma_wait3A_251] : memref<10008x64xbf16, #tpu.memory_space<vmem_shared>> -> memref<10008x64xbf16, #tpu.memory_space<vmem_shared>>
    tpu.wait_indirect_dma semaphore(%arg22 : memref<!tpu.dma_semaphore, #tpu.memory_space<semaphore_mem>>) src(%arg13 : memref<128x64xbf16, #tpu.memory_space<vmem>>) dst(%dma_wait3A_252 : memref<10008x64xbf16, #tpu.memory_space<vmem_shared>>)
    %barrier3A_253 = arith.constant 0 : index
    tpu.barrier barrier_id(%barrier3A_253)
    %mul3A_254 = arith.constant 625 : i32
    %mul3A_255 = arith.muli %arg1, %mul3A_254 : i32
    %mul3A_256 = arith.constant 625 : i32
    %mul3A_257 = arith.muli %arg1, %mul3A_256 : i32
    %mul3A_258 = arith.constant 64 : i32
    %mul3A_259 = arith.muli %arg0, %mul3A_258 : i32
    "tpu.region"() ({
      %run_scoped3A = tpu.sem_alloc : memref<!tpu.dma_semaphore, #tpu.memory_space<semaphore_mem>>
      %dma_start3A_260 = tpu.memref_slice %arg7[%mul3A_257, %mul3A_259] : memref<10000x128xbf16, #tpu.memory_space<hbm>> -> memref<625x64xbf16, #tpu.memory_space<hbm>>
      %dma_start3A_261 = arith.constant 0 : i32
      %dma_start3A_262 = tpu.memref_slice %arg14[%mul3A_255, %dma_start3A_261] : memref<10008x64xbf16, #tpu.memory_space<vmem_shared>> -> memref<625x64xbf16, #tpu.memory_space<vmem_shared>>
      tpu.enqueue_dma source(%dma_start3A_262 : memref<625x64xbf16, #tpu.memory_space<vmem_shared>>) target(%dma_start3A_260 : memref<625x64xbf16, #tpu.memory_space<hbm>>) target_semaphore(%run_scoped3A : memref<!tpu.dma_semaphore, #tpu.memory_space<semaphore_mem>>)
      %dma_wait3A_263 = tpu.memref_slice %arg7[%mul3A_257, %mul3A_259] : memref<10000x128xbf16, #tpu.memory_space<hbm>> -> memref<625x64xbf16, #tpu.memory_space<hbm>>
      %dma_wait3A_264 = arith.constant 0 : i32
      %dma_wait3A_265 = tpu.memref_slice %arg14[%mul3A_255, %dma_wait3A_264] : memref<10008x64xbf16, #tpu.memory_space<vmem_shared>> -> memref<625x64xbf16, #tpu.memory_space<vmem_shared>>
      tpu.wait_dma2 semaphore(%run_scoped3A : memref<!tpu.dma_semaphore, #tpu.memory_space<semaphore_mem>>) src(%dma_wait3A_265 : memref<625x64xbf16, #tpu.memory_space<vmem_shared>>) dst(%dma_wait3A_263 : memref<625x64xbf16, #tpu.memory_space<hbm>>)
      tpu.yield
    }) : () -> ()
    return
  }
}

module attributes {stable_mosaic.version = 14 : i64} {
  func.func @_tc_a_body(%arg0: i32, %arg1: memref<2000x128xf32, #tpu.memory_space<vmem>>, %arg2: memref<2000x32xf32, #tpu.memory_space<vmem>>, %arg3: memref<2000x64xbf16, #tpu.memory_space<vmem>>, %arg4: memref<2000x64xbf16, #tpu.memory_space<vmem>>, %arg5: memref<2000x1xf32, #tpu.memory_space<vmem>>) attributes {dimension_semantics = [#tpu.dimension_semantics<arbitrary>], iteration_bounds = array<i64: 5>, scalar_prefetch = 0 : i64, scratch_operands = 0 : i64, tpu.core_type = #tpu.core_type<tc>, window_params = [{transform_indices = @transform_0, window_bounds = array<i64: 2000, 128>}, {transform_indices = @transform_1, window_bounds = array<i64: 2000, 32>}, {transform_indices = @transform_2, window_bounds = array<i64: 2000, 64>}, {transform_indices = @transform_3, window_bounds = array<i64: 2000, 64>}, {transform_indices = @transform_4, window_bounds = array<i64: 2000, 1>}]} {
    %get3A = arith.constant 0 : index
    %get3A_0 = arith.constant 0 : index
    %get3A_1 = vector.load %arg2[%get3A, %get3A_0] : memref<2000x32xf32, #tpu.memory_space<vmem>>, vector<2000x32xf32>
    %reduce_sum3A = arith.constant dense<0.000000e+00> : vector<2000xf32>
    %reduce_sum3A_2 = vector.multi_reduction <add>, %get3A_1, %reduce_sum3A [1] : vector<2000x32xf32> to vector<2000xf32>
    %broadcast_in_dim3A = vector.shape_cast %reduce_sum3A_2 : vector<2000xf32> to vector<2000x1xf32>
    %add3A = arith.constant 1.000000e+00 : f32
    %add3A_3 = vector.broadcast %add3A : f32 to vector<2000x1xf32>
    %add3A_4 = arith.addf %broadcast_in_dim3A, %add3A_3 : vector<2000x1xf32>
    %rsqrt3A = math.rsqrt %add3A_4 : vector<2000x1xf32>
    %get3A_5 = arith.constant 0 : index
    %get3A_6 = arith.constant 0 : index
    %get3A_7 = vector.load %arg1[%get3A_5, %get3A_6] : memref<2000x128xf32, #tpu.memory_space<vmem>>, vector<2000x128xf32>
    %mul3A = vector.broadcast %rsqrt3A : vector<2000x1xf32> to vector<2000x128xf32>
    %mul3A_8 = arith.mulf %get3A_7, %mul3A : vector<2000x128xf32>
    %convert_element_type3A = arith.truncf %mul3A_8 : vector<2000x128xf32> to vector<2000x128xbf16>
    %slice3A = vector.extract_strided_slice %convert_element_type3A {offsets = [0, 0], sizes = [2000, 64], strides = [1, 1]} : vector<2000x128xbf16> to vector<2000x64xbf16>
    %swap3A = arith.constant 0 : index
    %swap3A_9 = arith.constant 0 : index
    %swap3A_10 = vector.load %arg3[%swap3A, %swap3A_9] : memref<2000x64xbf16, #tpu.memory_space<vmem>>, vector<2000x64xbf16>
    tpu.vector_store %arg3[%swap3A, %swap3A_9], %slice3A {strides = array<i32>} : memref<2000x64xbf16, #tpu.memory_space<vmem>>, vector<2000x64xbf16>,
    %slice3A_11 = vector.extract_strided_slice %convert_element_type3A {offsets = [0, 64], sizes = [2000, 64], strides = [1, 1]} : vector<2000x128xbf16> to vector<2000x64xbf16>
    %swap3A_12 = arith.constant 0 : index
    %swap3A_13 = arith.constant 0 : index
    %swap3A_14 = vector.load %arg4[%swap3A_12, %swap3A_13] : memref<2000x64xbf16, #tpu.memory_space<vmem>>, vector<2000x64xbf16>
    tpu.vector_store %arg4[%swap3A_12, %swap3A_13], %slice3A_11 {strides = array<i32>} : memref<2000x64xbf16, #tpu.memory_space<vmem>>, vector<2000x64xbf16>,
    %swap3A_15 = arith.constant 0 : index
    %swap3A_16 = arith.constant 0 : index
    %swap3A_17 = vector.load %arg5[%swap3A_15, %swap3A_16] : memref<2000x1xf32, #tpu.memory_space<vmem>>, vector<2000x1xf32>
    tpu.vector_store %arg5[%swap3A_15, %swap3A_16], %rsqrt3A {strides = array<i32>} : memref<2000x1xf32, #tpu.memory_space<vmem>>, vector<2000x1xf32>,
    return
  }
  func.func @transform_0(%arg0: i32) -> (i32, i32) {
    %c0_i32 = arith.constant 0 : i32
    %c0_i32_0 = arith.constant 0 : i32
    return %arg0, %c0_i32 : i32, i32
  }
  func.func @transform_1(%arg0: i32) -> (i32, i32) {
    %c0_i32 = arith.constant 0 : i32
    %c0_i32_0 = arith.constant 0 : i32
    return %arg0, %c0_i32 : i32, i32
  }
  func.func @transform_2(%arg0: i32) -> (i32, i32) {
    %c0_i32 = arith.constant 0 : i32
    %c0_i32_0 = arith.constant 0 : i32
    return %arg0, %c0_i32 : i32, i32
  }
  func.func @transform_3(%arg0: i32) -> (i32, i32) {
    %c0_i32 = arith.constant 0 : i32
    %c0_i32_0 = arith.constant 0 : i32
    return %arg0, %c0_i32 : i32, i32
  }
  func.func @transform_4(%arg0: i32) -> (i32, i32) {
    %c0_i32 = arith.constant 0 : i32
    %c0_i32_0 = arith.constant 0 : i32
    return %arg0, %c0_i32 : i32, i32
  }
}

module attributes {stable_mosaic.version = 14 : i64} {
  func.func @_tc_b_body(%arg0: i32, %arg1: memref<2000x128xbf16, #tpu.memory_space<vmem>>, %arg2: memref<2000x64xbf16, #tpu.memory_space<vmem>>, %arg3: memref<2000x64xbf16, #tpu.memory_space<vmem>>, %arg4: memref<2000x1xf32, #tpu.memory_space<vmem>>, %arg5: memref<128x256xf32, #tpu.memory_space<vmem>>, %arg6: memref<256xf32, #tpu.memory_space<vmem>>, %arg7: memref<256x128xf32, #tpu.memory_space<vmem>>, %arg8: memref<2000x64xbf16, #tpu.memory_space<vmem>>, %arg9: memref<2000x64xbf16, #tpu.memory_space<vmem>>) attributes {dimension_semantics = [#tpu.dimension_semantics<arbitrary>], iteration_bounds = array<i64: 5>, scalar_prefetch = 0 : i64, scratch_operands = 0 : i64, tpu.core_type = #tpu.core_type<tc>, window_params = [{transform_indices = @transform_0, window_bounds = array<i64: 2000, 128>}, {transform_indices = @transform_1, window_bounds = array<i64: 2000, 64>}, {transform_indices = @transform_2, window_bounds = array<i64: 2000, 64>}, {transform_indices = @transform_3, window_bounds = array<i64: 2000, 1>}, {pipeline_mode = #tpu.pipeline_mode<synchronous>, transform_indices = @transform_4, window_bounds = array<i64: 128, 256>}, {pipeline_mode = #tpu.pipeline_mode<synchronous>, transform_indices = @transform_5, window_bounds = array<i64: 256>}, {pipeline_mode = #tpu.pipeline_mode<synchronous>, transform_indices = @transform_6, window_bounds = array<i64: 256, 128>}, {transform_indices = @transform_7, window_bounds = array<i64: 2000, 64>}, {transform_indices = @transform_8, window_bounds = array<i64: 2000, 64>}]} {
    %get3A = arith.constant 0 : index
    %get3A_0 = arith.constant 0 : index
    %get3A_1 = vector.load %arg2[%get3A, %get3A_0] : memref<2000x64xbf16, #tpu.memory_space<vmem>>, vector<2000x64xbf16>
    %get3A_2 = arith.constant 0 : index
    %get3A_3 = arith.constant 0 : index
    %get3A_4 = vector.load %arg3[%get3A_2, %get3A_3] : memref<2000x64xbf16, #tpu.memory_space<vmem>>, vector<2000x64xbf16>
    %concatenate3A = tpu.concatenate %get3A_1, %get3A_4 in 1 : vector<2000x64xbf16>, vector<2000x64xbf16> -> vector<2000x128xbf16>
    %convert_element_type3A = arith.extf %concatenate3A : vector<2000x128xbf16> to vector<2000x128xf32>
    %get3A_5 = arith.constant 0 : index
    %get3A_6 = arith.constant 0 : index
    %get3A_7 = vector.load %arg4[%get3A_5, %get3A_6] : memref<2000x1xf32, #tpu.memory_space<vmem>>, vector<2000x1xf32>
    %get3A_8 = arith.constant 0 : index
    %get3A_9 = arith.constant 0 : index
    %get3A_10 = vector.load %arg1[%get3A_8, %get3A_9] : memref<2000x128xbf16, #tpu.memory_space<vmem>>, vector<2000x128xbf16>
    %convert_element_type3A_11 = arith.extf %get3A_10 : vector<2000x128xbf16> to vector<2000x128xf32>
    %add3A = arith.addf %convert_element_type3A_11, %convert_element_type3A : vector<2000x128xf32>
    %mul3A = vector.broadcast %get3A_7 : vector<2000x1xf32> to vector<2000x128xf32>
    %mul3A_12 = arith.mulf %add3A, %mul3A : vector<2000x128xf32>
    %get3A_13 = arith.constant 0 : index
    %get3A_14 = arith.constant 0 : index
    %get3A_15 = vector.load %arg5[%get3A_13, %get3A_14] : memref<128x256xf32, #tpu.memory_space<vmem>>, vector<128x256xf32>
    %dot_general3A = arith.constant dense<0.000000e+00> : vector<2000x256xf32>
    %dot_general3A_16 = tpu.matmul %mul3A_12, %get3A_15, %dot_general3A {dimension_numbers = #tpu.dot_dimension_numbers<[1], [0], [0], [1], [0, 0, 1, 1], [], []>, transpose_lhs_hint = false} : vector<2000x128xf32>, vector<128x256xf32>, vector<2000x256xf32> -> vector<2000x256xf32>
    %get3A_17 = arith.constant 0 : index
    %get3A_18 = vector.load %arg6[%get3A_17] : memref<256xf32, #tpu.memory_space<vmem>>, vector<256xf32>
    %broadcast_in_dim3A = vector.shape_cast %get3A_18 : vector<256xf32> to vector<1x256xf32>
    %add3A_19 = vector.broadcast %broadcast_in_dim3A : vector<1x256xf32> to vector<2000x256xf32>
    %add3A_20 = arith.addf %dot_general3A_16, %add3A_19 : vector<2000x256xf32>
    %max3A = arith.constant 0.000000e+00 : f32
    %max3A_21 = vector.broadcast %max3A : f32 to vector<2000x256xf32>
    %max3A_22 = arith.maximumf %add3A_20, %max3A_21 : vector<2000x256xf32>
    %get3A_23 = arith.constant 0 : index
    %get3A_24 = arith.constant 0 : index
    %get3A_25 = vector.load %arg7[%get3A_23, %get3A_24] : memref<256x128xf32, #tpu.memory_space<vmem>>, vector<256x128xf32>
    %dot_general3A_26 = arith.constant dense<0.000000e+00> : vector<2000x128xf32>
    %dot_general3A_27 = tpu.matmul %max3A_22, %get3A_25, %dot_general3A_26 {dimension_numbers = #tpu.dot_dimension_numbers<[1], [0], [0], [1], [0, 0, 1, 1], [], []>, transpose_lhs_hint = false} : vector<2000x256xf32>, vector<256x128xf32>, vector<2000x128xf32> -> vector<2000x128xf32>
    %mul3A_28 = vector.broadcast %get3A_7 : vector<2000x1xf32> to vector<2000x128xf32>
    %mul3A_29 = arith.mulf %dot_general3A_27, %mul3A_28 : vector<2000x128xf32>
    %convert_element_type3A_30 = arith.truncf %mul3A_29 : vector<2000x128xf32> to vector<2000x128xbf16>
    %slice3A = vector.extract_strided_slice %convert_element_type3A_30 {offsets = [0, 0], sizes = [2000, 64], strides = [1, 1]} : vector<2000x128xbf16> to vector<2000x64xbf16>
    %swap3A = arith.constant 0 : index
    %swap3A_31 = arith.constant 0 : index
    %swap3A_32 = vector.load %arg8[%swap3A, %swap3A_31] : memref<2000x64xbf16, #tpu.memory_space<vmem>>, vector<2000x64xbf16>
    tpu.vector_store %arg8[%swap3A, %swap3A_31], %slice3A {strides = array<i32>} : memref<2000x64xbf16, #tpu.memory_space<vmem>>, vector<2000x64xbf16>,
    %slice3A_33 = vector.extract_strided_slice %convert_element_type3A_30 {offsets = [0, 64], sizes = [2000, 64], strides = [1, 1]} : vector<2000x128xbf16> to vector<2000x64xbf16>
    %swap3A_34 = arith.constant 0 : index
    %swap3A_35 = arith.constant 0 : index
    %swap3A_36 = vector.load %arg9[%swap3A_34, %swap3A_35] : memref<2000x64xbf16, #tpu.memory_space<vmem>>, vector<2000x64xbf16>
    tpu.vector_store %arg9[%swap3A_34, %swap3A_35], %slice3A_33 {strides = array<i32>} : memref<2000x64xbf16, #tpu.memory_space<vmem>>, vector<2000x64xbf16>,
    return
  }
  func.func @transform_0(%arg0: i32) -> (i32, i32) {
    %c0_i32 = arith.constant 0 : i32
    %c0_i32_0 = arith.constant 0 : i32
    return %arg0, %c0_i32 : i32, i32
  }
  func.func @transform_1(%arg0: i32) -> (i32, i32) {
    %c0_i32 = arith.constant 0 : i32
    %c0_i32_0 = arith.constant 0 : i32
    return %arg0, %c0_i32 : i32, i32
  }
  func.func @transform_2(%arg0: i32) -> (i32, i32) {
    %c0_i32 = arith.constant 0 : i32
    %c0_i32_0 = arith.constant 0 : i32
    return %arg0, %c0_i32 : i32, i32
  }
  func.func @transform_3(%arg0: i32) -> (i32, i32) {
    %c0_i32 = arith.constant 0 : i32
    %c0_i32_0 = arith.constant 0 : i32
    return %arg0, %c0_i32 : i32, i32
  }
  func.func @transform_4(%arg0: i32) -> (i32, i32) {
    %c0_i32 = arith.constant 0 : i32
    %c0_i32_0 = arith.constant 0 : i32
    %c0_i32_1 = arith.constant 0 : i32
    return %c0_i32, %c0_i32_0 : i32, i32
  }
  func.func @transform_5(%arg0: i32) -> i32 {
    %c0_i32 = arith.constant 0 : i32
    %c0_i32_0 = arith.constant 0 : i32
    return %c0_i32 : i32
  }
  func.func @transform_6(%arg0: i32) -> (i32, i32) {
    %c0_i32 = arith.constant 0 : i32
    %c0_i32_0 = arith.constant 0 : i32
    %c0_i32_1 = arith.constant 0 : i32
    return %c0_i32, %c0_i32_0 : i32, i32
  }
  func.func @transform_7(%arg0: i32) -> (i32, i32) {
    %c0_i32 = arith.constant 0 : i32
    %c0_i32_0 = arith.constant 0 : i32
    return %arg0, %c0_i32 : i32, i32
  }
  func.func @transform_8(%arg0: i32) -> (i32, i32) {
    %c0_i32 = arith.constant 0 : i32
    %c0_i32_0 = arith.constant 0 : i32
    return %arg0, %c0_i32 : i32, i32
  }
}

module attributes {stable_mosaic.version = 14 : i64} {
  func.func @_tc_c_body(%arg0: i32, %arg1: memref<2000x128xbf16, #tpu.memory_space<vmem>>, %arg2: memref<2000x64xbf16, #tpu.memory_space<vmem>>, %arg3: memref<2000x64xbf16, #tpu.memory_space<vmem>>, %arg4: memref<2000x1xf32, #tpu.memory_space<vmem>>, %arg5: memref<128xf32, #tpu.memory_space<vmem>>, %arg6: memref<2000x128xf32, #tpu.memory_space<vmem>>) attributes {dimension_semantics = [#tpu.dimension_semantics<arbitrary>], iteration_bounds = array<i64: 5>, scalar_prefetch = 0 : i64, scratch_operands = 0 : i64, tpu.core_type = #tpu.core_type<tc>, window_params = [{transform_indices = @transform_0, window_bounds = array<i64: 2000, 128>}, {transform_indices = @transform_1, window_bounds = array<i64: 2000, 64>}, {transform_indices = @transform_2, window_bounds = array<i64: 2000, 64>}, {transform_indices = @transform_3, window_bounds = array<i64: 2000, 1>}, {pipeline_mode = #tpu.pipeline_mode<synchronous>, transform_indices = @transform_4, window_bounds = array<i64: 128>}, {transform_indices = @transform_5, window_bounds = array<i64: 2000, 128>}]} {
    %get3A = arith.constant 0 : index
    %get3A_0 = arith.constant 0 : index
    %get3A_1 = vector.load %arg2[%get3A, %get3A_0] : memref<2000x64xbf16, #tpu.memory_space<vmem>>, vector<2000x64xbf16>
    %get3A_2 = arith.constant 0 : index
    %get3A_3 = arith.constant 0 : index
    %get3A_4 = vector.load %arg3[%get3A_2, %get3A_3] : memref<2000x64xbf16, #tpu.memory_space<vmem>>, vector<2000x64xbf16>
    %concatenate3A = tpu.concatenate %get3A_1, %get3A_4 in 1 : vector<2000x64xbf16>, vector<2000x64xbf16> -> vector<2000x128xbf16>
    %convert_element_type3A = arith.extf %concatenate3A : vector<2000x128xbf16> to vector<2000x128xf32>
    %get3A_5 = arith.constant 0 : index
    %get3A_6 = arith.constant 0 : index
    %get3A_7 = vector.load %arg1[%get3A_5, %get3A_6] : memref<2000x128xbf16, #tpu.memory_space<vmem>>, vector<2000x128xbf16>
    %convert_element_type3A_8 = arith.extf %get3A_7 : vector<2000x128xbf16> to vector<2000x128xf32>
    %add3A = arith.addf %convert_element_type3A_8, %convert_element_type3A : vector<2000x128xf32>
    %get3A_9 = arith.constant 0 : index
    %get3A_10 = arith.constant 0 : index
    %get3A_11 = vector.load %arg4[%get3A_9, %get3A_10] : memref<2000x1xf32, #tpu.memory_space<vmem>>, vector<2000x1xf32>
    %mul3A = vector.broadcast %get3A_11 : vector<2000x1xf32> to vector<2000x128xf32>
    %mul3A_12 = arith.mulf %add3A, %mul3A : vector<2000x128xf32>
    %get3A_13 = arith.constant 0 : index
    %get3A_14 = vector.load %arg5[%get3A_13] : memref<128xf32, #tpu.memory_space<vmem>>, vector<128xf32>
    %broadcast_in_dim3A = vector.shape_cast %get3A_14 : vector<128xf32> to vector<1x128xf32>
    %add3A_15 = vector.broadcast %broadcast_in_dim3A : vector<1x128xf32> to vector<2000x128xf32>
    %add3A_16 = arith.addf %mul3A_12, %add3A_15 : vector<2000x128xf32>
    %max3A = arith.constant 0.000000e+00 : f32
    %max3A_17 = vector.broadcast %max3A : f32 to vector<2000x128xf32>
    %max3A_18 = arith.maximumf %add3A_16, %max3A_17 : vector<2000x128xf32>
    %swap3A = arith.constant 0 : index
    %swap3A_19 = arith.constant 0 : index
    %swap3A_20 = vector.load %arg6[%swap3A, %swap3A_19] : memref<2000x128xf32, #tpu.memory_space<vmem>>, vector<2000x128xf32>
    tpu.vector_store %arg6[%swap3A, %swap3A_19], %max3A_18 {strides = array<i32>} : memref<2000x128xf32, #tpu.memory_space<vmem>>, vector<2000x128xf32>,
    return
  }
  func.func @transform_0(%arg0: i32) -> (i32, i32) {
    %c0_i32 = arith.constant 0 : i32
    %c0_i32_0 = arith.constant 0 : i32
    return %arg0, %c0_i32 : i32, i32
  }
  func.func @transform_1(%arg0: i32) -> (i32, i32) {
    %c0_i32 = arith.constant 0 : i32
    %c0_i32_0 = arith.constant 0 : i32
    return %arg0, %c0_i32 : i32, i32
  }
  func.func @transform_2(%arg0: i32) -> (i32, i32) {
    %c0_i32 = arith.constant 0 : i32
    %c0_i32_0 = arith.constant 0 : i32
    return %arg0, %c0_i32 : i32, i32
  }
  func.func @transform_3(%arg0: i32) -> (i32, i32) {
    %c0_i32 = arith.constant 0 : i32
    %c0_i32_0 = arith.constant 0 : i32
    return %arg0, %c0_i32 : i32, i32
  }
  func.func @transform_4(%arg0: i32) -> i32 {
    %c0_i32 = arith.constant 0 : i32
    %c0_i32_0 = arith.constant 0 : i32
    return %c0_i32 : i32
  }
  func.func @transform_5(%arg0: i32) -> (i32, i32) {
    %c0_i32 = arith.constant 0 : i32
    %c0_i32_0 = arith.constant 0 : i32
    return %arg0, %c0_i32 : i32, i32
  }
}

</mosaic_0001>

<sc_bundles>
// kernel: kernel.11.cloned.1.call-start
scs
__scs_entry_jumppad:
0x0: {  	(pc) =	sbr.rel $0x88, $3  }
0x1: {  	(tag) =	ssettag $0x0;
	lr =	simm.s32 $0x1  }
0x2: {  	[smem:$0x3F9B] =	sst lr;
	_ =	strace $0xD0000000  }
0x3: {  	_ = 	snop  }
0x4: {  	_ = 	snop  }
0x5: {  	_ = 	snop  }
0x6: {  	_ = 	snop  }
0x7: {  	_ = 	snop  }
__scs_overlays_trampoline_lowered:
0x8: {  	[smem:$0x3FAA] =	sst s0  }
0x9: {  	[smem:$0x3FAB] =	sst s1  }
0xa: {  	[smem:$0x3FAC] =	sst s2  }
0xb: {  	[smem:$0x3FAD] =	sst s3  }
0xc: {  	[smem:$0x3FAE] =	sst s4  }
0xd: {  	[smem:$0x3FAF] =	sst s5  }
0xe: {  	[smem:$0x3FB0] =	sst s6  }
0xf: {  	[smem:$0x3FB1] =	sst s7  }
0x10: {  	[smem:$0x3FB2] =	sst s8  }
0x11: {  	[smem:$0x3FB3] =	sst s9;
	s0 =	simm.s32 @!p0 $0x0  }
0x12: {  	s1 =	sld [smem:$0x3F99];
	s0 =	simm.s32 @p0 $0x1  }
0x13: {  	[smem:$0x3FB4] =	sst s0;
	s0 =	simm.s32 @!p1 $0x0  }
0x14: {  	s2 =	sld [smem:$0x3F98];
	s0 =	simm.s32 @p1 $0x1  }
0x15: {  	[smem:$0x3FB5] =	sst s0;
	s0 =	simm.s32 @!p2 $0x0  }
0x16: {  	s3 =	sld [smem:$0x3FDB];
	s0 =	simm.s32 @p2 $0x1  }
0x17: {  	s4 =	simm.s32 $0x1BF5;
	[smem:$0x3FB7] =	sst s0  }
0x18: {  	s0 =	sld [smem:$0x3F9A];
	_ =	swait.ge [sflag:s4], $0x0  }
0x19: {  	s7 =	sld [smem:$0x3F9B]  }
0x1a: {  	s8 =	sadd.s32 $0xFFFFE003, lr  }
0x1b: {  	s9 =	sadd.s32 $0xFFFFFEF7, lr;
	s5 =	simm.s32 $0xFFFFFFFF;
	p2 =	slt.u32 s8, $0xFFFFF086  }
0x1c: {  	p1 =	slt.u32 s9, $0xF7A;
	s5 =	simm.s32 @!p2 $0x0  }
0x1d: {  	s5 =	simm.s32 @p1 $0x1;
	p0 =	seq.s32 s7, s2  }
0x1e: {  	s7 =	smul.u32 @!p0 $0xF7A, s2;
	p2 =	seq.s32 @!p0 s5, $0x0  }
0x1f: {  	s9 =	smul.u32 $0xF7A, s1;
	s8 =	simm.s32 @!p0 $0x1BF5;
	p2 =	por !p2, p0  }
0x20: {  	[sflag:s8] =	ssyncset.s32 @!p0 $0xFFFFF086;
	s6 =	sadd.s32 @!p0 s3, s7;
	s7 =	simm.s32 @!p0 $0x108  }
0x21: {  	s3 =	sadd.s32 s3, s9;
	s6 =	sadd.s32 @!p0 $0x88, s6;
	s7 =	simm.s32 @p2 $0x1082  }
0x22: {  	[simem:s7], [sflag:s8] =	dma.local @!p0 [hbm:s6], $0xF7A  }
0x23: {  	s9 =	sor.u32 $0xD0000000, s2;
	s6 =	simm.s32 $0x108;
	_ =	swait.ge @!p0 [sflag:s8], $0x0  }
0x24: {  	s3 =	sadd.s32 $0x88, s3;
	s6 =	simm.s32 @!p1 $0x1082;
	[sflag:s4] =	ssyncset.s32 $0xFFFFF086  }
0x25: {  	[simem:s6], [sflag:s4] =	dma.local [hbm:s3], $0xF7A  }
0x26: {  	[smem:$0x3F9B] =	sst s1;
	(tag) =	ssettag s2;
	_ =	strace s9  }
0x27: {  	s1 =	sld [smem:$0x3FAB]  }
0x28: {  	s2 =	sld [smem:$0x3FAC]  }
0x29: {  	s4 =	sld [smem:$0x3FAE]  }
0x2a: {  	p0 =	seq.s32 s5, $0x0;
	s5 =	sld [smem:$0x3FAF]  }
0x2b: {  	s6 =	sld [smem:$0x3FB0]  }
0x2c: {  	s7 =	sld [smem:$0x3FB1]  }
0x2d: {  	s3 =	simm.s32 $0x108;
	s8 =	sld [smem:$0x3FB2]  }
0x2e: {  	s3 =	simm.s32 @!p0 $0x1082;
	s9 =	sld [smem:$0x3FB3]  }
0x2f: {  	lr =	sadd.s32 s0, s3;
	s0 =	sld [smem:$0x3FAA]  }
0x30: {  	s3 =	sld [smem:$0x3FAD]  }
0x31: {  	[smem:$0x3FB6] =	sst s10  }
0x32: {  	s10 =	sld [smem:$0x3FB4];
	_ =	sdelay $0x3  }
0x33: {  	p0 =	seq.s32 s10, $0x1;
	s10 =	sld [smem:$0x3FB6];
	_ =	sdelay $0x3  }
0x34: {  	[smem:$0x3FB6] =	sst s10  }
0x35: {  	s10 =	sld [smem:$0x3FB5];
	_ =	sdelay $0x3  }
0x36: {  	p1 =	seq.s32 s10, $0x1;
	s10 =	sld [smem:$0x3FB6];
	_ =	sdelay $0x3  }
0x37: {  	[smem:$0x3FB6] =	sst s10  }
0x38: {  	s10 =	sld [smem:$0x3FB7]  }
0x39: {  	_ = 	snop;
	(pc) =	sbr.ind lr, $3  }
0x3a: {  	_ = 	snop  }
0x3b: {  	_ = 	snop  }
0x3c: {  	p2 =	seq.s32 s10, $0x1;
	s10 =	sld [smem:$0x3FB6]  }
0x3d: {  	_ =	shalt  }
0x3e: {  	_ =	shalt  }
0x3f: {  	_ =	shalt  }
0x40: {  	_ =	shalt  }
0x41: {  	_ =	shalt  }
0x42: {  	_ =	shalt  }
0x43: {  	_ =	shalt  }
0x44: {  	_ =	shalt  }
0x45: {  	_ =	shalt  }
0x46: {  	_ =	shalt  }
0x47: {  	_ =	shalt  }
0x48: {  	_ =	shalt  }
0x49: {  	_ =	shalt  }
0x4a: {  	_ =	shalt  }
0x4b: {  	_ =	shalt  }
0x4c: {  	_ =	shalt  }
0x4d: {  	_ =	shalt  }
0x4e: {  	_ =	shalt  }
0x4f: {  	_ =	shalt  }
0x50: {  	_ =	shalt  }
0x51: {  	_ =	shalt  }
0x52: {  	_ =	shalt  }
0x53: {  	_ =	shalt  }
0x54: {  	_ =	shalt  }
0x55: {  	_ =	shalt  }
0x56: {  	_ =	shalt  }
0x57: {  	_ =	shalt  }
0x58: {  	_ =	shalt  }
0x59: {  	_ =	shalt  }
0x5a: {  	_ =	shalt  }
0x5b: {  	_ =	shalt  }
0x5c: {  	_ =	shalt  }
0x5d: {  	_ =	shalt  }
0x5e: {  	_ =	shalt  }
0x5f: {  	_ =	shalt  }
0x60: {  	_ =	shalt  }
0x61: {  	_ =	shalt  }
0x62: {  	_ =	shalt  }
0x63: {  	_ =	shalt  }
0x64: {  	_ =	shalt  }
0x65: {  	_ =	shalt  }
0x66: {  	_ =	shalt  }
0x67: {  	_ =	shalt  }
0x68: {  	_ =	shalt  }
0x69: {  	_ =	shalt  }
0x6a: {  	_ =	shalt  }
0x6b: {  	_ =	shalt  }
0x6c: {  	_ =	shalt  }
0x6d: {  	_ =	shalt  }
0x6e: {  	_ =	shalt  }
0x6f: {  	_ =	shalt  }
0x70: {  	_ =	shalt  }
0x71: {  	_ =	shalt  }
0x72: {  	_ =	shalt  }
0x73: {  	_ =	shalt  }
0x74: {  	_ =	shalt  }
0x75: {  	_ =	shalt  }
0x76: {  	_ =	shalt  }
0x77: {  	_ =	shalt  }
0x78: {  	_ =	shalt  }
0x79: {  	_ =	shalt  }
0x7a: {  	_ =	shalt  }
0x7b: {  	_ =	shalt  }
0x7c: {  	_ =	shalt  }
0x7d: {  	_ =	shalt  }
0x7e: {  	_ =	shalt  }
0x7f: {  	_ =	shalt  }
0x80: {  	_ =	shalt  }
0x81: {  	_ =	shalt  }
0x82: {  	_ =	shalt  }
0x83: {  	_ =	shalt  }
0x84: {  	_ =	shalt  }
0x85: {  	_ =	shalt  }
0x86: {  	_ =	shalt  }
0x87: {  	_ =	shalt  }
.Lfunc_end0:
.L_simem_size_0:
called_computation.1_lowered:
.L_overlay_start_0:
0x88: {  	s2 =	sld [smem:$0x3FD9]  }
0x89: {  	s3 =	sld [smem:$0x3FFE];
	_ =	sdelay $0x1  }
0x8a: {  	s1 =	srdreg.scid  }
0x8b: {  	s0 =	sand.u32 $0x1, s1  }
0x8c: {  	s17 =	sshll.u32 s0, $0xA;
	s2 =	sadd.s32 s3, s2  }
0x8d: {  	s2 =	sadd.s32 s2, s17  }
0x8e: {  	[smem:$0x3FC2] =	sst s2  }
0x8f: {  	_ = 	snop  }
0x90: {  	s2 =	sld [smem:$0x3FD0];
	(tm) =	ssettm $0x1  }
0x91: {  	s18 =	sld [smem:$0x3FFB];
	_ =	sdelay $0x3  }
0x92: {  	_ =	strace s18  }
0x93: {  	s3 =	sld [smem:$0x3FFC];
	_ =	sdelay $0x3  }
0x94: {  	_ =	strace s3  }
0x95: {  	s3 =	sld [smem:$0x3FFD];
	_ =	sdelay $0x3  }
0x96: {  	_ =	strace s3  }
0x97: {  	_ =	strace $0x8FFFFFFF  }
0x98: {  	s19 =	sld [smem:$0x3FDB];
	_ =	sdelay $0x1  }
0x99: {  	s4 =	simm.s32 $_scs_section_size  }
0x9a: {  	s5 =	simm.s32 $_size__tile_overlayer_lowered;
	s6 =	simm.s32 $_tile_overlayer_lowered  }
0x9b: {  	s22 =	simm.s32 $0x1BFF;
	s21 =	sshll.u32 s6, $0x1;
	s3 =	sadd.s32 s4, s19  }
0x9c: {  	s7 =	simm.s32 $0x0;
	s20 =	sshll.u32 s5, $0x1;
	s5 =	sadd.s32 s21, s3  }
0x9d: {  	[timem:s7], [sflag:s22] =	dma.local [hbm:s5], s20  }
0x9e: {  	_ =	swait.ge [sflag:s22], s20  }
0x9f: {  	s4 =	ssub.s32 $0x0, s20;
	[sflag:s22] =	ssyncset.done $0x0  }
0xa0: {  	[sflag:s22] =	ssyncadd.s32 s4;
	_ =	sdelay $0x1  }
0xa1: {  	s23 =	simm.s32 $0x1B8B  }
0xa2: {  	_ =	swait.ge [sflag:s23], $0x1  }
0xa3: {  	[sflag:s23] =	ssyncset.done $0x0  }
0xa4: {  	s25 =	simm.s32 $0x1B8E;
	s24 =	sld [smem:$0x3FFE];
	[sflag:s23] =	ssyncadd.s32 $0xFFFFFFFF  }
0xa5: {  	s26 =	simm.s32 $execute0_lowered;
	[smem:$0x3FD2] =	sst s25  }
0xa6: {  	s5 =	sshll.u32 s26, $0x1;
	_ =	strace $0x80000049;
	[dreg:$0x1] =	wrdreg $0xFFFFFFFF  }
0xa7: {  	s28 =	simm.s32 $_size_execute0_lowered;
	s3 =	sadd.s32 s3, s5;
	[dreg:$0x0] =	wrdreg $0x0  }
0xa8: {  	s5 =	sshll.u32 s28, $0x1;
	[dreg:$0x2] =	wrdreg s3  }
0xa9: {  	[dreg:$0x3] =	wrdreg s5  }
0xaa: {  	[dreg:$0x4] =	wrdreg $0xC0  }
0xab: {  	_ =	task [dreg:s7], $0x5FFFF  }
0xac: {  	[dreg:$0x1] =	wrdreg $0xFFFFFFFF  }
0xad: {  	[dreg:$0x0] =	wrdreg $0x60  }
0xae: {  	[dreg:$0x2] =	wrdreg s24  }
0xaf: {  	[dreg:$0x3] =	wrdreg s2  }
0xb0: {  	[dreg:$0x4] =	wrdreg $0xE0000  }
0xb1: {  	[dreg:$0x5] =	wrdreg $0x9  }
0xb2: {  	_ =	task.clear_ibuf [dreg:s7], $0x6FFFF;
	_ =	strace $0x90000049  }
0xb3: {  	s29 =	simm.s32 $0x9;
	_ =	strace $0x8000004B  }
0xb4: {  	_ =	swait.ge [sflag:s29], $0x1  }
0xb5: {  	[sflag:s29] =	ssyncadd.s32 $0xFFFFFFFF  }
0xb6: {  	_ =	strace $0x9000004B  }
0xb7: {  	_ =	sfence  }
0xb8: {  	s30 =	sld [smem:$0x0];
	_ =	sdelay $0x2  }
0xb9: {  	s31 =	sshll.u32 s1, $0xD;
	s1 =	sshrl.u32 s1, $0x2  }
0xba: {  	s3 =	sand.u32 $0x4000, s31;
	s1 =	sadd.s32 s1, s30  }
0xbb: {  	s0 =	sor.u32 s3, s0;
	s1 =	sshll.u32 s1, $0x11  }
0xbc: {  	s0 =	sor.u32 s1, s0  }
0xbd: {  	s0 =	sadd.s32 $0x8F2B, s0  }
0xbe: {  	[sflag:s0] =	ssyncadd.remote.s32 $0x1  }
0xbf: {  	_ =	sfence.sel $0xFFFF  }
0xc0: {  	[dreg:$0x0] =	wrdreg $0xFFFFFFFF;
	(pc) =	sbr.abs _section_cstart, $3  }
0xc1: {  	[dreg:$0x1] =	wrdreg $0xFFFFFFFF  }
0xc2: {  	_ =	task.clear_ibuf [dreg:s7], $0x2FFFF;
	_ =	strace $0x9FFFFFFF  }
0xc3: {  	(tm) =	ssettm $0x7FFFFFFF  }
tec
execute0_lowered:
.L_overlay_start_1:
0x0: {  	(tag) =	ssettag $0x1  }
0x1: {  	s0 =	rddreg [dreg:$0x0]  }
0x2: {  	s1 =	rddreg [dreg:$0x1]  }
0x3: {  	s2 =	rddreg [dreg:$0x2];
	s13 =	stileid.u32;
	s3 =	simm.s32 $0x0  }
0x4: {  	s5 =	srdreg.scid;
	s14 =	simm.s32 $0x80;
	s15 =	simm.s32 $0xA000  }
0x5: {  	s16 =	simm.s32 $0xB000;
	s18 =	simm.s32 $0xC000;
	s19 =	simm.s32 $0x1  }
0x6: {  	s21 =	simm.s32 $0xD000;
	s22 =	simm.s32 $0x2;
	s24 =	simm.s32 $0x5  }
0x7: {  	s29 =	simm.s32 $0x6;
	s31 =	simm.s32 $0x4;
	s17 =	simm.s32 $0x8  }
0x8: {  	s30 =	simm.s32 $0x9F00;
	s20 =	simm.s32 $0x0;
	s4 =	smul.u32 $0xA00, s13  }
0x9: {  	[smem:$0x7FF] =	sst s3;
	s7 =	sand.u32 $0x1, s5;
	s8 =	smul.u32 $0x13880, s13  }
0xa: {  	s26 =	sshll.u32 s13, $0x6;
	s13 =	simm.s32 $0x5000;
	_ =	strace $0x8000004A  }
0xb: {  	s5 =	ssub.s32 $0x2, s7;
	s28 =	sshll.u32 s7, $0x6;
	p0 =	seq.s32 s7, $0x0  }
0xc: {  	s9 =	sadd.s32 s4, s0;
	s4 =	sadd.s32 $0xB800, s0;
	s6 =	sshrl.u32 s5, $0x1  }
0xd: {  	s10 =	sshrl.u32 s8, $0x2;
	s8 =	sor.u32 s28, s8;
	s11 =	ssub.s32 s5, s6  }
0xe: {  	s12 =	sadd.s32 s10, s2;
	s5 =	sor.u32 $0x1C09, s26;
	s6 =	sadd.s32 $0xC200, s9  }
0xf: {  	s10 =	simm.s32 $0x16200;
	s7 =	sadd.s32 $0x1800, s9;
	s8 =	sshrl.u32 s8, $0x4  }
0x10: {  	s26 =	simm.s32 $0x3;
	s10 =	simm.s32 @!p0 $0x20000;
	s8 =	sadd.s32 s1, s8  }
0x11: {  	s9 =	smax.u32 s11, $0x1;
	s11 =	sshrl.u32 s12, $0x3;
	s12 =	simm.s32 $0x9  }
0x12: {  	s1 =	simm.s32 $0x7;
	s10 =	sadd.s32 s10, s0;
	s0 =	simm.s32 $0x9F80  }
.LBB2_1:
0x13: {  	[spmem:s11], [sflag:s5] =	dma.local [hbm:s4], $0x9C4  }
0x14: {  	_ =	swait.ge [sflag:s12], $0x9C4  }
0x15: {  	[sflag:s12] =	ssyncset.done $0x0  }
0x16: {  	[sflag:s12] =	ssyncadd.s32 $0xFFFFF63C  }
0x17: {  	[tilespmem:s3], [sflag:$0x9] =	stream.linear.gather [hbm4b:s6+s3], $0x5000, $0x38;
	[tilespmem:$0x12E30] =	vst v63  }
0x18: {  	_ =	swait.ge [sflag:s12], $0x5000  }
0x19: {  	[sflag:s12] =	ssyncset.done $0x0  }
0x1a: {  	[sflag:s12] =	ssyncadd.s32 $0xFFFFB000  }
0x1b: {  	[tilespmem:s13], [sflag:$0x9] =	stream.linear.gather [hbm4b:s7+s3], $0x5000, $0x38;
	[tilespmem:$0x12E30] =	vst v63  }
0x1c: {  	_ =	swait.ge [sflag:s12], $0x5000  }
0x1d: {  	[sflag:s12] =	ssyncset.done $0x0  }
0x1e: {  	[sflag:s12] =	ssyncadd.s32 $0xFFFFB000  }
0x1f: {  	[bflag:$0x0] =	sbarrier.arrive $0xFFFF  }
0x20: {  	[tilespmem:s15], [sflag:$0x1] =	stream.indirect.gather [hbm4b:s10+s14], $0x20, s3, s14, $0xb8;
	[tilespmem:$0x12E30] =	vst v63  }
0x21: {  	_ = 	snop  }
0x22: {  	[tilespmem:s16], [sflag:$0x2] =	stream.indirect.gather [hbm4b:s10+s14], $0x20, s14, s14, $0xb8;
	[tilespmem:$0x12E30] =	vst v63  }
0x23: {  	s23 =	simm.s32 $0x100  }
0x24: {  	[tilespmem:s18], [sflag:$0x3] =	stream.indirect.gather [hbm4b:s10+s14], $0x20, s23, s14, $0xb8;
	[tilespmem:$0x12E30] =	vst v63  }
0x25: {  	_ =	swait.ge [sflag:s19], $0x1000  }
0x26: {  	[sflag:s19] =	ssyncset.done $0x0  }
0x27: {  	[sflag:s19] =	ssyncadd.s32 $0xFFFFF000  }
0x28: {  	[spmem:s2] =	stream.indirect.scatter.add.bf16 [tilespmem:s15], [sflag:$0x5], $0x20, s13, s14, $0xb8;
	[tilespmem:$0x12E30] =	vst v63  }
0x29: {  	s28 =	simm.s32 $0x180  }
0x2a: {  	[tilespmem:s21], [sflag:$0x4] =	stream.indirect.gather [hbm4b:s10+s14], $0x20, s28, s14, $0xb8;
	[tilespmem:$0x12E30] =	vst v63  }
0x2b: {  	_ =	swait.ge [sflag:s22], $0x1000  }
0x2c: {  	[sflag:s22] =	ssyncset.done $0x0  }
0x2d: {  	s25 =	simm.s32 $0x5080;
	[sflag:s22] =	ssyncadd.s32 $0xFFFFF000  }
0x2e: {  	[spmem:s2] =	stream.indirect.scatter.add.bf16 [tilespmem:s16], [sflag:$0x6], $0x20, s25, s14, $0xb8;
	[tilespmem:$0x12E30] =	vst v63  }
0x2f: {  	_ =	swait.ge [sflag:s24], $0x1000  }
0x30: {  	[sflag:s24] =	ssyncset.done $0x0  }
0x31: {  	s28 =	simm.s32 $0x200;
	[sflag:s24] =	ssyncadd.s32 $0xFFFFF000  }
0x32: {  	[tilespmem:s15], [sflag:$0x1] =	stream.indirect.gather [hbm4b:s10+s14], $0x20, s28, s14, $0xb8;
	[tilespmem:$0x12E30] =	vst v63  }
0x33: {  	_ =	swait.ge [sflag:s26], $0x1000  }
0x34: {  	[sflag:s26] =	ssyncset.done $0x0  }
0x35: {  	s25 =	simm.s32 $0x5100;
	[sflag:s26] =	ssyncadd.s32 $0xFFFFF000  }
0x36: {  	[spmem:s2] =	stream.indirect.scatter.add.bf16 [tilespmem:s18], [sflag:$0x7], $0x20, s25, s14, $0xb8;
	[tilespmem:$0x12E30] =	vst v63  }
0x37: {  	_ =	swait.ge [sflag:s29], $0x1000  }
0x38: {  	[sflag:s29] =	ssyncset.done $0x0  }
0x39: {  	s28 =	simm.s32 $0x280;
	[sflag:s29] =	ssyncadd.s32 $0xFFFFF000  }
0x3a: {  	[tilespmem:s16], [sflag:$0x2] =	stream.indirect.gather [hbm4b:s10+s14], $0x20, s28, s14, $0xb8;
	[tilespmem:$0x12E30] =	vst v63  }
0x3b: {  	_ =	swait.ge [sflag:s31], $0x1000  }
0x3c: {  	[sflag:s31] =	ssyncset.done $0x0  }
0x3d: {  	s25 =	simm.s32 $0x5180;
	[sflag:s31] =	ssyncadd.s32 $0xFFFFF000  }
0x3e: {  	[spmem:s2] =	stream.indirect.scatter.add.bf16 [tilespmem:s21], [sflag:$0x8], $0x20, s25, s14, $0xb8;
	[tilespmem:$0x12E30] =	vst v63  }
0x3f: {  	_ =	swait.ge [sflag:s1], $0x1000  }
0x40: {  	[sflag:s1] =	ssyncset.done $0x0  }
0x41: {  	s28 =	simm.s32 $0x300;
	[sflag:s1] =	ssyncadd.s32 $0xFFFFF000  }
0x42: {  	[tilespmem:s18], [sflag:$0x3] =	stream.indirect.gather [hbm4b:s10+s14], $0x20, s28, s14, $0xb8;
	[tilespmem:$0x12E30] =	vst v63  }
0x43: {  	_ =	swait.ge [sflag:s19], $0x1000  }
0x44: {  	[sflag:s19] =	ssyncset.done $0x0  }
0x45: {  	s25 =	simm.s32 $0x5200;
	[sflag:s19] =	ssyncadd.s32 $0xFFFFF000  }
0x46: {  	[spmem:s2] =	stream.indirect.scatter.add.bf16 [tilespmem:s15], [sflag:$0x5], $0x20, s25, s14, $0xb8;
	[tilespmem:$0x12E30] =	vst v63  }
0x47: {  	_ =	swait.ge [sflag:s17], $0x1000  }
0x48: {  	[sflag:s17] =	ssyncset.done $0x0  }
0x49: {  	s28 =	simm.s32 $0x380;
	[sflag:s17] =	ssyncadd.s32 $0xFFFFF000  }
0x4a: {  	[tilespmem:s21], [sflag:$0x4] =	stream.indirect.gather [hbm4b:s10+s14], $0x20, s28, s14, $0xb8;
	[tilespmem:$0x12E30] =	vst v63  }
0x4b: {  	_ =	swait.ge [sflag:s22], $0x1000  }
0x4c: {  	[sflag:s22] =	ssyncset.done $0x0  }
0x4d: {  	s25 =	simm.s32 $0x5280;
	[sflag:s22] =	ssyncadd.s32 $0xFFFFF000  }
0x4e: {  	[spmem:s2] =	stream.indirect.scatter.add.bf16 [tilespmem:s16], [sflag:$0x6], $0x20, s25, s14, $0xb8;
	[tilespmem:$0x12E30] =	vst v63  }
0x4f: {  	_ =	swait.ge [sflag:s24], $0x1000  }
0x50: {  	[sflag:s24] =	ssyncset.done $0x0  }
0x51: {  	s28 =	simm.s32 $0x400;
	[sflag:s24] =	ssyncadd.s32 $0xFFFFF000  }
0x52: {  	[tilespmem:s15], [sflag:$0x1] =	stream.indirect.gather [hbm4b:s10+s14], $0x20, s28, s14, $0xb8;
	[tilespmem:$0x12E30] =	vst v63  }
0x53: {  	_ =	swait.ge [sflag:s26], $0x1000  }
0x54: {  	[sflag:s26] =	ssyncset.done $0x0  }
0x55: {  	s25 =	simm.s32 $0x5300;
	[sflag:s26] =	ssyncadd.s32 $0xFFFFF000  }
0x56: {  	[spmem:s2] =	stream.indirect.scatter.add.bf16 [tilespmem:s18], [sflag:$0x7], $0x20, s25, s14, $0xb8;
	[tilespmem:$0x12E30] =	vst v63  }
0x57: {  	_ =	swait.ge [sflag:s29], $0x1000  }
0x58: {  	[sflag:s29] =	ssyncset.done $0x0  }
0x59: {  	s28 =	simm.s32 $0x480;
	[sflag:s29] =	ssyncadd.s32 $0xFFFFF000  }
0x5a: {  	[tilespmem:s16], [sflag:$0x2] =	stream.indirect.gather [hbm4b:s10+s14], $0x20, s28, s14, $0xb8;
	[tilespmem:$0x12E30] =	vst v63  }
0x5b: {  	_ =	swait.ge [sflag:s31], $0x1000  }
0x5c: {  	[sflag:s31] =	ssyncset.done $0x0  }
0x5d: {  	s23 =	simm.s32 $0x800;
	s25 =	simm.s32 $0x5380;
	[sflag:s31] =	ssyncadd.s32 $0xFFFFF000  }
.LBB2_2:
0x5e: {  	[spmem:s2] =	stream.indirect.scatter.add.bf16 [tilespmem:s21], [sflag:$0x8], $0x20, s25, s14, $0xb8;
	[tilespmem:$0x12E30] =	vst v63  }
0x5f: {  	s25 =	smov.u32 s23  }
0x60: {  	p0 =	sne.s32 s23, $0x12800;
	s23 =	sadd.s32 $0x800, s23;
	_ =	swait.ge [sflag:s1], $0x1000  }
0x61: {  	s25 =	sshra.s32 s25, $0x2;
	[sflag:s1] =	ssyncset.done $0x0  }
0x62: {  	s28 =	sadd.s32 $0x300, s25;
	[sflag:s1] =	ssyncadd.s32 $0xFFFFF000  }
0x63: {  	[tilespmem:s18], [sflag:$0x3] =	stream.indirect.gather [hbm4b:s10+s14], $0x20, s28, s14, $0xb8;
	[tilespmem:$0x12E30] =	vst v63  }
0x64: {  	_ =	swait.ge [sflag:s19], $0x1000  }
0x65: {  	[sflag:s19] =	ssyncset.done $0x0  }
0x66: {  	s28 =	sadd.s32 $0x5200, s25;
	[sflag:s19] =	ssyncadd.s32 $0xFFFFF000  }
0x67: {  	[spmem:s2] =	stream.indirect.scatter.add.bf16 [tilespmem:s15], [sflag:$0x5], $0x20, s28, s14, $0xb8;
	[tilespmem:$0x12E30] =	vst v63  }
0x68: {  	_ =	swait.ge [sflag:s17], $0x1000  }
0x69: {  	[sflag:s17] =	ssyncset.done $0x0  }
0x6a: {  	s28 =	sadd.s32 $0x380, s25;
	[sflag:s17] =	ssyncadd.s32 $0xFFFFF000  }
0x6b: {  	[tilespmem:s21], [sflag:$0x4] =	stream.indirect.gather [hbm4b:s10+s14], $0x20, s28, s14, $0xb8;
	[tilespmem:$0x12E30] =	vst v63  }
0x6c: {  	_ =	swait.ge [sflag:s22], $0x1000  }
0x6d: {  	[sflag:s22] =	ssyncset.done $0x0  }
0x6e: {  	s28 =	sadd.s32 $0x5280, s25;
	[sflag:s22] =	ssyncadd.s32 $0xFFFFF000  }
0x6f: {  	[spmem:s2] =	stream.indirect.scatter.add.bf16 [tilespmem:s16], [sflag:$0x6], $0x20, s28, s14, $0xb8;
	[tilespmem:$0x12E30] =	vst v63  }
0x70: {  	_ =	swait.ge [sflag:s24], $0x1000  }
0x71: {  	[sflag:s24] =	ssyncset.done $0x0  }
0x72: {  	s28 =	sadd.s32 $0x400, s25;
	[sflag:s24] =	ssyncadd.s32 $0xFFFFF000  }
0x73: {  	[tilespmem:s15], [sflag:$0x1] =	stream.indirect.gather [hbm4b:s10+s14], $0x20, s28, s14, $0xb8;
	[tilespmem:$0x12E30] =	vst v63  }
0x74: {  	_ =	swait.ge [sflag:s26], $0x1000  }
0x75: {  	[sflag:s26] =	ssyncset.done $0x0  }
0x76: {  	s28 =	sadd.s32 $0x5300, s25;
	[sflag:s26] =	ssyncadd.s32 $0xFFFFF000  }
0x77: {  	[spmem:s2] =	stream.indirect.scatter.add.bf16 [tilespmem:s18], [sflag:$0x7], $0x20, s28, s14, $0xb8;
	[tilespmem:$0x12E30] =	vst v63  }
0x78: {  	_ =	swait.ge [sflag:s29], $0x1000  }
0x79: {  	[sflag:s29] =	ssyncset.done $0x0  }
.Ltmp0:
0x7a: {  	s28 =	sadd.s32 $0x480, s25;
	[sflag:s29] =	ssyncadd.s32 $0xFFFFF000;
	(pc) =	sbr.rel @p0 .LBB2_2-.Ltmp0, $4  }
0x7b: {  	[tilespmem:s16], [sflag:$0x2] =	stream.indirect.gather [hbm4b:s10+s14], $0x20, s28, s14, $0xb8;
	[tilespmem:$0x12E30] =	vst v63  }
0x7c: {  	_ =	swait.ge [sflag:s31], $0x1000  }
0x7d: {  	[sflag:s31] =	ssyncset.done $0x0  }
0x7e: {  	s25 =	sadd.s32 $0x5380, s25;
	[sflag:s31] =	ssyncadd.s32 $0xFFFFF000  }
0x7f: {  	[spmem:s2] =	stream.indirect.scatter.add.bf16 [tilespmem:s21], [sflag:$0x8], $0x20, s25, s14, $0xb8;
	[tilespmem:$0x12E30] =	vst v63  }
0x80: {  	_ =	swait.ge [sflag:s1], $0x1000  }
0x81: {  	[sflag:s1] =	ssyncset.done $0x0  }
0x82: {  	s23 =	simm.s32 $0x4F00;
	[sflag:s1] =	ssyncadd.s32 $0xFFFFF000  }
0x83: {  	[tilespmem:s18], [sflag:$0x3] =	stream.indirect.gather [hbm4b:s10+s14], $0x20, s23, s14, $0xb8;
	[tilespmem:$0x12E30] =	vst v63  }
0x84: {  	_ =	swait.ge [sflag:s19], $0x1000  }
0x85: {  	[sflag:s19] =	ssyncset.done $0x0  }
0x86: {  	s28 =	simm.s32 $0x9E00;
	[sflag:s19] =	ssyncadd.s32 $0xFFFFF000  }
0x87: {  	[spmem:s2] =	stream.indirect.scatter.add.bf16 [tilespmem:s15], [sflag:$0x5], $0x20, s28, s14, $0xb8;
	[tilespmem:$0x12E30] =	vst v63  }
0x88: {  	_ =	swait.ge [sflag:s17], $0x1000  }
0x89: {  	[sflag:s17] =	ssyncset.done $0x0  }
0x8a: {  	s25 =	simm.s32 $0x4F80;
	[sflag:s17] =	ssyncadd.s32 $0xFFFFF000  }
0x8b: {  	[tilespmem:s21], [sflag:$0x4] =	stream.indirect.gather [hbm4b:s10+s14], $0x20, s25, s14, $0xb8;
	[tilespmem:$0x12E30] =	vst v63  }
0x8c: {  	_ =	swait.ge [sflag:s22], $0x1000  }
0x8d: {  	[sflag:s22] =	ssyncset.done $0x0  }
0x8e: {  	s28 =	simm.s32 $0x9E80;
	[sflag:s22] =	ssyncadd.s32 $0xFFFFF000  }
0x8f: {  	[spmem:s2] =	stream.indirect.scatter.add.bf16 [tilespmem:s16], [sflag:$0x6], $0x20, s28, s14, $0xb8;
	[tilespmem:$0x12E30] =	vst v63  }
0x90: {  	_ =	swait.ge [sflag:s26], $0x1000  }
0x91: {  	[sflag:s26] =	ssyncset.done $0x0  }
0x92: {  	[sflag:s26] =	ssyncadd.s32 $0xFFFFF000  }
0x93: {  	[spmem:s2] =	stream.indirect.scatter.add.bf16 [tilespmem:s18], [sflag:$0x7], $0x20, s30, s14, $0xb8;
	[tilespmem:$0x12E30] =	vst v63  }
0x94: {  	_ =	swait.ge [sflag:s31], $0x1000  }
0x95: {  	[sflag:s31] =	ssyncset.done $0x0  }
0x96: {  	[sflag:s31] =	ssyncadd.s32 $0xFFFFF000  }
0x97: {  	[spmem:s2] =	stream.indirect.scatter.add.bf16 [tilespmem:s21], [sflag:$0x8], $0x20, s0, s14, $0xb8;
	[tilespmem:$0x12E30] =	vst v63  }
0x98: {  	_ =	swait.ge [sflag:s24], $0x1000  }
0x99: {  	[sflag:s24] =	ssyncset.done $0x0  }
0x9a: {  	[sflag:s24] =	ssyncadd.s32 $0xFFFFF000  }
0x9b: {  	_ =	swait.ge [sflag:s29], $0x1000  }
0x9c: {  	[sflag:s29] =	ssyncset.done $0x0  }
0x9d: {  	[sflag:s29] =	ssyncadd.s32 $0xFFFFF000  }
0x9e: {  	_ =	swait.ge [sflag:s1], $0x1000  }
0x9f: {  	[sflag:s1] =	ssyncset.done $0x0  }
0xa0: {  	[sflag:s1] =	ssyncadd.s32 $0xFFFFF000  }
0xa1: {  	_ =	swait.ge [sflag:s17], $0x1000  }
0xa2: {  	s20 =	sadd.s32 $0x1, s20;
	[sflag:s17] =	ssyncset.done $0x0  }
0xa3: {  	p0 =	sne.s32 s20, s9;
	[sflag:s17] =	ssyncadd.s32 $0xFFFFF000  }
.Ltmp1:
0xa4: {  	[bflag:$0x0] =	sbarrier.arrive $0xFFFF;
	(pc) =	sbr.rel @p0 .LBB2_1-.Ltmp1, $4  }
0xa5: {  	[hbm:s8@s17], [sflag:s5] =	dma.strided [spmem:s11@s31], $0x9C4, s19, $0x4   }
0xa6: {  	_ =	swait.ge [sflag:s12], $0x9C4  }
0xa7: {  	[sflag:s12] =	ssyncset.done $0x0  }
0xa8: {  	[sflag:s12] =	ssyncadd.s32 $0xFFFFF63C  }
0xa9: {  	_ =	sfence.sel $0x180000  }
0xaa: {  	[bflag:$0x0] =	sbarrier.arrive $0xFFFF  }
0xab: {  	_ =	strace $0x9000004A  }
0xac: {  	s0 =	stileid.u32;
	[bflag:$0x2] =	sbarrier.arrive $0xFFFF  }
0xad: {  	p0 =	sne.s32 s0, $0x0;
	s0 =	rddreg [dreg:$0x3]  }
0xae: {  	s0 =	sadd.s32 @!p0 $0x100000, s0  }
0xaf: {  	[sflag:s0] =	ssyncadd.tile.s32 @!p0 $0x1;
	_ =	shalt  }
.Lfunc_end2:
_tile_overlayer_lowered:
.L_overlay_start_2:
0xb0: {  	(tag) =	ssettag $0x2  }
0xb1: {  	s0 =	rddreg [dreg:$0x0];
	s2 =	stileid.u32  }
0xb2: {  	s1 =	rddreg [dreg:$0x1];
	p0 =	sne.s32 s2, $0x0  }
0xb3: {  	s3 =	rddreg [dreg:$0x2];
	[bflag:$0x3] =	sbarrier.arrive $0xFFFF;
	s2 =	simm.s32 @!p0 $0x1C09  }
0xb4: {  	[timem:s3], [sflag:s2] =	dma.local @!p0 [hbm:s0], s1  }
0xb5: {  	s0 =	simm.s32 @!p0 $0x9  }
0xb6: {  	_ =	swait.ge @!p0 [sflag:s0], s1  }
0xb7: {  	s1 =	ssub.s32 @!p0 $0x0, s1;
	[sflag:s0] =	ssyncset.done @!p0 $0x0  }
0xb8: {  	[sflag:s0] =	ssyncadd.s32 @!p0 s1  }
0xb9: {  	[bflag:$0x3] =	sbarrier.arrive $0xFFFF  }
0xba: {  	_ =	shalt  }

// kernel: kernel.14.cloned.1.call-start
scs
__scs_entry_jumppad:
0x0: {  	(pc) =	sbr.rel $0x88, $3  }
0x1: {  	(tag) =	ssettag $0x0;
	lr =	simm.s32 $0x1  }
0x2: {  	[smem:$0x3F9B] =	sst lr;
	_ =	strace $0xD0000000  }
0x3: {  	_ = 	snop  }
0x4: {  	_ = 	snop  }
0x5: {  	_ = 	snop  }
0x6: {  	_ = 	snop  }
0x7: {  	_ = 	snop  }
__scs_overlays_trampoline_lowered:
0x8: {  	[smem:$0x3FAA] =	sst s0  }
0x9: {  	[smem:$0x3FAB] =	sst s1  }
0xa: {  	[smem:$0x3FAC] =	sst s2  }
0xb: {  	[smem:$0x3FAD] =	sst s3  }
0xc: {  	[smem:$0x3FAE] =	sst s4  }
0xd: {  	[smem:$0x3FAF] =	sst s5  }
0xe: {  	[smem:$0x3FB0] =	sst s6  }
0xf: {  	[smem:$0x3FB1] =	sst s7  }
0x10: {  	[smem:$0x3FB2] =	sst s8  }
0x11: {  	[smem:$0x3FB3] =	sst s9;
	s0 =	simm.s32 @!p0 $0x0  }
0x12: {  	s1 =	sld [smem:$0x3F99];
	s0 =	simm.s32 @p0 $0x1  }
0x13: {  	[smem:$0x3FB4] =	sst s0;
	s0 =	simm.s32 @!p1 $0x0  }
0x14: {  	s2 =	sld [smem:$0x3F98];
	s0 =	simm.s32 @p1 $0x1  }
0x15: {  	[smem:$0x3FB5] =	sst s0;
	s0 =	simm.s32 @!p2 $0x0  }
0x16: {  	s3 =	sld [smem:$0x3FDB];
	s0 =	simm.s32 @p2 $0x1  }
0x17: {  	s4 =	simm.s32 $0x1BF5;
	[smem:$0x3FB7] =	sst s0  }
0x18: {  	s0 =	sld [smem:$0x3F9A];
	_ =	swait.ge [sflag:s4], $0x0  }
0x19: {  	s7 =	sld [smem:$0x3F9B]  }
0x1a: {  	s8 =	sadd.s32 $0xFFFFE003, lr  }
0x1b: {  	s9 =	sadd.s32 $0xFFFFFEF7, lr;
	s5 =	simm.s32 $0xFFFFFFFF;
	p2 =	slt.u32 s8, $0xFFFFF086  }
0x1c: {  	p1 =	slt.u32 s9, $0xF7A;
	s5 =	simm.s32 @!p2 $0x0  }
0x1d: {  	s5 =	simm.s32 @p1 $0x1;
	p0 =	seq.s32 s7, s2  }
0x1e: {  	s7 =	smul.u32 @!p0 $0xF7A, s2;
	p2 =	seq.s32 @!p0 s5, $0x0  }
0x1f: {  	s9 =	smul.u32 $0xF7A, s1;
	s8 =	simm.s32 @!p0 $0x1BF5;
	p2 =	por !p2, p0  }
0x20: {  	[sflag:s8] =	ssyncset.s32 @!p0 $0xFFFFF086;
	s6 =	sadd.s32 @!p0 s3, s7;
	s7 =	simm.s32 @!p0 $0x108  }
0x21: {  	s3 =	sadd.s32 s3, s9;
	s6 =	sadd.s32 @!p0 $0x88, s6;
	s7 =	simm.s32 @p2 $0x1082  }
0x22: {  	[simem:s7], [sflag:s8] =	dma.local @!p0 [hbm:s6], $0xF7A  }
0x23: {  	s9 =	sor.u32 $0xD0000000, s2;
	s6 =	simm.s32 $0x108;
	_ =	swait.ge @!p0 [sflag:s8], $0x0  }
0x24: {  	s3 =	sadd.s32 $0x88, s3;
	s6 =	simm.s32 @!p1 $0x1082;
	[sflag:s4] =	ssyncset.s32 $0xFFFFF086  }
0x25: {  	[simem:s6], [sflag:s4] =	dma.local [hbm:s3], $0xF7A  }
0x26: {  	[smem:$0x3F9B] =	sst s1;
	(tag) =	ssettag s2;
	_ =	strace s9  }
0x27: {  	s1 =	sld [smem:$0x3FAB]  }
0x28: {  	s2 =	sld [smem:$0x3FAC]  }
0x29: {  	s4 =	sld [smem:$0x3FAE]  }
0x2a: {  	p0 =	seq.s32 s5, $0x0;
	s5 =	sld [smem:$0x3FAF]  }
0x2b: {  	s6 =	sld [smem:$0x3FB0]  }
0x2c: {  	s7 =	sld [smem:$0x3FB1]  }
0x2d: {  	s3 =	simm.s32 $0x108;
	s8 =	sld [smem:$0x3FB2]  }
0x2e: {  	s3 =	simm.s32 @!p0 $0x1082;
	s9 =	sld [smem:$0x3FB3]  }
0x2f: {  	lr =	sadd.s32 s0, s3;
	s0 =	sld [smem:$0x3FAA]  }
0x30: {  	s3 =	sld [smem:$0x3FAD]  }
0x31: {  	[smem:$0x3FB6] =	sst s10  }
0x32: {  	s10 =	sld [smem:$0x3FB4];
	_ =	sdelay $0x3  }
0x33: {  	p0 =	seq.s32 s10, $0x1;
	s10 =	sld [smem:$0x3FB6];
	_ =	sdelay $0x3  }
0x34: {  	[smem:$0x3FB6] =	sst s10  }
0x35: {  	s10 =	sld [smem:$0x3FB5];
	_ =	sdelay $0x3  }
0x36: {  	p1 =	seq.s32 s10, $0x1;
	s10 =	sld [smem:$0x3FB6];
	_ =	sdelay $0x3  }
0x37: {  	[smem:$0x3FB6] =	sst s10  }
0x38: {  	s10 =	sld [smem:$0x3FB7]  }
0x39: {  	_ = 	snop;
	(pc) =	sbr.ind lr, $3  }
0x3a: {  	_ = 	snop  }
0x3b: {  	_ = 	snop  }
0x3c: {  	p2 =	seq.s32 s10, $0x1;
	s10 =	sld [smem:$0x3FB6]  }
0x3d: {  	_ =	shalt  }
0x3e: {  	_ =	shalt  }
0x3f: {  	_ =	shalt  }
0x40: {  	_ =	shalt  }
0x41: {  	_ =	shalt  }
0x42: {  	_ =	shalt  }
0x43: {  	_ =	shalt  }
0x44: {  	_ =	shalt  }
0x45: {  	_ =	shalt  }
0x46: {  	_ =	shalt  }
0x47: {  	_ =	shalt  }
0x48: {  	_ =	shalt  }
0x49: {  	_ =	shalt  }
0x4a: {  	_ =	shalt  }
0x4b: {  	_ =	shalt  }
0x4c: {  	_ =	shalt  }
0x4d: {  	_ =	shalt  }
0x4e: {  	_ =	shalt  }
0x4f: {  	_ =	shalt  }
0x50: {  	_ =	shalt  }
0x51: {  	_ =	shalt  }
0x52: {  	_ =	shalt  }
0x53: {  	_ =	shalt  }
0x54: {  	_ =	shalt  }
0x55: {  	_ =	shalt  }
0x56: {  	_ =	shalt  }
0x57: {  	_ =	shalt  }
0x58: {  	_ =	shalt  }
0x59: {  	_ =	shalt  }
0x5a: {  	_ =	shalt  }
0x5b: {  	_ =	shalt  }
0x5c: {  	_ =	shalt  }
0x5d: {  	_ =	shalt  }
0x5e: {  	_ =	shalt  }
0x5f: {  	_ =	shalt  }
0x60: {  	_ =	shalt  }
0x61: {  	_ =	shalt  }
0x62: {  	_ =	shalt  }
0x63: {  	_ =	shalt  }
0x64: {  	_ =	shalt  }
0x65: {  	_ =	shalt  }
0x66: {  	_ =	shalt  }
0x67: {  	_ =	shalt  }
0x68: {  	_ =	shalt  }
0x69: {  	_ =	shalt  }
0x6a: {  	_ =	shalt  }
0x6b: {  	_ =	shalt  }
0x6c: {  	_ =	shalt  }
0x6d: {  	_ =	shalt  }
0x6e: {  	_ =	shalt  }
0x6f: {  	_ =	shalt  }
0x70: {  	_ =	shalt  }
0x71: {  	_ =	shalt  }
0x72: {  	_ =	shalt  }
0x73: {  	_ =	shalt  }
0x74: {  	_ =	shalt  }
0x75: {  	_ =	shalt  }
0x76: {  	_ =	shalt  }
0x77: {  	_ =	shalt  }
0x78: {  	_ =	shalt  }
0x79: {  	_ =	shalt  }
0x7a: {  	_ =	shalt  }
0x7b: {  	_ =	shalt  }
0x7c: {  	_ =	shalt  }
0x7d: {  	_ =	shalt  }
0x7e: {  	_ =	shalt  }
0x7f: {  	_ =	shalt  }
0x80: {  	_ =	shalt  }
0x81: {  	_ =	shalt  }
0x82: {  	_ =	shalt  }
0x83: {  	_ =	shalt  }
0x84: {  	_ =	shalt  }
0x85: {  	_ =	shalt  }
0x86: {  	_ =	shalt  }
0x87: {  	_ =	shalt  }
.Lfunc_end0:
.L_simem_size_0:
called_computation.2_lowered:
.L_overlay_start_0:
0x88: {  	s2 =	sld [smem:$0x3FD9]  }
0x89: {  	s3 =	sld [smem:$0x3FFE];
	_ =	sdelay $0x1  }
0x8a: {  	s1 =	srdreg.scid  }
0x8b: {  	s0 =	sand.u32 $0x1, s1  }
0x8c: {  	s17 =	sshll.u32 s0, $0xA;
	s2 =	sadd.s32 s3, s2  }
0x8d: {  	s2 =	sadd.s32 s2, s17  }
0x8e: {  	[smem:$0x3FC2] =	sst s2  }
0x8f: {  	_ = 	snop  }
0x90: {  	s2 =	sld [smem:$0x3FD0];
	(tm) =	ssettm $0x1  }
0x91: {  	s18 =	sld [smem:$0x3FFB];
	_ =	sdelay $0x3  }
0x92: {  	_ =	strace s18  }
0x93: {  	s3 =	sld [smem:$0x3FFC];
	_ =	sdelay $0x3  }
0x94: {  	_ =	strace s3  }
0x95: {  	s3 =	sld [smem:$0x3FFD];
	_ =	sdelay $0x3  }
0x96: {  	_ =	strace s3  }
0x97: {  	_ =	strace $0x8FFFFFFF  }
0x98: {  	s19 =	sld [smem:$0x3FDB];
	_ =	sdelay $0x1  }
0x99: {  	s4 =	simm.s32 $_scs_section_size  }
0x9a: {  	s5 =	simm.s32 $_size__tile_overlayer_lowered;
	s6 =	simm.s32 $_tile_overlayer_lowered  }
0x9b: {  	s22 =	simm.s32 $0x1BFF;
	s21 =	sshll.u32 s6, $0x1;
	s3 =	sadd.s32 s4, s19  }
0x9c: {  	s7 =	simm.s32 $0x0;
	s20 =	sshll.u32 s5, $0x1;
	s5 =	sadd.s32 s21, s3  }
0x9d: {  	[timem:s7], [sflag:s22] =	dma.local [hbm:s5], s20  }
0x9e: {  	_ =	swait.ge [sflag:s22], s20  }
0x9f: {  	s4 =	ssub.s32 $0x0, s20;
	[sflag:s22] =	ssyncset.done $0x0  }
0xa0: {  	[sflag:s22] =	ssyncadd.s32 s4;
	_ =	sdelay $0x1  }
0xa1: {  	s23 =	simm.s32 $0x1B8B  }
0xa2: {  	_ =	swait.ge [sflag:s23], $0x1  }
0xa3: {  	[sflag:s23] =	ssyncset.done $0x0  }
0xa4: {  	s25 =	simm.s32 $0x1B8E;
	s24 =	sld [smem:$0x3FFE];
	[sflag:s23] =	ssyncadd.s32 $0xFFFFFFFF  }
0xa5: {  	s26 =	simm.s32 $execute0_lowered;
	[smem:$0x3FD2] =	sst s25  }
0xa6: {  	s5 =	sshll.u32 s26, $0x1;
	_ =	strace $0x8000004C;
	[dreg:$0x1] =	wrdreg $0xFFFFFFFF  }
0xa7: {  	s28 =	simm.s32 $_size_execute0_lowered;
	s3 =	sadd.s32 s3, s5;
	[dreg:$0x0] =	wrdreg $0x0  }
0xa8: {  	s5 =	sshll.u32 s28, $0x1;
	[dreg:$0x2] =	wrdreg s3  }
0xa9: {  	[dreg:$0x3] =	wrdreg s5  }
0xaa: {  	[dreg:$0x4] =	wrdreg $0xC0  }
0xab: {  	_ =	task [dreg:s7], $0x5FFFF  }
0xac: {  	[dreg:$0x1] =	wrdreg $0xFFFFFFFF  }
0xad: {  	[dreg:$0x0] =	wrdreg $0x60  }
0xae: {  	[dreg:$0x2] =	wrdreg s24  }
0xaf: {  	[dreg:$0x3] =	wrdreg s2  }
0xb0: {  	[dreg:$0x4] =	wrdreg $0xE0000  }
0xb1: {  	[dreg:$0x5] =	wrdreg $0x9  }
0xb2: {  	_ =	task.clear_ibuf [dreg:s7], $0x6FFFF;
	_ =	strace $0x9000004C  }
0xb3: {  	s29 =	simm.s32 $0x9;
	_ =	strace $0x8000004E  }
0xb4: {  	_ =	swait.ge [sflag:s29], $0x1  }
0xb5: {  	[sflag:s29] =	ssyncadd.s32 $0xFFFFFFFF  }
0xb6: {  	_ =	strace $0x9000004E  }
0xb7: {  	_ =	sfence  }
0xb8: {  	s30 =	sld [smem:$0x0];
	_ =	sdelay $0x2  }
0xb9: {  	s31 =	sshll.u32 s1, $0xD;
	s1 =	sshrl.u32 s1, $0x2  }
0xba: {  	s3 =	sand.u32 $0x4000, s31;
	s1 =	sadd.s32 s1, s30  }
0xbb: {  	s0 =	sor.u32 s3, s0;
	s1 =	sshll.u32 s1, $0x11  }
0xbc: {  	s0 =	sor.u32 s1, s0  }
0xbd: {  	s0 =	sadd.s32 $0x8F2B, s0  }
0xbe: {  	[sflag:s0] =	ssyncadd.remote.s32 $0x1  }
0xbf: {  	_ =	sfence.sel $0xFFFF  }
0xc0: {  	[dreg:$0x0] =	wrdreg $0xFFFFFFFF;
	(pc) =	sbr.abs _section_cstart, $3  }
0xc1: {  	[dreg:$0x1] =	wrdreg $0xFFFFFFFF  }
0xc2: {  	_ =	task.clear_ibuf [dreg:s7], $0x2FFFF;
	_ =	strace $0x9FFFFFFF  }
0xc3: {  	(tm) =	ssettm $0x7FFFFFFF  }
tec
execute0_lowered:
.L_overlay_start_1:
0x0: {  	(tag) =	ssettag $0x1  }
0x1: {  	s0 =	rddreg [dreg:$0x0]  }
0x2: {  	s1 =	rddreg [dreg:$0x1]  }
0x3: {  	s2 =	rddreg [dreg:$0x2];
	s13 =	stileid.u32;
	s3 =	simm.s32 $0x0  }
0x4: {  	s5 =	srdreg.scid;
	s14 =	simm.s32 $0x80;
	s15 =	simm.s32 $0xA000  }
0x5: {  	s16 =	simm.s32 $0xB000;
	s18 =	simm.s32 $0xC000;
	s19 =	simm.s32 $0x1  }
0x6: {  	s21 =	simm.s32 $0xD000;
	s22 =	simm.s32 $0x2;
	s24 =	simm.s32 $0x5  }
0x7: {  	s29 =	simm.s32 $0x6;
	s31 =	simm.s32 $0x4;
	s17 =	simm.s32 $0x8  }
0x8: {  	s30 =	simm.s32 $0x9F00;
	s20 =	simm.s32 $0x0;
	s4 =	smul.u32 $0xA00, s13  }
0x9: {  	[smem:$0x7FF] =	sst s3;
	s7 =	sand.u32 $0x1, s5;
	s8 =	smul.u32 $0x13880, s13  }
0xa: {  	s26 =	sshll.u32 s13, $0x6;
	s13 =	simm.s32 $0x5000;
	_ =	strace $0x8000004D  }
0xb: {  	s5 =	ssub.s32 $0x2, s7;
	s28 =	sshll.u32 s7, $0x6;
	p0 =	seq.s32 s7, $0x0  }
0xc: {  	s9 =	sadd.s32 s4, s0;
	s4 =	sadd.s32 $0xB800, s0;
	s6 =	sshrl.u32 s5, $0x1  }
0xd: {  	s10 =	sshrl.u32 s8, $0x2;
	s8 =	sor.u32 s28, s8;
	s11 =	ssub.s32 s5, s6  }
0xe: {  	s12 =	sadd.s32 s10, s2;
	s5 =	sor.u32 $0x1C09, s26;
	s6 =	sadd.s32 $0xC200, s9  }
0xf: {  	s10 =	simm.s32 $0x16200;
	s7 =	sadd.s32 $0x1800, s9;
	s8 =	sshrl.u32 s8, $0x4  }
0x10: {  	s26 =	simm.s32 $0x3;
	s10 =	simm.s32 @!p0 $0x20000;
	s8 =	sadd.s32 s1, s8  }
0x11: {  	s9 =	smax.u32 s11, $0x1;
	s11 =	sshrl.u32 s12, $0x3;
	s12 =	simm.s32 $0x9  }
0x12: {  	s1 =	simm.s32 $0x7;
	s10 =	sadd.s32 s10, s0;
	s0 =	simm.s32 $0x9F80  }
.LBB2_1:
0x13: {  	[spmem:s11], [sflag:s5] =	dma.local [hbm:s4], $0x9C4  }
0x14: {  	_ =	swait.ge [sflag:s12], $0x9C4  }
0x15: {  	[sflag:s12] =	ssyncset.done $0x0  }
0x16: {  	[sflag:s12] =	ssyncadd.s32 $0xFFFFF63C  }
0x17: {  	[tilespmem:s3], [sflag:$0x9] =	stream.linear.gather [hbm4b:s6+s3], $0x5000, $0x38;
	[tilespmem:$0x12E30] =	vst v63  }
0x18: {  	_ =	swait.ge [sflag:s12], $0x5000  }
0x19: {  	[sflag:s12] =	ssyncset.done $0x0  }
0x1a: {  	[sflag:s12] =	ssyncadd.s32 $0xFFFFB000  }
0x1b: {  	[tilespmem:s13], [sflag:$0x9] =	stream.linear.gather [hbm4b:s7+s3], $0x5000, $0x38;
	[tilespmem:$0x12E30] =	vst v63  }
0x1c: {  	_ =	swait.ge [sflag:s12], $0x5000  }
0x1d: {  	[sflag:s12] =	ssyncset.done $0x0  }
0x1e: {  	[sflag:s12] =	ssyncadd.s32 $0xFFFFB000  }
0x1f: {  	[bflag:$0x0] =	sbarrier.arrive $0xFFFF  }
0x20: {  	[tilespmem:s15], [sflag:$0x1] =	stream.indirect.gather [hbm4b:s10+s14], $0x20, s3, s14, $0xb8;
	[tilespmem:$0x12E30] =	vst v63  }
0x21: {  	_ = 	snop  }
0x22: {  	[tilespmem:s16], [sflag:$0x2] =	stream.indirect.gather [hbm4b:s10+s14], $0x20, s14, s14, $0xb8;
	[tilespmem:$0x12E30] =	vst v63  }
0x23: {  	s23 =	simm.s32 $0x100  }
0x24: {  	[tilespmem:s18], [sflag:$0x3] =	stream.indirect.gather [hbm4b:s10+s14], $0x20, s23, s14, $0xb8;
	[tilespmem:$0x12E30] =	vst v63  }
0x25: {  	_ =	swait.ge [sflag:s19], $0x1000  }
0x26: {  	[sflag:s19] =	ssyncset.done $0x0  }
0x27: {  	[sflag:s19] =	ssyncadd.s32 $0xFFFFF000  }
0x28: {  	[spmem:s2] =	stream.indirect.scatter.add.bf16 [tilespmem:s15], [sflag:$0x5], $0x20, s13, s14, $0xb8;
	[tilespmem:$0x12E30] =	vst v63  }
0x29: {  	s28 =	simm.s32 $0x180  }
0x2a: {  	[tilespmem:s21], [sflag:$0x4] =	stream.indirect.gather [hbm4b:s10+s14], $0x20, s28, s14, $0xb8;
	[tilespmem:$0x12E30] =	vst v63  }
0x2b: {  	_ =	swait.ge [sflag:s22], $0x1000  }
0x2c: {  	[sflag:s22] =	ssyncset.done $0x0  }
0x2d: {  	s25 =	simm.s32 $0x5080;
	[sflag:s22] =	ssyncadd.s32 $0xFFFFF000  }
0x2e: {  	[spmem:s2] =	stream.indirect.scatter.add.bf16 [tilespmem:s16], [sflag:$0x6], $0x20, s25, s14, $0xb8;
	[tilespmem:$0x12E30] =	vst v63  }
0x2f: {  	_ =	swait.ge [sflag:s24], $0x1000  }
0x30: {  	[sflag:s24] =	ssyncset.done $0x0  }
0x31: {  	s28 =	simm.s32 $0x200;
	[sflag:s24] =	ssyncadd.s32 $0xFFFFF000  }
0x32: {  	[tilespmem:s15], [sflag:$0x1] =	stream.indirect.gather [hbm4b:s10+s14], $0x20, s28, s14, $0xb8;
	[tilespmem:$0x12E30] =	vst v63  }
0x33: {  	_ =	swait.ge [sflag:s26], $0x1000  }
0x34: {  	[sflag:s26] =	ssyncset.done $0x0  }
0x35: {  	s25 =	simm.s32 $0x5100;
	[sflag:s26] =	ssyncadd.s32 $0xFFFFF000  }
0x36: {  	[spmem:s2] =	stream.indirect.scatter.add.bf16 [tilespmem:s18], [sflag:$0x7], $0x20, s25, s14, $0xb8;
	[tilespmem:$0x12E30] =	vst v63  }
0x37: {  	_ =	swait.ge [sflag:s29], $0x1000  }
0x38: {  	[sflag:s29] =	ssyncset.done $0x0  }
0x39: {  	s28 =	simm.s32 $0x280;
	[sflag:s29] =	ssyncadd.s32 $0xFFFFF000  }
0x3a: {  	[tilespmem:s16], [sflag:$0x2] =	stream.indirect.gather [hbm4b:s10+s14], $0x20, s28, s14, $0xb8;
	[tilespmem:$0x12E30] =	vst v63  }
0x3b: {  	_ =	swait.ge [sflag:s31], $0x1000  }
0x3c: {  	[sflag:s31] =	ssyncset.done $0x0  }
0x3d: {  	s25 =	simm.s32 $0x5180;
	[sflag:s31] =	ssyncadd.s32 $0xFFFFF000  }
0x3e: {  	[spmem:s2] =	stream.indirect.scatter.add.bf16 [tilespmem:s21], [sflag:$0x8], $0x20, s25, s14, $0xb8;
	[tilespmem:$0x12E30] =	vst v63  }
0x3f: {  	_ =	swait.ge [sflag:s1], $0x1000  }
0x40: {  	[sflag:s1] =	ssyncset.done $0x0  }
0x41: {  	s28 =	simm.s32 $0x300;
	[sflag:s1] =	ssyncadd.s32 $0xFFFFF000  }
0x42: {  	[tilespmem:s18], [sflag:$0x3] =	stream.indirect.gather [hbm4b:s10+s14], $0x20, s28, s14, $0xb8;
	[tilespmem:$0x12E30] =	vst v63  }
0x43: {  	_ =	swait.ge [sflag:s19], $0x1000  }
0x44: {  	[sflag:s19] =	ssyncset.done $0x0  }
0x45: {  	s25 =	simm.s32 $0x5200;
	[sflag:s19] =	ssyncadd.s32 $0xFFFFF000  }
0x46: {  	[spmem:s2] =	stream.indirect.scatter.add.bf16 [tilespmem:s15], [sflag:$0x5], $0x20, s25, s14, $0xb8;
	[tilespmem:$0x12E30] =	vst v63  }
0x47: {  	_ =	swait.ge [sflag:s17], $0x1000  }
0x48: {  	[sflag:s17] =	ssyncset.done $0x0  }
0x49: {  	s28 =	simm.s32 $0x380;
	[sflag:s17] =	ssyncadd.s32 $0xFFFFF000  }
0x4a: {  	[tilespmem:s21], [sflag:$0x4] =	stream.indirect.gather [hbm4b:s10+s14], $0x20, s28, s14, $0xb8;
	[tilespmem:$0x12E30] =	vst v63  }
0x4b: {  	_ =	swait.ge [sflag:s22], $0x1000  }
0x4c: {  	[sflag:s22] =	ssyncset.done $0x0  }
0x4d: {  	s25 =	simm.s32 $0x5280;
	[sflag:s22] =	ssyncadd.s32 $0xFFFFF000  }
0x4e: {  	[spmem:s2] =	stream.indirect.scatter.add.bf16 [tilespmem:s16], [sflag:$0x6], $0x20, s25, s14, $0xb8;
	[tilespmem:$0x12E30] =	vst v63  }
0x4f: {  	_ =	swait.ge [sflag:s24], $0x1000  }
0x50: {  	[sflag:s24] =	ssyncset.done $0x0  }
0x51: {  	s28 =	simm.s32 $0x400;
	[sflag:s24] =	ssyncadd.s32 $0xFFFFF000  }
0x52: {  	[tilespmem:s15], [sflag:$0x1] =	stream.indirect.gather [hbm4b:s10+s14], $0x20, s28, s14, $0xb8;
	[tilespmem:$0x12E30] =	vst v63  }
0x53: {  	_ =	swait.ge [sflag:s26], $0x1000  }
0x54: {  	[sflag:s26] =	ssyncset.done $0x0  }
0x55: {  	s25 =	simm.s32 $0x5300;
	[sflag:s26] =	ssyncadd.s32 $0xFFFFF000  }
0x56: {  	[spmem:s2] =	stream.indirect.scatter.add.bf16 [tilespmem:s18], [sflag:$0x7], $0x20, s25, s14, $0xb8;
	[tilespmem:$0x12E30] =	vst v63  }
0x57: {  	_ =	swait.ge [sflag:s29], $0x1000  }
0x58: {  	[sflag:s29] =	ssyncset.done $0x0  }
0x59: {  	s28 =	simm.s32 $0x480;
	[sflag:s29] =	ssyncadd.s32 $0xFFFFF000  }
0x5a: {  	[tilespmem:s16], [sflag:$0x2] =	stream.indirect.gather [hbm4b:s10+s14], $0x20, s28, s14, $0xb8;
	[tilespmem:$0x12E30] =	vst v63  }
0x5b: {  	_ =	swait.ge [sflag:s31], $0x1000  }
0x5c: {  	[sflag:s31] =	ssyncset.done $0x0  }
0x5d: {  	s23 =	simm.s32 $0x800;
	s25 =	simm.s32 $0x5380;
	[sflag:s31] =	ssyncadd.s32 $0xFFFFF000  }
.LBB2_2:
0x5e: {  	[spmem:s2] =	stream.indirect.scatter.add.bf16 [tilespmem:s21], [sflag:$0x8], $0x20, s25, s14, $0xb8;
	[tilespmem:$0x12E30] =	vst v63  }
0x5f: {  	s25 =	smov.u32 s23  }
0x60: {  	p0 =	sne.s32 s23, $0x12800;
	s23 =	sadd.s32 $0x800, s23;
	_ =	swait.ge [sflag:s1], $0x1000  }
0x61: {  	s25 =	sshra.s32 s25, $0x2;
	[sflag:s1] =	ssyncset.done $0x0  }
0x62: {  	s28 =	sadd.s32 $0x300, s25;
	[sflag:s1] =	ssyncadd.s32 $0xFFFFF000  }
0x63: {  	[tilespmem:s18], [sflag:$0x3] =	stream.indirect.gather [hbm4b:s10+s14], $0x20, s28, s14, $0xb8;
	[tilespmem:$0x12E30] =	vst v63  }
0x64: {  	_ =	swait.ge [sflag:s19], $0x1000  }
0x65: {  	[sflag:s19] =	ssyncset.done $0x0  }
0x66: {  	s28 =	sadd.s32 $0x5200, s25;
	[sflag:s19] =	ssyncadd.s32 $0xFFFFF000  }
0x67: {  	[spmem:s2] =	stream.indirect.scatter.add.bf16 [tilespmem:s15], [sflag:$0x5], $0x20, s28, s14, $0xb8;
	[tilespmem:$0x12E30] =	vst v63  }
0x68: {  	_ =	swait.ge [sflag:s17], $0x1000  }
0x69: {  	[sflag:s17] =	ssyncset.done $0x0  }
0x6a: {  	s28 =	sadd.s32 $0x380, s25;
	[sflag:s17] =	ssyncadd.s32 $0xFFFFF000  }
0x6b: {  	[tilespmem:s21], [sflag:$0x4] =	stream.indirect.gather [hbm4b:s10+s14], $0x20, s28, s14, $0xb8;
	[tilespmem:$0x12E30] =	vst v63  }
0x6c: {  	_ =	swait.ge [sflag:s22], $0x1000  }
0x6d: {  	[sflag:s22] =	ssyncset.done $0x0  }
0x6e: {  	s28 =	sadd.s32 $0x5280, s25;
	[sflag:s22] =	ssyncadd.s32 $0xFFFFF000  }
0x6f: {  	[spmem:s2] =	stream.indirect.scatter.add.bf16 [tilespmem:s16], [sflag:$0x6], $0x20, s28, s14, $0xb8;
	[tilespmem:$0x12E30] =	vst v63  }
0x70: {  	_ =	swait.ge [sflag:s24], $0x1000  }
0x71: {  	[sflag:s24] =	ssyncset.done $0x0  }
0x72: {  	s28 =	sadd.s32 $0x400, s25;
	[sflag:s24] =	ssyncadd.s32 $0xFFFFF000  }
0x73: {  	[tilespmem:s15], [sflag:$0x1] =	stream.indirect.gather [hbm4b:s10+s14], $0x20, s28, s14, $0xb8;
	[tilespmem:$0x12E30] =	vst v63  }
0x74: {  	_ =	swait.ge [sflag:s26], $0x1000  }
0x75: {  	[sflag:s26] =	ssyncset.done $0x0  }
0x76: {  	s28 =	sadd.s32 $0x5300, s25;
	[sflag:s26] =	ssyncadd.s32 $0xFFFFF000  }
0x77: {  	[spmem:s2] =	stream.indirect.scatter.add.bf16 [tilespmem:s18], [sflag:$0x7], $0x20, s28, s14, $0xb8;
	[tilespmem:$0x12E30] =	vst v63  }
0x78: {  	_ =	swait.ge [sflag:s29], $0x1000  }
0x79: {  	[sflag:s29] =	ssyncset.done $0x0  }
.Ltmp0:
0x7a: {  	s28 =	sadd.s32 $0x480, s25;
	[sflag:s29] =	ssyncadd.s32 $0xFFFFF000;
	(pc) =	sbr.rel @p0 .LBB2_2-.Ltmp0, $4  }
0x7b: {  	[tilespmem:s16], [sflag:$0x2] =	stream.indirect.gather [hbm4b:s10+s14], $0x20, s28, s14, $0xb8;
	[tilespmem:$0x12E30] =	vst v63  }
0x7c: {  	_ =	swait.ge [sflag:s31], $0x1000  }
0x7d: {  	[sflag:s31] =	ssyncset.done $0x0  }
0x7e: {  	s25 =	sadd.s32 $0x5380, s25;
	[sflag:s31] =	ssyncadd.s32 $0xFFFFF000  }
0x7f: {  	[spmem:s2] =	stream.indirect.scatter.add.bf16 [tilespmem:s21], [sflag:$0x8], $0x20, s25, s14, $0xb8;
	[tilespmem:$0x12E30] =	vst v63  }
0x80: {  	_ =	swait.ge [sflag:s1], $0x1000  }
0x81: {  	[sflag:s1] =	ssyncset.done $0x0  }
0x82: {  	s23 =	simm.s32 $0x4F00;
	[sflag:s1] =	ssyncadd.s32 $0xFFFFF000  }
0x83: {  	[tilespmem:s18], [sflag:$0x3] =	stream.indirect.gather [hbm4b:s10+s14], $0x20, s23, s14, $0xb8;
	[tilespmem:$0x12E30] =	vst v63  }
0x84: {  	_ =	swait.ge [sflag:s19], $0x1000  }
0x85: {  	[sflag:s19] =	ssyncset.done $0x0  }
0x86: {  	s28 =	simm.s32 $0x9E00;
	[sflag:s19] =	ssyncadd.s32 $0xFFFFF000  }
0x87: {  	[spmem:s2] =	stream.indirect.scatter.add.bf16 [tilespmem:s15], [sflag:$0x5], $0x20, s28, s14, $0xb8;
	[tilespmem:$0x12E30] =	vst v63  }
0x88: {  	_ =	swait.ge [sflag:s17], $0x1000  }
0x89: {  	[sflag:s17] =	ssyncset.done $0x0  }
0x8a: {  	s25 =	simm.s32 $0x4F80;
	[sflag:s17] =	ssyncadd.s32 $0xFFFFF000  }
0x8b: {  	[tilespmem:s21], [sflag:$0x4] =	stream.indirect.gather [hbm4b:s10+s14], $0x20, s25, s14, $0xb8;
	[tilespmem:$0x12E30] =	vst v63  }
0x8c: {  	_ =	swait.ge [sflag:s22], $0x1000  }
0x8d: {  	[sflag:s22] =	ssyncset.done $0x0  }
0x8e: {  	s28 =	simm.s32 $0x9E80;
	[sflag:s22] =	ssyncadd.s32 $0xFFFFF000  }
0x8f: {  	[spmem:s2] =	stream.indirect.scatter.add.bf16 [tilespmem:s16], [sflag:$0x6], $0x20, s28, s14, $0xb8;
	[tilespmem:$0x12E30] =	vst v63  }
0x90: {  	_ =	swait.ge [sflag:s26], $0x1000  }
0x91: {  	[sflag:s26] =	ssyncset.done $0x0  }
0x92: {  	[sflag:s26] =	ssyncadd.s32 $0xFFFFF000  }
0x93: {  	[spmem:s2] =	stream.indirect.scatter.add.bf16 [tilespmem:s18], [sflag:$0x7], $0x20, s30, s14, $0xb8;
	[tilespmem:$0x12E30] =	vst v63  }
0x94: {  	_ =	swait.ge [sflag:s31], $0x1000  }
0x95: {  	[sflag:s31] =	ssyncset.done $0x0  }
0x96: {  	[sflag:s31] =	ssyncadd.s32 $0xFFFFF000  }
0x97: {  	[spmem:s2] =	stream.indirect.scatter.add.bf16 [tilespmem:s21], [sflag:$0x8], $0x20, s0, s14, $0xb8;
	[tilespmem:$0x12E30] =	vst v63  }
0x98: {  	_ =	swait.ge [sflag:s24], $0x1000  }
0x99: {  	[sflag:s24] =	ssyncset.done $0x0  }
0x9a: {  	[sflag:s24] =	ssyncadd.s32 $0xFFFFF000  }
0x9b: {  	_ =	swait.ge [sflag:s29], $0x1000  }
0x9c: {  	[sflag:s29] =	ssyncset.done $0x0  }
0x9d: {  	[sflag:s29] =	ssyncadd.s32 $0xFFFFF000  }
0x9e: {  	_ =	swait.ge [sflag:s1], $0x1000  }
0x9f: {  	[sflag:s1] =	ssyncset.done $0x0  }
0xa0: {  	[sflag:s1] =	ssyncadd.s32 $0xFFFFF000  }
0xa1: {  	_ =	swait.ge [sflag:s17], $0x1000  }
0xa2: {  	s20 =	sadd.s32 $0x1, s20;
	[sflag:s17] =	ssyncset.done $0x0  }
0xa3: {  	p0 =	sne.s32 s20, s9;
	[sflag:s17] =	ssyncadd.s32 $0xFFFFF000  }
.Ltmp1:
0xa4: {  	[bflag:$0x0] =	sbarrier.arrive $0xFFFF;
	(pc) =	sbr.rel @p0 .LBB2_1-.Ltmp1, $4  }
0xa5: {  	[hbm:s8@s17], [sflag:s5] =	dma.strided [spmem:s11@s31], $0x9C4, s19, $0x4   }
0xa6: {  	_ =	swait.ge [sflag:s12], $0x9C4  }
0xa7: {  	[sflag:s12] =	ssyncset.done $0x0  }
0xa8: {  	[sflag:s12] =	ssyncadd.s32 $0xFFFFF63C  }
0xa9: {  	_ =	sfence.sel $0x180000  }
0xaa: {  	[bflag:$0x0] =	sbarrier.arrive $0xFFFF  }
0xab: {  	_ =	strace $0x9000004D  }
0xac: {  	s0 =	stileid.u32;
	[bflag:$0x2] =	sbarrier.arrive $0xFFFF  }
0xad: {  	p0 =	sne.s32 s0, $0x0;
	s0 =	rddreg [dreg:$0x3]  }
0xae: {  	s0 =	sadd.s32 @!p0 $0x100000, s0  }
0xaf: {  	[sflag:s0] =	ssyncadd.tile.s32 @!p0 $0x1;
	_ =	shalt  }
.Lfunc_end2:
_tile_overlayer_lowered:
.L_overlay_start_2:
0xb0: {  	(tag) =	ssettag $0x2  }
0xb1: {  	s0 =	rddreg [dreg:$0x0];
	s2 =	stileid.u32  }
0xb2: {  	s1 =	rddreg [dreg:$0x1];
	p0 =	sne.s32 s2, $0x0  }
0xb3: {  	s3 =	rddreg [dreg:$0x2];
	[bflag:$0x3] =	sbarrier.arrive $0xFFFF;
	s2 =	simm.s32 @!p0 $0x1C09  }
0xb4: {  	[timem:s3], [sflag:s2] =	dma.local @!p0 [hbm:s0], s1  }
0xb5: {  	s0 =	simm.s32 @!p0 $0x9  }
0xb6: {  	_ =	swait.ge @!p0 [sflag:s0], s1  }
0xb7: {  	s1 =	ssub.s32 @!p0 $0x0, s1;
	[sflag:s0] =	ssyncset.done @!p0 $0x0  }
0xb8: {  	[sflag:s0] =	ssyncadd.s32 @!p0 s1  }
0xb9: {  	[bflag:$0x3] =	sbarrier.arrive $0xFFFF  }
0xba: {  	_ =	shalt  }

// kernel: kernel.8.cloned.1.call-start
scs
__scs_entry_jumppad:
0x0: {  	(pc) =	sbr.rel $0x88, $3  }
0x1: {  	(tag) =	ssettag $0x0;
	lr =	simm.s32 $0x1  }
0x2: {  	[smem:$0x3F9B] =	sst lr;
	_ =	strace $0xD0000000  }
0x3: {  	_ = 	snop  }
0x4: {  	_ = 	snop  }
0x5: {  	_ = 	snop  }
0x6: {  	_ = 	snop  }
0x7: {  	_ = 	snop  }
__scs_overlays_trampoline_lowered:
0x8: {  	[smem:$0x3FAA] =	sst s0  }
0x9: {  	[smem:$0x3FAB] =	sst s1  }
0xa: {  	[smem:$0x3FAC] =	sst s2  }
0xb: {  	[smem:$0x3FAD] =	sst s3  }
0xc: {  	[smem:$0x3FAE] =	sst s4  }
0xd: {  	[smem:$0x3FAF] =	sst s5  }
0xe: {  	[smem:$0x3FB0] =	sst s6  }
0xf: {  	[smem:$0x3FB1] =	sst s7  }
0x10: {  	[smem:$0x3FB2] =	sst s8  }
0x11: {  	[smem:$0x3FB3] =	sst s9;
	s0 =	simm.s32 @!p0 $0x0  }
0x12: {  	s1 =	sld [smem:$0x3F99];
	s0 =	simm.s32 @p0 $0x1  }
0x13: {  	[smem:$0x3FB4] =	sst s0;
	s0 =	simm.s32 @!p1 $0x0  }
0x14: {  	s2 =	sld [smem:$0x3F98];
	s0 =	simm.s32 @p1 $0x1  }
0x15: {  	[smem:$0x3FB5] =	sst s0;
	s0 =	simm.s32 @!p2 $0x0  }
0x16: {  	s3 =	sld [smem:$0x3FDB];
	s0 =	simm.s32 @p2 $0x1  }
0x17: {  	s4 =	simm.s32 $0x1BF5;
	[smem:$0x3FB7] =	sst s0  }
0x18: {  	s0 =	sld [smem:$0x3F9A];
	_ =	swait.ge [sflag:s4], $0x0  }
0x19: {  	s7 =	sld [smem:$0x3F9B]  }
0x1a: {  	s8 =	sadd.s32 $0xFFFFE003, lr  }
0x1b: {  	s9 =	sadd.s32 $0xFFFFFEF7, lr;
	s5 =	simm.s32 $0xFFFFFFFF;
	p2 =	slt.u32 s8, $0xFFFFF086  }
0x1c: {  	p1 =	slt.u32 s9, $0xF7A;
	s5 =	simm.s32 @!p2 $0x0  }
0x1d: {  	s5 =	simm.s32 @p1 $0x1;
	p0 =	seq.s32 s7, s2  }
0x1e: {  	s7 =	smul.u32 @!p0 $0xF7A, s2;
	p2 =	seq.s32 @!p0 s5, $0x0  }
0x1f: {  	s9 =	smul.u32 $0xF7A, s1;
	s8 =	simm.s32 @!p0 $0x1BF5;
	p2 =	por !p2, p0  }
0x20: {  	[sflag:s8] =	ssyncset.s32 @!p0 $0xFFFFF086;
	s6 =	sadd.s32 @!p0 s3, s7;
	s7 =	simm.s32 @!p0 $0x108  }
0x21: {  	s3 =	sadd.s32 s3, s9;
	s6 =	sadd.s32 @!p0 $0x88, s6;
	s7 =	simm.s32 @p2 $0x1082  }
0x22: {  	[simem:s7], [sflag:s8] =	dma.local @!p0 [hbm:s6], $0xF7A  }
0x23: {  	s9 =	sor.u32 $0xD0000000, s2;
	s6 =	simm.s32 $0x108;
	_ =	swait.ge @!p0 [sflag:s8], $0x0  }
0x24: {  	s3 =	sadd.s32 $0x88, s3;
	s6 =	simm.s32 @!p1 $0x1082;
	[sflag:s4] =	ssyncset.s32 $0xFFFFF086  }
0x25: {  	[simem:s6], [sflag:s4] =	dma.local [hbm:s3], $0xF7A  }
0x26: {  	[smem:$0x3F9B] =	sst s1;
	(tag) =	ssettag s2;
	_ =	strace s9  }
0x27: {  	s1 =	sld [smem:$0x3FAB]  }
0x28: {  	s2 =	sld [smem:$0x3FAC]  }
0x29: {  	s4 =	sld [smem:$0x3FAE]  }
0x2a: {  	p0 =	seq.s32 s5, $0x0;
	s5 =	sld [smem:$0x3FAF]  }
0x2b: {  	s6 =	sld [smem:$0x3FB0]  }
0x2c: {  	s7 =	sld [smem:$0x3FB1]  }
0x2d: {  	s3 =	simm.s32 $0x108;
	s8 =	sld [smem:$0x3FB2]  }
0x2e: {  	s3 =	simm.s32 @!p0 $0x1082;
	s9 =	sld [smem:$0x3FB3]  }
0x2f: {  	lr =	sadd.s32 s0, s3;
	s0 =	sld [smem:$0x3FAA]  }
0x30: {  	s3 =	sld [smem:$0x3FAD]  }
0x31: {  	[smem:$0x3FB6] =	sst s10  }
0x32: {  	s10 =	sld [smem:$0x3FB4];
	_ =	sdelay $0x3  }
0x33: {  	p0 =	seq.s32 s10, $0x1;
	s10 =	sld [smem:$0x3FB6];
	_ =	sdelay $0x3  }
0x34: {  	[smem:$0x3FB6] =	sst s10  }
0x35: {  	s10 =	sld [smem:$0x3FB5];
	_ =	sdelay $0x3  }
0x36: {  	p1 =	seq.s32 s10, $0x1;
	s10 =	sld [smem:$0x3FB6];
	_ =	sdelay $0x3  }
0x37: {  	[smem:$0x3FB6] =	sst s10  }
0x38: {  	s10 =	sld [smem:$0x3FB7]  }
0x39: {  	_ = 	snop;
	(pc) =	sbr.ind lr, $3  }
0x3a: {  	_ = 	snop  }
0x3b: {  	_ = 	snop  }
0x3c: {  	p2 =	seq.s32 s10, $0x1;
	s10 =	sld [smem:$0x3FB6]  }
0x3d: {  	_ =	shalt  }
0x3e: {  	_ =	shalt  }
0x3f: {  	_ =	shalt  }
0x40: {  	_ =	shalt  }
0x41: {  	_ =	shalt  }
0x42: {  	_ =	shalt  }
0x43: {  	_ =	shalt  }
0x44: {  	_ =	shalt  }
0x45: {  	_ =	shalt  }
0x46: {  	_ =	shalt  }
0x47: {  	_ =	shalt  }
0x48: {  	_ =	shalt  }
0x49: {  	_ =	shalt  }
0x4a: {  	_ =	shalt  }
0x4b: {  	_ =	shalt  }
0x4c: {  	_ =	shalt  }
0x4d: {  	_ =	shalt  }
0x4e: {  	_ =	shalt  }
0x4f: {  	_ =	shalt  }
0x50: {  	_ =	shalt  }
0x51: {  	_ =	shalt  }
0x52: {  	_ =	shalt  }
0x53: {  	_ =	shalt  }
0x54: {  	_ =	shalt  }
0x55: {  	_ =	shalt  }
0x56: {  	_ =	shalt  }
0x57: {  	_ =	shalt  }
0x58: {  	_ =	shalt  }
0x59: {  	_ =	shalt  }
0x5a: {  	_ =	shalt  }
0x5b: {  	_ =	shalt  }
0x5c: {  	_ =	shalt  }
0x5d: {  	_ =	shalt  }
0x5e: {  	_ =	shalt  }
0x5f: {  	_ =	shalt  }
0x60: {  	_ =	shalt  }
0x61: {  	_ =	shalt  }
0x62: {  	_ =	shalt  }
0x63: {  	_ =	shalt  }
0x64: {  	_ =	shalt  }
0x65: {  	_ =	shalt  }
0x66: {  	_ =	shalt  }
0x67: {  	_ =	shalt  }
0x68: {  	_ =	shalt  }
0x69: {  	_ =	shalt  }
0x6a: {  	_ =	shalt  }
0x6b: {  	_ =	shalt  }
0x6c: {  	_ =	shalt  }
0x6d: {  	_ =	shalt  }
0x6e: {  	_ =	shalt  }
0x6f: {  	_ =	shalt  }
0x70: {  	_ =	shalt  }
0x71: {  	_ =	shalt  }
0x72: {  	_ =	shalt  }
0x73: {  	_ =	shalt  }
0x74: {  	_ =	shalt  }
0x75: {  	_ =	shalt  }
0x76: {  	_ =	shalt  }
0x77: {  	_ =	shalt  }
0x78: {  	_ =	shalt  }
0x79: {  	_ =	shalt  }
0x7a: {  	_ =	shalt  }
0x7b: {  	_ =	shalt  }
0x7c: {  	_ =	shalt  }
0x7d: {  	_ =	shalt  }
0x7e: {  	_ =	shalt  }
0x7f: {  	_ =	shalt  }
0x80: {  	_ =	shalt  }
0x81: {  	_ =	shalt  }
0x82: {  	_ =	shalt  }
0x83: {  	_ =	shalt  }
0x84: {  	_ =	shalt  }
0x85: {  	_ =	shalt  }
0x86: {  	_ =	shalt  }
0x87: {  	_ =	shalt  }
.Lfunc_end0:
.L_simem_size_0:
called_computation_lowered:
.L_overlay_start_0:
0x88: {  	s2 =	sld [smem:$0x3FD9]  }
0x89: {  	s3 =	sld [smem:$0x3FFE];
	_ =	sdelay $0x1  }
0x8a: {  	s1 =	srdreg.scid  }
0x8b: {  	s0 =	sand.u32 $0x1, s1  }
0x8c: {  	s17 =	sshll.u32 s0, $0xA;
	s2 =	sadd.s32 s3, s2  }
0x8d: {  	s2 =	sadd.s32 s2, s17  }
0x8e: {  	[smem:$0x3FC2] =	sst s2  }
0x8f: {  	_ = 	snop  }
0x90: {  	s2 =	sld [smem:$0x3FD0];
	(tm) =	ssettm $0x1  }
0x91: {  	s18 =	sld [smem:$0x3FFB];
	_ =	sdelay $0x3  }
0x92: {  	_ =	strace s18  }
0x93: {  	s3 =	sld [smem:$0x3FFC];
	_ =	sdelay $0x3  }
0x94: {  	_ =	strace s3  }
0x95: {  	s3 =	sld [smem:$0x3FFD];
	_ =	sdelay $0x3  }
0x96: {  	_ =	strace s3  }
0x97: {  	_ =	strace $0x8FFFFFFF  }
0x98: {  	s19 =	sld [smem:$0x3FDB];
	_ =	sdelay $0x1  }
0x99: {  	s4 =	simm.s32 $_scs_section_size  }
0x9a: {  	s5 =	simm.s32 $_size__tile_overlayer_lowered;
	s6 =	simm.s32 $_tile_overlayer_lowered  }
0x9b: {  	s22 =	simm.s32 $0x1BFF;
	s21 =	sshll.u32 s6, $0x1;
	s3 =	sadd.s32 s4, s19  }
0x9c: {  	s7 =	simm.s32 $0x0;
	s20 =	sshll.u32 s5, $0x1;
	s5 =	sadd.s32 s21, s3  }
0x9d: {  	[timem:s7], [sflag:s22] =	dma.local [hbm:s5], s20  }
0x9e: {  	_ =	swait.ge [sflag:s22], s20  }
0x9f: {  	s4 =	ssub.s32 $0x0, s20;
	[sflag:s22] =	ssyncset.done $0x0  }
0xa0: {  	[sflag:s22] =	ssyncadd.s32 s4;
	_ =	sdelay $0x1  }
0xa1: {  	s23 =	simm.s32 $0x1B8B  }
0xa2: {  	_ =	swait.ge [sflag:s23], $0x1  }
0xa3: {  	[sflag:s23] =	ssyncset.done $0x0  }
0xa4: {  	s25 =	simm.s32 $0x1B8E;
	s24 =	sld [smem:$0x3FFE];
	[sflag:s23] =	ssyncadd.s32 $0xFFFFFFFF  }
0xa5: {  	s26 =	simm.s32 $execute0_lowered;
	[smem:$0x3FD2] =	sst s25  }
0xa6: {  	s5 =	sshll.u32 s26, $0x1;
	_ =	strace $0x80000046;
	[dreg:$0x1] =	wrdreg $0xFFFFFFFF  }
0xa7: {  	s28 =	simm.s32 $_size_execute0_lowered;
	s3 =	sadd.s32 s3, s5;
	[dreg:$0x0] =	wrdreg $0x0  }
0xa8: {  	s5 =	sshll.u32 s28, $0x1;
	[dreg:$0x2] =	wrdreg s3  }
0xa9: {  	[dreg:$0x3] =	wrdreg s5  }
0xaa: {  	[dreg:$0x4] =	wrdreg $0xC0  }
0xab: {  	_ =	task [dreg:s7], $0x5FFFF  }
0xac: {  	[dreg:$0x1] =	wrdreg $0xFFFFFFFF  }
0xad: {  	[dreg:$0x0] =	wrdreg $0x60  }
0xae: {  	[dreg:$0x2] =	wrdreg s24  }
0xaf: {  	[dreg:$0x3] =	wrdreg s2  }
0xb0: {  	[dreg:$0x4] =	wrdreg $0x9  }
0xb1: {  	_ =	task.clear_ibuf [dreg:s7], $0x5FFFF;
	_ =	strace $0x90000046  }
0xb2: {  	s29 =	simm.s32 $0x9;
	_ =	strace $0x80000048  }
0xb3: {  	_ =	swait.ge [sflag:s29], $0x1  }
0xb4: {  	[sflag:s29] =	ssyncadd.s32 $0xFFFFFFFF  }
0xb5: {  	_ =	strace $0x90000048  }
0xb6: {  	_ =	sfence  }
0xb7: {  	s30 =	sld [smem:$0x0];
	_ =	sdelay $0x2  }
0xb8: {  	s31 =	sshll.u32 s1, $0xD;
	s1 =	sshrl.u32 s1, $0x2  }
0xb9: {  	s3 =	sand.u32 $0x4000, s31;
	s1 =	sadd.s32 s1, s30  }
0xba: {  	s0 =	sor.u32 s3, s0;
	s1 =	sshll.u32 s1, $0x11  }
0xbb: {  	s0 =	sor.u32 s1, s0  }
0xbc: {  	s0 =	sadd.s32 $0x8F2B, s0  }
0xbd: {  	[sflag:s0] =	ssyncadd.remote.s32 $0x1  }
0xbe: {  	_ =	sfence.sel $0xFFFF  }
0xbf: {  	[dreg:$0x0] =	wrdreg $0xFFFFFFFF;
	(pc) =	sbr.abs _section_cstart, $3  }
0xc0: {  	[dreg:$0x1] =	wrdreg $0xFFFFFFFF  }
0xc1: {  	_ =	task.clear_ibuf [dreg:s7], $0x2FFFF;
	_ =	strace $0x9FFFFFFF  }
0xc2: {  	(tm) =	ssettm $0x7FFFFFFF  }
0xc3: {  	_ =	shalt  }
tec
execute0_lowered:
.L_overlay_start_1:
0x0: {  	(tag) =	ssettag $0x1  }
0x1: {  	s3 =	rddreg [dreg:$0x0]  }
0x2: {  	s1 =	srdreg.scid;
	s0 =	stileid.u32  }
0x3: {  	s4 =	rddreg [dreg:$0x1];
	s5 =	sand.u32 $0x1, s1;
	s2 =	sshll.u32 s0, $0x1  }
0x4: {  	s1 =	rddreg [dreg:$0x2];
	s6 =	sor.u32 s5, s2  }
0x5: {  	s2 =	simm.s32 $0x0;
	s5 =	ssub.s32 $0x2, s5;
	s7 =	smul.u32 $0x500, s6  }
0x6: {  	[smem:$0x7FF] =	sst s2;
	s8 =	sshrl.u32 s5, $0x1;
	s6 =	smul.u32 $0x4E2, s6  }
0x7: {  	_ =	strace $0x80000047;
	s5 =	ssub.s32 s5, s8;
	s8 =	simm.s32 $0x0  }
0x8: {  	s3 =	sadd.s32 s7, s3;
	s4 =	sadd.s32 s4, s6;
	s5 =	smax.u32 s5, $0x1  }
0x9: {  	v0 =	vimm.f32 $0.0e+00;
	v1 =	vimm.f32 $1.000000000e+00;
	s6 =	simm.s32 $0x1;
	s7 =	simm.s32 $0x2800;
	s3 =	sadd.s32 $0x1800, s3  }
.LBB2_1:
0xa: {  	[tilespmem:s2], [sflag:$0x1] =	stream.linear.gather [hbm4b:s3+s2], $0x2800, $0x38;
	[tilespmem:$0x4F20] =	vst v63  }
0xb: {  	_ =	swait.ge [sflag:s6], $0x2800  }
0xc: {  	[sflag:s6] =	ssyncset.done $0x0  }
0xd: {  	s9 =	simm.s32 $0x0;
	[sflag:s6] =	ssyncadd.s32 $0xFFFFD800  }
.LBB2_2:
0xe: {  	p0 =	sne.s32 s9, $0x9C40  }
.Ltmp0:
0xf: {  	_ = 	snop;
	(pc) =	sbr.rel @p0 .LBB2_2-.Ltmp0, $3  }
0x10: {  	_ =	sdelay $0x1  }
0x11: {  	s10 =	sshra.s32 s9, $0x2  }
0x12: {  	s9 =	sadd.s32 $0x40, s9;
	[tilespmem:s10+$0x2800] =	vst v0  }
0x13: {  	s10 =	simm.s32 $0x0;
	s9 =	simm.s32 $0x40  }
.LBB2_4:
0x14: {  	p0 =	sne.s32 s9, $0x9FC0;
	v2 =	vld [tilespmem:s10+$0x0];
	_ =	sdelay $0x3  }
.Ltmp1:
0x15: {  	(pc) =	sbr.rel @p0 .LBB2_4-.Ltmp1, $2  }
0x16: {  	_ =	sdelay $0x2  }
0x17: {  	s10 =	sshra.s32 s9, $0x2;
	s9 =	sadd.s32 $0x40, s9;
	[tilespmem:v2+s7+$0x0] =	vst.idx.add.f32.msk $0xffff, v1  }
0x18: {  	v2 =	vld [tilespmem:s10+$0x0];
	_ =	sdelay $0x5  }
0x19: {  	s8 =	sadd.s32 $0x1, s8  }
0x1a: {  	p0 =	sne.s32 s8, s5  }
.Ltmp2:
0x1b: {  	[tilespmem:v2+s7+$0x0] =	vst.idx.add.f32.msk $0xffff, v1;
	(pc) =	sbr.rel @p0 .LBB2_1-.Ltmp2, $4  }
0x1c: {  	[hbm4b:s4+s2] =	stream.linear.scatter [tilespmem:s7], [sflag:$0x1], $0x2710, $0x38;
	[tilespmem:$0x4F20] =	vst v63  }
0x1d: {  	_ =	swait.ge [sflag:s6], $0x2710  }
0x1e: {  	[sflag:s6] =	ssyncset.done $0x0  }
0x1f: {  	[sflag:s6] =	ssyncadd.s32 $0xFFFFD8F0  }
0x20: {  	_ =	sfence.sel $0x180000  }
0x21: {  	[bflag:$0x0] =	sbarrier.arrive $0xFFFF  }
0x22: {  	p0 =	sne.s32 s0, $0x0;
	_ =	strace $0x90000047  }
0x23: {  	s0 =	sadd.s32 @!p0 $0x100000, s1;
	[bflag:$0x2] =	sbarrier.arrive $0xFFFF  }
0x24: {  	[sflag:s0] =	ssyncadd.tile.s32 @!p0 $0x1;
	_ =	shalt  }
.Lfunc_end2:
_tile_overlayer_lowered:
.L_overlay_start_2:
0x25: {  	(tag) =	ssettag $0x2  }
0x26: {  	s0 =	rddreg [dreg:$0x0];
	s2 =	stileid.u32  }
0x27: {  	s1 =	rddreg [dreg:$0x1];
	p0 =	sne.s32 s2, $0x0  }
0x28: {  	s3 =	rddreg [dreg:$0x2];
	[bflag:$0x3] =	sbarrier.arrive $0xFFFF;
	s2 =	simm.s32 @!p0 $0x1C01  }
0x29: {  	[timem:s3], [sflag:s2] =	dma.local @!p0 [hbm:s0], s1  }
0x2a: {  	s0 =	simm.s32 @!p0 $0x1  }
0x2b: {  	_ =	swait.ge @!p0 [sflag:s0], s1  }
0x2c: {  	s1 =	ssub.s32 @!p0 $0x0, s1;
	[sflag:s0] =	ssyncset.done @!p0 $0x0  }
0x2d: {  	[sflag:s0] =	ssyncadd.s32 @!p0 s1  }
0x2e: {  	[bflag:$0x3] =	sbarrier.arrive $0xFFFF  }
0x2f: {  	_ =	shalt  }

</sc_bundles>
